<compile_context>
chip_gen: v7x
topology: tpu7x:2x2x1
jax: 0.10.2.dev20260603
libtpu: 0.0.44.dev20260713+nightly
codegen_flags: <defaults>
</compile_context>

<pallas_src>
import functools

import jax
import jax.numpy as jnp
from jax import lax
from jax.experimental import pallas as pl
from jax.experimental.pallas import tpu as pltpu
from jax.experimental.pallas import tpu_sc as plsc

N = 50000
E = 800000
SD = 64
MC = 64
H = 32
HH = 16

NC = 2
NS = 16
BATCH = 128
NROWS = E // BATCH
RMAX = 391
NBUF = 10
SROWS = 10
NST = 39
NIB = 3
ACC_ROWS = 50176
ZCH = 98
ROWS_PER_TILE = 32 * ZCH
COPY_LAST = N - 15 * ROWS_PER_TILE


def _sc_segment_sum(y2, ei3):
    mesh = plsc.VectorSubcoreMesh(core_axis_name="c", subcore_axis_name="s")

    @functools.partial(
        pl.kernel,
        out_type=jax.ShapeDtypeStruct((NC, N, 128), jnp.float32),
        mesh=mesh,
        compiler_params=pltpu.CompilerParams(use_tc_tiling_on_sc=False),
        scratch_types=[
            [pltpu.VMEM((SROWS, BATCH), jnp.int32)] * NIB,
            [pltpu.VMEM((SROWS, BATCH), jnp.int32)] * NIB,
            [pltpu.VMEM((BATCH, HH), jnp.float32)] * NBUF,
            pltpu.VMEM((ZCH, HH), jnp.float32),
            pltpu.VMEM_SHARED((ACC_ROWS, HH), jnp.float32),
            [pltpu.SemaphoreType.DMA] * NBUF,
            [pltpu.SemaphoreType.DMA] * NBUF,
            [pltpu.SemaphoreType.DMA] * NIB,
            [pltpu.SemaphoreType.DMA] * NIB,
        ],
    )
    def k(y_hbm, ei_hbm, out_hbm,
          src_vs, dst_vs, rbufs, zblk, acc, gsems, ssems, sisems, disems):
        c = lax.axis_index("c")
        s = lax.axis_index("s")
        y_half = y_hbm.at[c]
        base = s * RMAX - jnp.maximum(s - 10, 0)

        def zero_row(i, carry):
            zblk[i, pl.ds(0, HH)] = jnp.zeros((HH,), jnp.float32)
            return carry

        lax.fori_loop(0, ZCH, zero_row, 0)

        def zero_chunk(j, carry):
            pltpu.sync_copy(zblk, acc.at[pl.ds(s * ROWS_PER_TILE + j * ZCH, ZCH)])
            return carry

        lax.fori_loop(0, ROWS_PER_TILE // ZCH, zero_chunk, 0)
        plsc.subcore_barrier()

        def issue_idx(k_stage, m):
            row0 = base + k_stage * SROWS
            pltpu.async_copy(ei_hbm.at[0, pl.ds(row0, SROWS)], src_vs[m],
                             sisems[m])
            pltpu.async_copy(ei_hbm.at[1, pl.ds(row0, SROWS)], dst_vs[m],
                             disems[m])

        def wait_idx(k_stage, m):
            row0 = base + k_stage * SROWS
            pltpu.make_async_copy(ei_hbm.at[0, pl.ds(row0, SROWS)], src_vs[m],
                                  sisems[m]).wait()
            pltpu.make_async_copy(ei_hbm.at[1, pl.ds(row0, SROWS)], dst_vs[m],
                                  disems[m]).wait()

        for m in range(NIB):
            issue_idx(m, m)

        def outer(i, carry):
            for m in range(NIB):
                k_stage = NIB * i + m
                wait_idx(k_stage, m)
                gh = []
                for j in range(NBUF):
                    gh.append(pltpu.async_copy(
                        y_half.at[src_vs[m].at[j]], rbufs[j], gsems[j]))
                sh = []
                for j in range(NBUF):
                    gh[j].wait()
                    sh.append(pltpu.async_copy(
                        rbufs[j], acc.at[dst_vs[m].at[j]], ssems[j],
                        add=True))
                for j in range(NBUF):
                    sh[j].wait()

                @pl.when(k_stage + NIB < NST)
                def _():
                    issue_idx(k_stage + NIB, m)
            return carry

        lax.fori_loop(0, NST // NIB, outer, 0)

        @pl.when(s < 10)
        def _():
            pltpu.sync_copy(ei_hbm.at[0, pl.ds(base + NST * SROWS, 1)],
                            src_vs[0].at[pl.ds(0, 1)])
            pltpu.sync_copy(ei_hbm.at[1, pl.ds(base + NST * SROWS, 1)],
                            dst_vs[0].at[pl.ds(0, 1)])
            pltpu.async_copy(y_half.at[src_vs[0].at[0]], rbufs[0],
                             gsems[0]).wait()
            pltpu.async_copy(rbufs[0], acc.at[dst_vs[0].at[0]], ssems[0],
                             add=True).wait()

        plsc.subcore_barrier()

        out_c = out_hbm.at[c]

        @pl.when(s < 15)
        def _():
            pltpu.sync_copy(
                acc.at[pl.ds(s * ROWS_PER_TILE, ROWS_PER_TILE)],
                out_c.at[pl.ds(s * ROWS_PER_TILE, ROWS_PER_TILE), pl.ds(0, HH)])

        @pl.when(s == 15)
        def _():
            pltpu.sync_copy(
                acc.at[pl.ds(15 * ROWS_PER_TILE, COPY_LAST)],
                out_c.at[pl.ds(15 * ROWS_PER_TILE, COPY_LAST), pl.ds(0, HH)])

    return k(y2, ei3)


_ROW_BLK = 5000


def _tc_pre(x, W_msg, b_msg, W1):

    def body(x_ref, wm_ref, bm_ref, w1_ref, y2_ref):
        xb = x_ref[...]
        w1b = w1_ref[SD:, :]
        wt = jnp.dot(wm_ref[...], w1b, preferred_element_type=jnp.float32)
        cvec = jnp.dot(bm_ref[...], w1b, preferred_element_type=jnp.float32)
        yb = jnp.dot(xb, wt, preferred_element_type=jnp.float32) + cvec
        y2_ref[0] = yb[:, :HH]
        y2_ref[1] = yb[:, HH:]

    grid = N // _ROW_BLK
    return pl.pallas_call(
        body,
        grid=(grid,),
        in_specs=[
            pl.BlockSpec((_ROW_BLK, SD), lambda i: (i, 0)),
            pl.BlockSpec((MC, MC), lambda i: (0, 0)),
            pl.BlockSpec((1, MC), lambda i: (0, 0)),
            pl.BlockSpec((SD + MC, H), lambda i: (0, 0)),
        ],
        out_specs=pl.BlockSpec((NC, _ROW_BLK, HH), lambda i: (0, i, 0)),
        out_shape=jax.ShapeDtypeStruct((NC, N, HH), jnp.float32),
    )(x, W_msg, b_msg.reshape(1, MC), W1)


def _tc_post(x, s2p, W1, b1, W2, b2, W3, b3):

    def body(x_ref, s2_ref, w1_ref, b1_ref, w2_ref, b2_ref, w3_ref, b3_ref,
             o_ref):
        xb = x_ref[...]
        z = jnp.dot(xb, w1_ref[:SD, :], preferred_element_type=jnp.float32)
        s_full = jnp.concatenate(
            [s2_ref[0][:, :HH], s2_ref[1][:, :HH]], axis=1)
        h1 = jnp.maximum(z + b1_ref[...] + s_full, 0.0)
        h2 = jnp.dot(h1, w2_ref[...], preferred_element_type=jnp.float32)
        h2 = jnp.maximum(h2 + b2_ref[...], 0.0)
        o_ref[...] = jnp.dot(h2, w3_ref[...], preferred_element_type=jnp.float32) + b3_ref[...]

    grid = N // _ROW_BLK
    return pl.pallas_call(
        body,
        grid=(grid,),
        in_specs=[
            pl.BlockSpec((_ROW_BLK, SD), lambda i: (i, 0)),
            pl.BlockSpec((NC, _ROW_BLK, 128), lambda i: (0, i, 0)),
            pl.BlockSpec((SD + MC, H), lambda i: (0, 0)),
            pl.BlockSpec((1, H), lambda i: (0, 0)),
            pl.BlockSpec((H, H), lambda i: (0, 0)),
            pl.BlockSpec((1, H), lambda i: (0, 0)),
            pl.BlockSpec((H, SD), lambda i: (0, 0)),
            pl.BlockSpec((1, SD), lambda i: (0, 0)),
        ],
        out_specs=pl.BlockSpec((_ROW_BLK, SD), lambda i: (i, 0)),
        out_shape=jax.ShapeDtypeStruct((N, SD), jnp.float32),
    )(x, s2p, W1, b1.reshape(1, H), W2, b2.reshape(1, H), W3,
      b3.reshape(1, SD))


def kernel(x, edge_index, W_msg, b_msg, W1, b1, W2, b2, W3, b3):
    ei3 = edge_index.reshape(2, NROWS, BATCH)
    y2 = _tc_pre(x, W_msg, b_msg, W1)
    s2p = _sc_segment_sum(y2, ei3)
    return _tc_post(x, s2p, W1, b1, W2, b2, W3, b3)

# --- scband reference (transcript-rebuilt; emitter-appended) ---
"""Pipeline reference for scband-particle-17446157157101 (READ-ONLY COPY).

The authoritative reference and input builder live on the scoring server;
editing this copy changes nothing except your own understanding.
"""

import jax, jax.numpy as jnp
import numpy as np

N = 50000
E = 800000
SD = 64   # state_dim = N_spatial_dim + 2*N_polarizations + hidden_dim = 3 + 4 + 57
MC = 64   # message_out_channels
H = 32    # MLP hidden_channels


def setup_inputs(seed: int = 0) -> dict:
    key = jax.random.key(seed)
    ks = jax.random.split(key, 12)
    x = jax.random.normal(ks[0], (N, SD), dtype=jnp.float32)
    edge_index = jax.random.randint(ks[1], (2, E), 0, N, dtype=jnp.int32)
    # CustomNNConv message weights (state_dim -> message_out_channels)
    W_msg = jax.random.normal(ks[2], (SD, MC), dtype=jnp.float32) * 0.1
    b_msg = jnp.zeros((MC,), dtype=jnp.float32)
    # own_state_nn MLP: (SD + MC) -> 32 -> 32 -> SD, 3 layers
    W1 = jax.random.normal(ks[3], (SD + MC, H), dtype=jnp.float32) * 0.1
    b1 = jnp.zeros((H,), dtype=jnp.float32)
    W2 = jax.random.normal(ks[4], (H, H), dtype=jnp.float32) * 0.1
    b2 = jnp.zeros((H,), dtype=jnp.float32)
    W3 = jax.random.normal(ks[5], (H, SD), dtype=jnp.float32) * 0.1
    b3 = jnp.zeros((SD,), dtype=jnp.float32)
    return {"x": x, "edge_index": edge_index, "W_msg": W_msg, "b_msg": b_msg,
            "W1": W1, "b1": b1, "W2": W2, "b2": b2, "W3": W3, "b3": b3}


def reference(x, edge_index, W_msg, b_msg, W1, b1, W2, b2, W3, b3):
    src = edge_index[0]
    dst = edge_index[1]
    # CustomNNConv: per-edge message from source node state, scatter-add to dst
    msg = x[src] @ W_msg + b_msg                    # gather + edgewise transform
    messages = jax.ops.segment_sum(msg, dst, num_segments=N)  # scatter-add
    # combined = cat([x, messages], dim=-1)
    combined = jnp.concatenate([x, messages], axis=-1)
    # own_state_nn: 3-layer MLP with ReLU
    h = jax.nn.relu(combined @ W1 + b1)
    h = jax.nn.relu(h @ W2 + b2)
    new_state = h @ W3 + b3
    return new_state

if __name__ == "__main__":
    import jax
    _d = setup_inputs()
    print(jax.jit(kernel)(*tuple(_d.values())))

</pallas_src>

<mosaic_0001>
#map = affine_map<(d0, d1) -> (0, 0, 0)>
module attributes {stable_mosaic.version = 14 : i64} {
  func.func @k(%arg0: i32, %arg1: i32, %arg2: memref<2x50000x16xf32, #tpu.memory_space<hbm>>, %arg3: memref<2x6250x128xi32, #tpu.memory_space<hbm>>, %arg4: memref<2x50000x128xf32, #tpu.memory_space<hbm>>, %arg5: memref<10x128xi32, #tpu.memory_space<vmem>>, %arg6: memref<10x128xi32, #tpu.memory_space<vmem>>, %arg7: memref<10x128xi32, #tpu.memory_space<vmem>>, %arg8: memref<10x128xi32, #tpu.memory_space<vmem>>, %arg9: memref<10x128xi32, #tpu.memory_space<vmem>>, %arg10: memref<10x128xi32, #tpu.memory_space<vmem>>, %arg11: memref<128x16xf32, #tpu.memory_space<vmem>>, %arg12: memref<128x16xf32, #tpu.memory_space<vmem>>, %arg13: memref<128x16xf32, #tpu.memory_space<vmem>>, %arg14: memref<128x16xf32, #tpu.memory_space<vmem>>, %arg15: memref<128x16xf32, #tpu.memory_space<vmem>>, %arg16: memref<128x16xf32, #tpu.memory_space<vmem>>, %arg17: memref<128x16xf32, #tpu.memory_space<vmem>>, %arg18: memref<128x16xf32, #tpu.memory_space<vmem>>, %arg19: memref<128x16xf32, #tpu.memory_space<vmem>>, %arg20: memref<128x16xf32, #tpu.memory_space<vmem>>, %arg21: memref<98x16xf32, #tpu.memory_space<vmem>>, %arg22: memref<50176x16xf32, #tpu.memory_space<vmem_shared>>, %arg23: memref<!tpu.dma_semaphore, #tpu.memory_space<semaphore_mem>>, %arg24: memref<!tpu.dma_semaphore, #tpu.memory_space<semaphore_mem>>, %arg25: memref<!tpu.dma_semaphore, #tpu.memory_space<semaphore_mem>>, %arg26: memref<!tpu.dma_semaphore, #tpu.memory_space<semaphore_mem>>, %arg27: memref<!tpu.dma_semaphore, #tpu.memory_space<semaphore_mem>>, %arg28: memref<!tpu.dma_semaphore, #tpu.memory_space<semaphore_mem>>, %arg29: memref<!tpu.dma_semaphore, #tpu.memory_space<semaphore_mem>>, %arg30: memref<!tpu.dma_semaphore, #tpu.memory_space<semaphore_mem>>, %arg31: memref<!tpu.dma_semaphore, #tpu.memory_space<semaphore_mem>>, %arg32: memref<!tpu.dma_semaphore, #tpu.memory_space<semaphore_mem>>, %arg33: memref<!tpu.dma_semaphore, #tpu.memory_space<semaphore_mem>>, %arg34: memref<!tpu.dma_semaphore, #tpu.memory_space<semaphore_mem>>, %arg35: memref<!tpu.dma_semaphore, #tpu.memory_space<semaphore_mem>>, %arg36: memref<!tpu.dma_semaphore, #tpu.memory_space<semaphore_mem>>, %arg37: memref<!tpu.dma_semaphore, #tpu.memory_space<semaphore_mem>>, %arg38: memref<!tpu.dma_semaphore, #tpu.memory_space<semaphore_mem>>, %arg39: memref<!tpu.dma_semaphore, #tpu.memory_space<semaphore_mem>>, %arg40: memref<!tpu.dma_semaphore, #tpu.memory_space<semaphore_mem>>, %arg41: memref<!tpu.dma_semaphore, #tpu.memory_space<semaphore_mem>>, %arg42: memref<!tpu.dma_semaphore, #tpu.memory_space<semaphore_mem>>, %arg43: memref<!tpu.dma_semaphore, #tpu.memory_space<semaphore_mem>>, %arg44: memref<!tpu.dma_semaphore, #tpu.memory_space<semaphore_mem>>, %arg45: memref<!tpu.dma_semaphore, #tpu.memory_space<semaphore_mem>>, %arg46: memref<!tpu.dma_semaphore, #tpu.memory_space<semaphore_mem>>, %arg47: memref<!tpu.dma_semaphore, #tpu.memory_space<semaphore_mem>>, %arg48: memref<!tpu.dma_semaphore, #tpu.memory_space<semaphore_mem>>) attributes {dimension_semantics = [#tpu.dimension_semantics<core_parallel>, #tpu.dimension_semantics<subcore_parallel>], iteration_bounds = array<i64: 2, 16>, scalar_prefetch = 0 : i64, scratch_operands = 44 : i64, tpu.core_type = #tpu.core_type<sc_vector_subcore>, window_params = [{transform_indices = #map}, {transform_indices = #map}, {transform_indices = #map}]} {
    %mul3A = arith.constant 391 : i32
    %mul3A_0 = arith.muli %arg1, %mul3A : i32
    %sub3A = arith.constant 10 : i32
    %sub3A_1 = arith.subi %arg1, %sub3A : i32
    %max3A = arith.constant 0 : i32
    %max3A_2 = arith.maxsi %sub3A_1, %max3A : i32
    %sub3A_3 = arith.subi %mul3A_0, %max3A_2 : i32
    %scan3A = arith.constant 0 : i32
    %scan3A_4 = arith.constant 0 : i32
    %scan3A_5 = arith.constant 98 : i32
    %scan3A_6 = arith.addi %scan3A_4, %scan3A_5 : i32
    %scan3A_7 = arith.constant 1 : i32
    scf.for %scan3A_79 = %scan3A_4 to %scan3A_6 step %scan3A_7  : i32 {
      %broadcast_in_dim3A = arith.constant 0.000000e+00 : f32
      %broadcast_in_dim3A_80 = vector.broadcast %broadcast_in_dim3A : f32 to vector<16xf32>
      %swap3A = arith.index_cast %scan3A_79 : i32 to index
      %swap3A_81 = arith.constant 0 : index
      %swap3A_82 = tpu.vector_load %arg21[%swap3A, %swap3A_81] {strides = array<i32>} : memref<98x16xf32, #tpu.memory_space<vmem>>, vector<1x16xf32>,
      %swap3A_83 = vector.shape_cast %swap3A_82 : vector<1x16xf32> to vector<16xf32>
      %swap3A_84 = vector.shape_cast %broadcast_in_dim3A_80 : vector<16xf32> to vector<1x16xf32>
      tpu.vector_store %arg21[%swap3A, %swap3A_81], %swap3A_84 {strides = array<i32>} : memref<98x16xf32, #tpu.memory_space<vmem>>, vector<1x16xf32>,
    }
    %scan3A_8 = arith.constant 98 : i32
    %scan3A_9 = arith.constant 0 : i32
    %scan3A_10 = arith.constant 0 : i32
    %scan3A_11 = arith.constant 32 : i32
    %scan3A_12 = arith.addi %scan3A_10, %scan3A_11 : i32
    %scan3A_13 = arith.constant 1 : i32
    scf.for %scan3A_79 = %scan3A_10 to %scan3A_12 step %scan3A_13  : i32 {
      %mul3A_80 = arith.constant 3136 : i32
      %mul3A_81 = arith.muli %arg1, %mul3A_80 : i32
      %mul3A_82 = arith.constant 98 : i32
      %mul3A_83 = arith.muli %scan3A_79, %mul3A_82 : i32
      %add3A_84 = arith.addi %mul3A_81, %mul3A_83 : i32
      "tpu.region"() ({
        %run_scoped3A = tpu.sem_alloc : memref<!tpu.dma_semaphore, #tpu.memory_space<semaphore_mem>>
        %dma_start3A_85 = arith.constant 0 : i32
        %dma_start3A_86 = tpu.memref_slice %arg22[%add3A_84, %dma_start3A_85] : memref<50176x16xf32, #tpu.memory_space<vmem_shared>> -> memref<98x16xf32, #tpu.memory_space<vmem_shared>>
        %dma_start3A_87 = arith.constant 0 : i32
        %dma_start3A_88 = tpu.memref_slice %arg22[%add3A_84, %dma_start3A_87] : memref<50176x16xf32, #tpu.memory_space<vmem_shared>> -> memref<98x16xf32, #tpu.memory_space<vmem_shared>>
        tpu.enqueue_dma source(%arg21 : memref<98x16xf32, #tpu.memory_space<vmem>>) target(%dma_start3A_88 : memref<98x16xf32, #tpu.memory_space<vmem_shared>>) target_semaphore(%run_scoped3A : memref<!tpu.dma_semaphore, #tpu.memory_space<semaphore_mem>>)
        %dma_wait3A = arith.constant 0 : i32
        %dma_wait3A_89 = tpu.memref_slice %arg22[%add3A_84, %dma_wait3A] : memref<50176x16xf32, #tpu.memory_space<vmem_shared>> -> memref<98x16xf32, #tpu.memory_space<vmem_shared>>
        %dma_wait3A_90 = arith.constant 0 : i32
        %dma_wait3A_91 = tpu.memref_slice %arg22[%add3A_84, %dma_wait3A_90] : memref<50176x16xf32, #tpu.memory_space<vmem_shared>> -> memref<98x16xf32, #tpu.memory_space<vmem_shared>>
        tpu.wait_dma2 semaphore(%run_scoped3A : memref<!tpu.dma_semaphore, #tpu.memory_space<semaphore_mem>>) src(%arg21 : memref<98x16xf32, #tpu.memory_space<vmem>>) dst(%dma_wait3A_91 : memref<98x16xf32, #tpu.memory_space<vmem_shared>>)
        tpu.yield
      }) : () -> ()
    }
    %scan3A_14 = arith.constant 32 : i32
    %barrier3A = arith.constant 0 : index
    tpu.barrier barrier_id(%barrier3A)
    %add3A = arith.constant 0 : i32
    %add3A_15 = arith.addi %sub3A_3, %add3A : i32
    %dma_start3A = arith.constant 0 : i32
    %dma_start3A_16 = arith.constant 0 : i32
    %dma_start3A_17 = tpu.memref_slice %arg3[%dma_start3A, %add3A_15, %dma_start3A_16] : memref<2x6250x128xi32, #tpu.memory_space<hbm>> -> memref<1x10x128xi32, #tpu.memory_space<hbm>>
    %dma_start3A_18 = tpu.memref_squeeze %dma_start3A_17 : memref<1x10x128xi32, #tpu.memory_space<hbm>> -> memref<10x128xi32, #tpu.memory_space<hbm>>
    %dma_start3A_19 = arith.constant 0 : i32
    %dma_start3A_20 = tpu.memref_slice %arg3[%dma_start3A, %add3A_15, %dma_start3A_19] : memref<2x6250x128xi32, #tpu.memory_space<hbm>> -> memref<1x10x128xi32, #tpu.memory_space<hbm>>
    %dma_start3A_21 = tpu.memref_squeeze %dma_start3A_20 : memref<1x10x128xi32, #tpu.memory_space<hbm>> -> memref<10x128xi32, #tpu.memory_space<hbm>>
    tpu.enqueue_dma source(%dma_start3A_21 : memref<10x128xi32, #tpu.memory_space<hbm>>) target(%arg5 : memref<10x128xi32, #tpu.memory_space<vmem>>) target_semaphore(%arg43 : memref<!tpu.dma_semaphore, #tpu.memory_space<semaphore_mem>>)
    %dma_start3A_22 = arith.constant 1 : i32
    %dma_start3A_23 = arith.constant 0 : i32
    %dma_start3A_24 = tpu.memref_slice %arg3[%dma_start3A_22, %add3A_15, %dma_start3A_23] : memref<2x6250x128xi32, #tpu.memory_space<hbm>> -> memref<1x10x128xi32, #tpu.memory_space<hbm>>
    %dma_start3A_25 = tpu.memref_squeeze %dma_start3A_24 : memref<1x10x128xi32, #tpu.memory_space<hbm>> -> memref<10x128xi32, #tpu.memory_space<hbm>>
    %dma_start3A_26 = arith.constant 0 : i32
    %dma_start3A_27 = tpu.memref_slice %arg3[%dma_start3A_22, %add3A_15, %dma_start3A_26] : memref<2x6250x128xi32, #tpu.memory_space<hbm>> -> memref<1x10x128xi32, #tpu.memory_space<hbm>>
    %dma_start3A_28 = tpu.memref_squeeze %dma_start3A_27 : memref<1x10x128xi32, #tpu.memory_space<hbm>> -> memref<10x128xi32, #tpu.memory_space<hbm>>
    tpu.enqueue_dma source(%dma_start3A_28 : memref<10x128xi32, #tpu.memory_space<hbm>>) target(%arg8 : memref<10x128xi32, #tpu.memory_space<vmem>>) target_semaphore(%arg46 : memref<!tpu.dma_semaphore, #tpu.memory_space<semaphore_mem>>)
    %add3A_29 = arith.constant 10 : i32
    %add3A_30 = arith.addi %sub3A_3, %add3A_29 : i32
    %dma_start3A_31 = arith.constant 0 : i32
    %dma_start3A_32 = arith.constant 0 : i32
    %dma_start3A_33 = tpu.memref_slice %arg3[%dma_start3A_31, %add3A_30, %dma_start3A_32] : memref<2x6250x128xi32, #tpu.memory_space<hbm>> -> memref<1x10x128xi32, #tpu.memory_space<hbm>>
    %dma_start3A_34 = tpu.memref_squeeze %dma_start3A_33 : memref<1x10x128xi32, #tpu.memory_space<hbm>> -> memref<10x128xi32, #tpu.memory_space<hbm>>
    %dma_start3A_35 = arith.constant 0 : i32
    %dma_start3A_36 = tpu.memref_slice %arg3[%dma_start3A_31, %add3A_30, %dma_start3A_35] : memref<2x6250x128xi32, #tpu.memory_space<hbm>> -> memref<1x10x128xi32, #tpu.memory_space<hbm>>
    %dma_start3A_37 = tpu.memref_squeeze %dma_start3A_36 : memref<1x10x128xi32, #tpu.memory_space<hbm>> -> memref<10x128xi32, #tpu.memory_space<hbm>>
    tpu.enqueue_dma source(%dma_start3A_37 : memref<10x128xi32, #tpu.memory_space<hbm>>) target(%arg6 : memref<10x128xi32, #tpu.memory_space<vmem>>) target_semaphore(%arg44 : memref<!tpu.dma_semaphore, #tpu.memory_space<semaphore_mem>>)
    %dma_start3A_38 = arith.constant 1 : i32
    %dma_start3A_39 = arith.constant 0 : i32
    %dma_start3A_40 = tpu.memref_slice %arg3[%dma_start3A_38, %add3A_30, %dma_start3A_39] : memref<2x6250x128xi32, #tpu.memory_space<hbm>> -> memref<1x10x128xi32, #tpu.memory_space<hbm>>
    %dma_start3A_41 = tpu.memref_squeeze %dma_start3A_40 : memref<1x10x128xi32, #tpu.memory_space<hbm>> -> memref<10x128xi32, #tpu.memory_space<hbm>>
    %dma_start3A_42 = arith.constant 0 : i32
    %dma_start3A_43 = tpu.memref_slice %arg3[%dma_start3A_38, %add3A_30, %dma_start3A_42] : memref<2x6250x128xi32, #tpu.memory_space<hbm>> -> memref<1x10x128xi32, #tpu.memory_space<hbm>>
    %dma_start3A_44 = tpu.memref_squeeze %dma_start3A_43 : memref<1x10x128xi32, #tpu.memory_space<hbm>> -> memref<10x128xi32, #tpu.memory_space<hbm>>
    tpu.enqueue_dma source(%dma_start3A_44 : memref<10x128xi32, #tpu.memory_space<hbm>>) target(%arg9 : memref<10x128xi32, #tpu.memory_space<vmem>>) target_semaphore(%arg47 : memref<!tpu.dma_semaphore, #tpu.memory_space<semaphore_mem>>)
    %add3A_45 = arith.constant 20 : i32
    %add3A_46 = arith.addi %sub3A_3, %add3A_45 : i32
    %dma_start3A_47 = arith.constant 0 : i32
    %dma_start3A_48 = arith.constant 0 : i32
    %dma_start3A_49 = tpu.memref_slice %arg3[%dma_start3A_47, %add3A_46, %dma_start3A_48] : memref<2x6250x128xi32, #tpu.memory_space<hbm>> -> memref<1x10x128xi32, #tpu.memory_space<hbm>>
    %dma_start3A_50 = tpu.memref_squeeze %dma_start3A_49 : memref<1x10x128xi32, #tpu.memory_space<hbm>> -> memref<10x128xi32, #tpu.memory_space<hbm>>
    %dma_start3A_51 = arith.constant 0 : i32
    %dma_start3A_52 = tpu.memref_slice %arg3[%dma_start3A_47, %add3A_46, %dma_start3A_51] : memref<2x6250x128xi32, #tpu.memory_space<hbm>> -> memref<1x10x128xi32, #tpu.memory_space<hbm>>
    %dma_start3A_53 = tpu.memref_squeeze %dma_start3A_52 : memref<1x10x128xi32, #tpu.memory_space<hbm>> -> memref<10x128xi32, #tpu.memory_space<hbm>>
    tpu.enqueue_dma source(%dma_start3A_53 : memref<10x128xi32, #tpu.memory_space<hbm>>) target(%arg7 : memref<10x128xi32, #tpu.memory_space<vmem>>) target_semaphore(%arg45 : memref<!tpu.dma_semaphore, #tpu.memory_space<semaphore_mem>>)
    %dma_start3A_54 = arith.constant 1 : i32
    %dma_start3A_55 = arith.constant 0 : i32
    %dma_start3A_56 = tpu.memref_slice %arg3[%dma_start3A_54, %add3A_46, %dma_start3A_55] : memref<2x6250x128xi32, #tpu.memory_space<hbm>> -> memref<1x10x128xi32, #tpu.memory_space<hbm>>
    %dma_start3A_57 = tpu.memref_squeeze %dma_start3A_56 : memref<1x10x128xi32, #tpu.memory_space<hbm>> -> memref<10x128xi32, #tpu.memory_space<hbm>>
    %dma_start3A_58 = arith.constant 0 : i32
    %dma_start3A_59 = tpu.memref_slice %arg3[%dma_start3A_54, %add3A_46, %dma_start3A_58] : memref<2x6250x128xi32, #tpu.memory_space<hbm>> -> memref<1x10x128xi32, #tpu.memory_space<hbm>>
    %dma_start3A_60 = tpu.memref_squeeze %dma_start3A_59 : memref<1x10x128xi32, #tpu.memory_space<hbm>> -> memref<10x128xi32, #tpu.memory_space<hbm>>
    tpu.enqueue_dma source(%dma_start3A_60 : memref<10x128xi32, #tpu.memory_space<hbm>>) target(%arg10 : memref<10x128xi32, #tpu.memory_space<vmem>>) target_semaphore(%arg48 : memref<!tpu.dma_semaphore, #tpu.memory_space<semaphore_mem>>)
    %scan3A_61 = arith.constant 0 : i32
    %scan3A_62 = arith.constant 0 : i32
    %scan3A_63 = arith.constant 13 : i32
    %scan3A_64 = arith.addi %scan3A_62, %scan3A_63 : i32
    %scan3A_65 = arith.constant 1 : i32
    scf.for %scan3A_79 = %scan3A_62 to %scan3A_64 step %scan3A_65  : i32 {
      %mul3A_80 = arith.constant 3 : i32
      %mul3A_81 = arith.muli %mul3A_80, %scan3A_79 : i32
      %add3A_82 = arith.constant 0 : i32
      %add3A_83 = arith.addi %mul3A_81, %add3A_82 : i32
      %mul3A_84 = arith.constant 10 : i32
      %mul3A_85 = arith.muli %add3A_83, %mul3A_84 : i32
      %add3A_86 = arith.addi %sub3A_3, %mul3A_85 : i32
      %dma_wait3A = arith.constant 0 : i32
      %dma_wait3A_87 = arith.constant 0 : i32
      %dma_wait3A_88 = tpu.memref_slice %arg3[%dma_wait3A, %add3A_86, %dma_wait3A_87] : memref<2x6250x128xi32, #tpu.memory_space<hbm>> -> memref<1x10x128xi32, #tpu.memory_space<hbm>>
      %dma_wait3A_89 = tpu.memref_squeeze %dma_wait3A_88 : memref<1x10x128xi32, #tpu.memory_space<hbm>> -> memref<10x128xi32, #tpu.memory_space<hbm>>
      %dma_wait3A_90 = arith.constant 0 : i32
      %dma_wait3A_91 = tpu.memref_slice %arg3[%dma_wait3A, %add3A_86, %dma_wait3A_90] : memref<2x6250x128xi32, #tpu.memory_space<hbm>> -> memref<1x10x128xi32, #tpu.memory_space<hbm>>
      %dma_wait3A_92 = tpu.memref_squeeze %dma_wait3A_91 : memref<1x10x128xi32, #tpu.memory_space<hbm>> -> memref<10x128xi32, #tpu.memory_space<hbm>>
      tpu.wait_dma2 semaphore(%arg43 : memref<!tpu.dma_semaphore, #tpu.memory_space<semaphore_mem>>) src(%dma_wait3A_92 : memref<10x128xi32, #tpu.memory_space<hbm>>) dst(%arg5 : memref<10x128xi32, #tpu.memory_space<vmem>>)
      %dma_wait3A_93 = arith.constant 1 : i32
      %dma_wait3A_94 = arith.constant 0 : i32
      %dma_wait3A_95 = tpu.memref_slice %arg3[%dma_wait3A_93, %add3A_86, %dma_wait3A_94] : memref<2x6250x128xi32, #tpu.memory_space<hbm>> -> memref<1x10x128xi32, #tpu.memory_space<hbm>>
      %dma_wait3A_96 = tpu.memref_squeeze %dma_wait3A_95 : memref<1x10x128xi32, #tpu.memory_space<hbm>> -> memref<10x128xi32, #tpu.memory_space<hbm>>
      %dma_wait3A_97 = arith.constant 0 : i32
      %dma_wait3A_98 = tpu.memref_slice %arg3[%dma_wait3A_93, %add3A_86, %dma_wait3A_97] : memref<2x6250x128xi32, #tpu.memory_space<hbm>> -> memref<1x10x128xi32, #tpu.memory_space<hbm>>
      %dma_wait3A_99 = tpu.memref_squeeze %dma_wait3A_98 : memref<1x10x128xi32, #tpu.memory_space<hbm>> -> memref<10x128xi32, #tpu.memory_space<hbm>>
      tpu.wait_dma2 semaphore(%arg46 : memref<!tpu.dma_semaphore, #tpu.memory_space<semaphore_mem>>) src(%dma_wait3A_99 : memref<10x128xi32, #tpu.memory_space<hbm>>) dst(%arg8 : memref<10x128xi32, #tpu.memory_space<vmem>>)
      %dma_start3A_100 = arith.constant 0 : i32
      %dma_start3A_101 = arith.constant 0 : i32
      %dma_start3A_102 = tpu.memref_slice %arg5[%dma_start3A_100, %dma_start3A_101] : memref<10x128xi32, #tpu.memory_space<vmem>> -> memref<1x128xi32, #tpu.memory_space<vmem>>
      %dma_start3A_103 = tpu.memref_squeeze %dma_start3A_102 : memref<1x128xi32, #tpu.memory_space<vmem>> -> memref<128xi32, #tpu.memory_space<vmem>>
      %dma_start3A_104 = arith.constant 0 : i32
      %dma_start3A_105 = arith.constant 0 : i32
      %dma_start3A_106 = tpu.memref_slice %arg2[%arg0, %dma_start3A_104, %dma_start3A_105] : memref<2x50000x16xf32, #tpu.memory_space<hbm>> -> memref<1x50000x16xf32, #tpu.memory_space<hbm>>
      %dma_start3A_107 = tpu.memref_squeeze %dma_start3A_106 : memref<1x50000x16xf32, #tpu.memory_space<hbm>> -> memref<50000x16xf32, #tpu.memory_space<hbm>>
      %dma_start3A_108 = arith.constant 0 : i32
      %dma_start3A_109 = arith.constant 0 : i32
      %dma_start3A_110 = tpu.memref_slice %dma_start3A_107[%dma_start3A_108, %dma_start3A_109] : memref<50000x16xf32, #tpu.memory_space<hbm>> -> memref<50000x16xf32, #tpu.memory_space<hbm>>
      tpu.enqueue_indirect_dma source(%dma_start3A_110 : memref<50000x16xf32, #tpu.memory_space<hbm>>) target(%arg11 : memref<128x16xf32, #tpu.memory_space<vmem>>) offsets(%dma_start3A_103 : memref<128xi32, #tpu.memory_space<vmem>>) semaphore(%arg23 : memref<!tpu.dma_semaphore, #tpu.memory_space<semaphore_mem>>)
      %dma_start3A_111 = arith.constant 1 : i32
      %dma_start3A_112 = arith.constant 0 : i32
      %dma_start3A_113 = tpu.memref_slice %arg5[%dma_start3A_111, %dma_start3A_112] : memref<10x128xi32, #tpu.memory_space<vmem>> -> memref<1x128xi32, #tpu.memory_space<vmem>>
      %dma_start3A_114 = tpu.memref_squeeze %dma_start3A_113 : memref<1x128xi32, #tpu.memory_space<vmem>> -> memref<128xi32, #tpu.memory_space<vmem>>
      %dma_start3A_115 = arith.constant 0 : i32
      %dma_start3A_116 = arith.constant 0 : i32
      %dma_start3A_117 = tpu.memref_slice %arg2[%arg0, %dma_start3A_115, %dma_start3A_116] : memref<2x50000x16xf32, #tpu.memory_space<hbm>> -> memref<1x50000x16xf32, #tpu.memory_space<hbm>>
      %dma_start3A_118 = tpu.memref_squeeze %dma_start3A_117 : memref<1x50000x16xf32, #tpu.memory_space<hbm>> -> memref<50000x16xf32, #tpu.memory_space<hbm>>
      %dma_start3A_119 = arith.constant 0 : i32
      %dma_start3A_120 = arith.constant 0 : i32
      %dma_start3A_121 = tpu.memref_slice %dma_start3A_118[%dma_start3A_119, %dma_start3A_120] : memref<50000x16xf32, #tpu.memory_space<hbm>> -> memref<50000x16xf32, #tpu.memory_space<hbm>>
      tpu.enqueue_indirect_dma source(%dma_start3A_121 : memref<50000x16xf32, #tpu.memory_space<hbm>>) target(%arg12 : memref<128x16xf32, #tpu.memory_space<vmem>>) offsets(%dma_start3A_114 : memref<128xi32, #tpu.memory_space<vmem>>) semaphore(%arg24 : memref<!tpu.dma_semaphore, #tpu.memory_space<semaphore_mem>>)
      %dma_start3A_122 = arith.constant 2 : i32
      %dma_start3A_123 = arith.constant 0 : i32
      %dma_start3A_124 = tpu.memref_slice %arg5[%dma_start3A_122, %dma_start3A_123] : memref<10x128xi32, #tpu.memory_space<vmem>> -> memref<1x128xi32, #tpu.memory_space<vmem>>
      %dma_start3A_125 = tpu.memref_squeeze %dma_start3A_124 : memref<1x128xi32, #tpu.memory_space<vmem>> -> memref<128xi32, #tpu.memory_space<vmem>>
      %dma_start3A_126 = arith.constant 0 : i32
      %dma_start3A_127 = arith.constant 0 : i32
      %dma_start3A_128 = tpu.memref_slice %arg2[%arg0, %dma_start3A_126, %dma_start3A_127] : memref<2x50000x16xf32, #tpu.memory_space<hbm>> -> memref<1x50000x16xf32, #tpu.memory_space<hbm>>
      %dma_start3A_129 = tpu.memref_squeeze %dma_start3A_128 : memref<1x50000x16xf32, #tpu.memory_space<hbm>> -> memref<50000x16xf32, #tpu.memory_space<hbm>>
      %dma_start3A_130 = arith.constant 0 : i32
      %dma_start3A_131 = arith.constant 0 : i32
      %dma_start3A_132 = tpu.memref_slice %dma_start3A_129[%dma_start3A_130, %dma_start3A_131] : memref<50000x16xf32, #tpu.memory_space<hbm>> -> memref<50000x16xf32, #tpu.memory_space<hbm>>
      tpu.enqueue_indirect_dma source(%dma_start3A_132 : memref<50000x16xf32, #tpu.memory_space<hbm>>) target(%arg13 : memref<128x16xf32, #tpu.memory_space<vmem>>) offsets(%dma_start3A_125 : memref<128xi32, #tpu.memory_space<vmem>>) semaphore(%arg25 : memref<!tpu.dma_semaphore, #tpu.memory_space<semaphore_mem>>)
      %dma_start3A_133 = arith.constant 3 : i32
      %dma_start3A_134 = arith.constant 0 : i32
      %dma_start3A_135 = tpu.memref_slice %arg5[%dma_start3A_133, %dma_start3A_134] : memref<10x128xi32, #tpu.memory_space<vmem>> -> memref<1x128xi32, #tpu.memory_space<vmem>>
      %dma_start3A_136 = tpu.memref_squeeze %dma_start3A_135 : memref<1x128xi32, #tpu.memory_space<vmem>> -> memref<128xi32, #tpu.memory_space<vmem>>
      %dma_start3A_137 = arith.constant 0 : i32
      %dma_start3A_138 = arith.constant 0 : i32
      %dma_start3A_139 = tpu.memref_slice %arg2[%arg0, %dma_start3A_137, %dma_start3A_138] : memref<2x50000x16xf32, #tpu.memory_space<hbm>> -> memref<1x50000x16xf32, #tpu.memory_space<hbm>>
      %dma_start3A_140 = tpu.memref_squeeze %dma_start3A_139 : memref<1x50000x16xf32, #tpu.memory_space<hbm>> -> memref<50000x16xf32, #tpu.memory_space<hbm>>
      %dma_start3A_141 = arith.constant 0 : i32
      %dma_start3A_142 = arith.constant 0 : i32
      %dma_start3A_143 = tpu.memref_slice %dma_start3A_140[%dma_start3A_141, %dma_start3A_142] : memref<50000x16xf32, #tpu.memory_space<hbm>> -> memref<50000x16xf32, #tpu.memory_space<hbm>>
      tpu.enqueue_indirect_dma source(%dma_start3A_143 : memref<50000x16xf32, #tpu.memory_space<hbm>>) target(%arg14 : memref<128x16xf32, #tpu.memory_space<vmem>>) offsets(%dma_start3A_136 : memref<128xi32, #tpu.memory_space<vmem>>) semaphore(%arg26 : memref<!tpu.dma_semaphore, #tpu.memory_space<semaphore_mem>>)
      %dma_start3A_144 = arith.constant 4 : i32
      %dma_start3A_145 = arith.constant 0 : i32
      %dma_start3A_146 = tpu.memref_slice %arg5[%dma_start3A_144, %dma_start3A_145] : memref<10x128xi32, #tpu.memory_space<vmem>> -> memref<1x128xi32, #tpu.memory_space<vmem>>
      %dma_start3A_147 = tpu.memref_squeeze %dma_start3A_146 : memref<1x128xi32, #tpu.memory_space<vmem>> -> memref<128xi32, #tpu.memory_space<vmem>>
      %dma_start3A_148 = arith.constant 0 : i32
      %dma_start3A_149 = arith.constant 0 : i32
      %dma_start3A_150 = tpu.memref_slice %arg2[%arg0, %dma_start3A_148, %dma_start3A_149] : memref<2x50000x16xf32, #tpu.memory_space<hbm>> -> memref<1x50000x16xf32, #tpu.memory_space<hbm>>
      %dma_start3A_151 = tpu.memref_squeeze %dma_start3A_150 : memref<1x50000x16xf32, #tpu.memory_space<hbm>> -> memref<50000x16xf32, #tpu.memory_space<hbm>>
      %dma_start3A_152 = arith.constant 0 : i32
      %dma_start3A_153 = arith.constant 0 : i32
      %dma_start3A_154 = tpu.memref_slice %dma_start3A_151[%dma_start3A_152, %dma_start3A_153] : memref<50000x16xf32, #tpu.memory_space<hbm>> -> memref<50000x16xf32, #tpu.memory_space<hbm>>
      tpu.enqueue_indirect_dma source(%dma_start3A_154 : memref<50000x16xf32, #tpu.memory_space<hbm>>) target(%arg15 : memref<128x16xf32, #tpu.memory_space<vmem>>) offsets(%dma_start3A_147 : memref<128xi32, #tpu.memory_space<vmem>>) semaphore(%arg27 : memref<!tpu.dma_semaphore, #tpu.memory_space<semaphore_mem>>)
      %dma_start3A_155 = arith.constant 5 : i32
      %dma_start3A_156 = arith.constant 0 : i32
      %dma_start3A_157 = tpu.memref_slice %arg5[%dma_start3A_155, %dma_start3A_156] : memref<10x128xi32, #tpu.memory_space<vmem>> -> memref<1x128xi32, #tpu.memory_space<vmem>>
      %dma_start3A_158 = tpu.memref_squeeze %dma_start3A_157 : memref<1x128xi32, #tpu.memory_space<vmem>> -> memref<128xi32, #tpu.memory_space<vmem>>
      %dma_start3A_159 = arith.constant 0 : i32
      %dma_start3A_160 = arith.constant 0 : i32
      %dma_start3A_161 = tpu.memref_slice %arg2[%arg0, %dma_start3A_159, %dma_start3A_160] : memref<2x50000x16xf32, #tpu.memory_space<hbm>> -> memref<1x50000x16xf32, #tpu.memory_space<hbm>>
      %dma_start3A_162 = tpu.memref_squeeze %dma_start3A_161 : memref<1x50000x16xf32, #tpu.memory_space<hbm>> -> memref<50000x16xf32, #tpu.memory_space<hbm>>
      %dma_start3A_163 = arith.constant 0 : i32
      %dma_start3A_164 = arith.constant 0 : i32
      %dma_start3A_165 = tpu.memref_slice %dma_start3A_162[%dma_start3A_163, %dma_start3A_164] : memref<50000x16xf32, #tpu.memory_space<hbm>> -> memref<50000x16xf32, #tpu.memory_space<hbm>>
      tpu.enqueue_indirect_dma source(%dma_start3A_165 : memref<50000x16xf32, #tpu.memory_space<hbm>>) target(%arg16 : memref<128x16xf32, #tpu.memory_space<vmem>>) offsets(%dma_start3A_158 : memref<128xi32, #tpu.memory_space<vmem>>) semaphore(%arg28 : memref<!tpu.dma_semaphore, #tpu.memory_space<semaphore_mem>>)
      %dma_start3A_166 = arith.constant 6 : i32
      %dma_start3A_167 = arith.constant 0 : i32
      %dma_start3A_168 = tpu.memref_slice %arg5[%dma_start3A_166, %dma_start3A_167] : memref<10x128xi32, #tpu.memory_space<vmem>> -> memref<1x128xi32, #tpu.memory_space<vmem>>
      %dma_start3A_169 = tpu.memref_squeeze %dma_start3A_168 : memref<1x128xi32, #tpu.memory_space<vmem>> -> memref<128xi32, #tpu.memory_space<vmem>>
      %dma_start3A_170 = arith.constant 0 : i32
      %dma_start3A_171 = arith.constant 0 : i32
      %dma_start3A_172 = tpu.memref_slice %arg2[%arg0, %dma_start3A_170, %dma_start3A_171] : memref<2x50000x16xf32, #tpu.memory_space<hbm>> -> memref<1x50000x16xf32, #tpu.memory_space<hbm>>
      %dma_start3A_173 = tpu.memref_squeeze %dma_start3A_172 : memref<1x50000x16xf32, #tpu.memory_space<hbm>> -> memref<50000x16xf32, #tpu.memory_space<hbm>>
      %dma_start3A_174 = arith.constant 0 : i32
      %dma_start3A_175 = arith.constant 0 : i32
      %dma_start3A_176 = tpu.memref_slice %dma_start3A_173[%dma_start3A_174, %dma_start3A_175] : memref<50000x16xf32, #tpu.memory_space<hbm>> -> memref<50000x16xf32, #tpu.memory_space<hbm>>
      tpu.enqueue_indirect_dma source(%dma_start3A_176 : memref<50000x16xf32, #tpu.memory_space<hbm>>) target(%arg17 : memref<128x16xf32, #tpu.memory_space<vmem>>) offsets(%dma_start3A_169 : memref<128xi32, #tpu.memory_space<vmem>>) semaphore(%arg29 : memref<!tpu.dma_semaphore, #tpu.memory_space<semaphore_mem>>)
      %dma_start3A_177 = arith.constant 7 : i32
      %dma_start3A_178 = arith.constant 0 : i32
      %dma_start3A_179 = tpu.memref_slice %arg5[%dma_start3A_177, %dma_start3A_178] : memref<10x128xi32, #tpu.memory_space<vmem>> -> memref<1x128xi32, #tpu.memory_space<vmem>>
      %dma_start3A_180 = tpu.memref_squeeze %dma_start3A_179 : memref<1x128xi32, #tpu.memory_space<vmem>> -> memref<128xi32, #tpu.memory_space<vmem>>
      %dma_start3A_181 = arith.constant 0 : i32
      %dma_start3A_182 = arith.constant 0 : i32
      %dma_start3A_183 = tpu.memref_slice %arg2[%arg0, %dma_start3A_181, %dma_start3A_182] : memref<2x50000x16xf32, #tpu.memory_space<hbm>> -> memref<1x50000x16xf32, #tpu.memory_space<hbm>>
      %dma_start3A_184 = tpu.memref_squeeze %dma_start3A_183 : memref<1x50000x16xf32, #tpu.memory_space<hbm>> -> memref<50000x16xf32, #tpu.memory_space<hbm>>
      %dma_start3A_185 = arith.constant 0 : i32
      %dma_start3A_186 = arith.constant 0 : i32
      %dma_start3A_187 = tpu.memref_slice %dma_start3A_184[%dma_start3A_185, %dma_start3A_186] : memref<50000x16xf32, #tpu.memory_space<hbm>> -> memref<50000x16xf32, #tpu.memory_space<hbm>>
      tpu.enqueue_indirect_dma source(%dma_start3A_187 : memref<50000x16xf32, #tpu.memory_space<hbm>>) target(%arg18 : memref<128x16xf32, #tpu.memory_space<vmem>>) offsets(%dma_start3A_180 : memref<128xi32, #tpu.memory_space<vmem>>) semaphore(%arg30 : memref<!tpu.dma_semaphore, #tpu.memory_space<semaphore_mem>>)
      %dma_start3A_188 = arith.constant 8 : i32
      %dma_start3A_189 = arith.constant 0 : i32
      %dma_start3A_190 = tpu.memref_slice %arg5[%dma_start3A_188, %dma_start3A_189] : memref<10x128xi32, #tpu.memory_space<vmem>> -> memref<1x128xi32, #tpu.memory_space<vmem>>
      %dma_start3A_191 = tpu.memref_squeeze %dma_start3A_190 : memref<1x128xi32, #tpu.memory_space<vmem>> -> memref<128xi32, #tpu.memory_space<vmem>>
      %dma_start3A_192 = arith.constant 0 : i32
      %dma_start3A_193 = arith.constant 0 : i32
      %dma_start3A_194 = tpu.memref_slice %arg2[%arg0, %dma_start3A_192, %dma_start3A_193] : memref<2x50000x16xf32, #tpu.memory_space<hbm>> -> memref<1x50000x16xf32, #tpu.memory_space<hbm>>
      %dma_start3A_195 = tpu.memref_squeeze %dma_start3A_194 : memref<1x50000x16xf32, #tpu.memory_space<hbm>> -> memref<50000x16xf32, #tpu.memory_space<hbm>>
      %dma_start3A_196 = arith.constant 0 : i32
      %dma_start3A_197 = arith.constant 0 : i32
      %dma_start3A_198 = tpu.memref_slice %dma_start3A_195[%dma_start3A_196, %dma_start3A_197] : memref<50000x16xf32, #tpu.memory_space<hbm>> -> memref<50000x16xf32, #tpu.memory_space<hbm>>
      tpu.enqueue_indirect_dma source(%dma_start3A_198 : memref<50000x16xf32, #tpu.memory_space<hbm>>) target(%arg19 : memref<128x16xf32, #tpu.memory_space<vmem>>) offsets(%dma_start3A_191 : memref<128xi32, #tpu.memory_space<vmem>>) semaphore(%arg31 : memref<!tpu.dma_semaphore, #tpu.memory_space<semaphore_mem>>)
      %dma_start3A_199 = arith.constant 9 : i32
      %dma_start3A_200 = arith.constant 0 : i32
      %dma_start3A_201 = tpu.memref_slice %arg5[%dma_start3A_199, %dma_start3A_200] : memref<10x128xi32, #tpu.memory_space<vmem>> -> memref<1x128xi32, #tpu.memory_space<vmem>>
      %dma_start3A_202 = tpu.memref_squeeze %dma_start3A_201 : memref<1x128xi32, #tpu.memory_space<vmem>> -> memref<128xi32, #tpu.memory_space<vmem>>
      %dma_start3A_203 = arith.constant 0 : i32
      %dma_start3A_204 = arith.constant 0 : i32
      %dma_start3A_205 = tpu.memref_slice %arg2[%arg0, %dma_start3A_203, %dma_start3A_204] : memref<2x50000x16xf32, #tpu.memory_space<hbm>> -> memref<1x50000x16xf32, #tpu.memory_space<hbm>>
      %dma_start3A_206 = tpu.memref_squeeze %dma_start3A_205 : memref<1x50000x16xf32, #tpu.memory_space<hbm>> -> memref<50000x16xf32, #tpu.memory_space<hbm>>
      %dma_start3A_207 = arith.constant 0 : i32
      %dma_start3A_208 = arith.constant 0 : i32
      %dma_start3A_209 = tpu.memref_slice %dma_start3A_206[%dma_start3A_207, %dma_start3A_208] : memref<50000x16xf32, #tpu.memory_space<hbm>> -> memref<50000x16xf32, #tpu.memory_space<hbm>>
      tpu.enqueue_indirect_dma source(%dma_start3A_209 : memref<50000x16xf32, #tpu.memory_space<hbm>>) target(%arg20 : memref<128x16xf32, #tpu.memory_space<vmem>>) offsets(%dma_start3A_202 : memref<128xi32, #tpu.memory_space<vmem>>) semaphore(%arg32 : memref<!tpu.dma_semaphore, #tpu.memory_space<semaphore_mem>>)
      %dma_wait3A_210 = arith.constant 0 : i32
      %dma_wait3A_211 = arith.constant 0 : i32
      %dma_wait3A_212 = tpu.memref_slice %arg5[%dma_wait3A_210, %dma_wait3A_211] : memref<10x128xi32, #tpu.memory_space<vmem>> -> memref<1x128xi32, #tpu.memory_space<vmem>>
      %dma_wait3A_213 = tpu.memref_squeeze %dma_wait3A_212 : memref<1x128xi32, #tpu.memory_space<vmem>> -> memref<128xi32, #tpu.memory_space<vmem>>
      %dma_wait3A_214 = arith.constant 0 : i32
      %dma_wait3A_215 = arith.constant 0 : i32
      %dma_wait3A_216 = tpu.memref_slice %arg2[%arg0, %dma_wait3A_214, %dma_wait3A_215] : memref<2x50000x16xf32, #tpu.memory_space<hbm>> -> memref<1x50000x16xf32, #tpu.memory_space<hbm>>
      %dma_wait3A_217 = tpu.memref_squeeze %dma_wait3A_216 : memref<1x50000x16xf32, #tpu.memory_space<hbm>> -> memref<50000x16xf32, #tpu.memory_space<hbm>>
      %dma_wait3A_218 = arith.constant 0 : i32
      %dma_wait3A_219 = arith.constant 0 : i32
      %dma_wait3A_220 = tpu.memref_slice %dma_wait3A_217[%dma_wait3A_218, %dma_wait3A_219] : memref<50000x16xf32, #tpu.memory_space<hbm>> -> memref<50000x16xf32, #tpu.memory_space<hbm>>
      tpu.wait_indirect_dma semaphore(%arg23 : memref<!tpu.dma_semaphore, #tpu.memory_space<semaphore_mem>>) src(%dma_wait3A_220 : memref<50000x16xf32, #tpu.memory_space<hbm>>) dst(%arg11 : memref<128x16xf32, #tpu.memory_space<vmem>>)
      %dma_start3A_221 = arith.constant 0 : i32
      %dma_start3A_222 = arith.constant 0 : i32
      %dma_start3A_223 = tpu.memref_slice %arg8[%dma_start3A_221, %dma_start3A_222] : memref<10x128xi32, #tpu.memory_space<vmem>> -> memref<1x128xi32, #tpu.memory_space<vmem>>
      %dma_start3A_224 = tpu.memref_squeeze %dma_start3A_223 : memref<1x128xi32, #tpu.memory_space<vmem>> -> memref<128xi32, #tpu.memory_space<vmem>>
      %dma_start3A_225 = arith.constant 0 : i32
      %dma_start3A_226 = arith.constant 0 : i32
      %dma_start3A_227 = tpu.memref_slice %arg22[%dma_start3A_225, %dma_start3A_226] : memref<50176x16xf32, #tpu.memory_space<vmem_shared>> -> memref<50176x16xf32, #tpu.memory_space<vmem_shared>>
      tpu.enqueue_indirect_dma source(%arg11 : memref<128x16xf32, #tpu.memory_space<vmem>>) target(%dma_start3A_227 : memref<50176x16xf32, #tpu.memory_space<vmem_shared>>) offsets(%dma_start3A_224 : memref<128xi32, #tpu.memory_space<vmem>>) semaphore(%arg33 : memref<!tpu.dma_semaphore, #tpu.memory_space<semaphore_mem>>) {add = true}
      %dma_wait3A_228 = arith.constant 1 : i32
      %dma_wait3A_229 = arith.constant 0 : i32
      %dma_wait3A_230 = tpu.memref_slice %arg5[%dma_wait3A_228, %dma_wait3A_229] : memref<10x128xi32, #tpu.memory_space<vmem>> -> memref<1x128xi32, #tpu.memory_space<vmem>>
      %dma_wait3A_231 = tpu.memref_squeeze %dma_wait3A_230 : memref<1x128xi32, #tpu.memory_space<vmem>> -> memref<128xi32, #tpu.memory_space<vmem>>
      %dma_wait3A_232 = arith.constant 0 : i32
      %dma_wait3A_233 = arith.constant 0 : i32
      %dma_wait3A_234 = tpu.memref_slice %arg2[%arg0, %dma_wait3A_232, %dma_wait3A_233] : memref<2x50000x16xf32, #tpu.memory_space<hbm>> -> memref<1x50000x16xf32, #tpu.memory_space<hbm>>
      %dma_wait3A_235 = tpu.memref_squeeze %dma_wait3A_234 : memref<1x50000x16xf32, #tpu.memory_space<hbm>> -> memref<50000x16xf32, #tpu.memory_space<hbm>>
      %dma_wait3A_236 = arith.constant 0 : i32
      %dma_wait3A_237 = arith.constant 0 : i32
      %dma_wait3A_238 = tpu.memref_slice %dma_wait3A_235[%dma_wait3A_236, %dma_wait3A_237] : memref<50000x16xf32, #tpu.memory_space<hbm>> -> memref<50000x16xf32, #tpu.memory_space<hbm>>
      tpu.wait_indirect_dma semaphore(%arg24 : memref<!tpu.dma_semaphore, #tpu.memory_space<semaphore_mem>>) src(%dma_wait3A_238 : memref<50000x16xf32, #tpu.memory_space<hbm>>) dst(%arg12 : memref<128x16xf32, #tpu.memory_space<vmem>>)
      %dma_start3A_239 = arith.constant 1 : i32
      %dma_start3A_240 = arith.constant 0 : i32
      %dma_start3A_241 = tpu.memref_slice %arg8[%dma_start3A_239, %dma_start3A_240] : memref<10x128xi32, #tpu.memory_space<vmem>> -> memref<1x128xi32, #tpu.memory_space<vmem>>
      %dma_start3A_242 = tpu.memref_squeeze %dma_start3A_241 : memref<1x128xi32, #tpu.memory_space<vmem>> -> memref<128xi32, #tpu.memory_space<vmem>>
      %dma_start3A_243 = arith.constant 0 : i32
      %dma_start3A_244 = arith.constant 0 : i32
      %dma_start3A_245 = tpu.memref_slice %arg22[%dma_start3A_243, %dma_start3A_244] : memref<50176x16xf32, #tpu.memory_space<vmem_shared>> -> memref<50176x16xf32, #tpu.memory_space<vmem_shared>>
      tpu.enqueue_indirect_dma source(%arg12 : memref<128x16xf32, #tpu.memory_space<vmem>>) target(%dma_start3A_245 : memref<50176x16xf32, #tpu.memory_space<vmem_shared>>) offsets(%dma_start3A_242 : memref<128xi32, #tpu.memory_space<vmem>>) semaphore(%arg34 : memref<!tpu.dma_semaphore, #tpu.memory_space<semaphore_mem>>) {add = true}
      %dma_wait3A_246 = arith.constant 2 : i32
      %dma_wait3A_247 = arith.constant 0 : i32
      %dma_wait3A_248 = tpu.memref_slice %arg5[%dma_wait3A_246, %dma_wait3A_247] : memref<10x128xi32, #tpu.memory_space<vmem>> -> memref<1x128xi32, #tpu.memory_space<vmem>>
      %dma_wait3A_249 = tpu.memref_squeeze %dma_wait3A_248 : memref<1x128xi32, #tpu.memory_space<vmem>> -> memref<128xi32, #tpu.memory_space<vmem>>
      %dma_wait3A_250 = arith.constant 0 : i32
      %dma_wait3A_251 = arith.constant 0 : i32
      %dma_wait3A_252 = tpu.memref_slice %arg2[%arg0, %dma_wait3A_250, %dma_wait3A_251] : memref<2x50000x16xf32, #tpu.memory_space<hbm>> -> memref<1x50000x16xf32, #tpu.memory_space<hbm>>
      %dma_wait3A_253 = tpu.memref_squeeze %dma_wait3A_252 : memref<1x50000x16xf32, #tpu.memory_space<hbm>> -> memref<50000x16xf32, #tpu.memory_space<hbm>>
      %dma_wait3A_254 = arith.constant 0 : i32
      %dma_wait3A_255 = arith.constant 0 : i32
      %dma_wait3A_256 = tpu.memref_slice %dma_wait3A_253[%dma_wait3A_254, %dma_wait3A_255] : memref<50000x16xf32, #tpu.memory_space<hbm>> -> memref<50000x16xf32, #tpu.memory_space<hbm>>
      tpu.wait_indirect_dma semaphore(%arg25 : memref<!tpu.dma_semaphore, #tpu.memory_space<semaphore_mem>>) src(%dma_wait3A_256 : memref<50000x16xf32, #tpu.memory_space<hbm>>) dst(%arg13 : memref<128x16xf32, #tpu.memory_space<vmem>>)
      %dma_start3A_257 = arith.constant 2 : i32
      %dma_start3A_258 = arith.constant 0 : i32
      %dma_start3A_259 = tpu.memref_slice %arg8[%dma_start3A_257, %dma_start3A_258] : memref<10x128xi32, #tpu.memory_space<vmem>> -> memref<1x128xi32, #tpu.memory_space<vmem>>
      %dma_start3A_260 = tpu.memref_squeeze %dma_start3A_259 : memref<1x128xi32, #tpu.memory_space<vmem>> -> memref<128xi32, #tpu.memory_space<vmem>>
      %dma_start3A_261 = arith.constant 0 : i32
      %dma_start3A_262 = arith.constant 0 : i32
      %dma_start3A_263 = tpu.memref_slice %arg22[%dma_start3A_261, %dma_start3A_262] : memref<50176x16xf32, #tpu.memory_space<vmem_shared>> -> memref<50176x16xf32, #tpu.memory_space<vmem_shared>>
      tpu.enqueue_indirect_dma source(%arg13 : memref<128x16xf32, #tpu.memory_space<vmem>>) target(%dma_start3A_263 : memref<50176x16xf32, #tpu.memory_space<vmem_shared>>) offsets(%dma_start3A_260 : memref<128xi32, #tpu.memory_space<vmem>>) semaphore(%arg35 : memref<!tpu.dma_semaphore, #tpu.memory_space<semaphore_mem>>) {add = true}
      %dma_wait3A_264 = arith.constant 3 : i32
      %dma_wait3A_265 = arith.constant 0 : i32
      %dma_wait3A_266 = tpu.memref_slice %arg5[%dma_wait3A_264, %dma_wait3A_265] : memref<10x128xi32, #tpu.memory_space<vmem>> -> memref<1x128xi32, #tpu.memory_space<vmem>>
      %dma_wait3A_267 = tpu.memref_squeeze %dma_wait3A_266 : memref<1x128xi32, #tpu.memory_space<vmem>> -> memref<128xi32, #tpu.memory_space<vmem>>
      %dma_wait3A_268 = arith.constant 0 : i32
      %dma_wait3A_269 = arith.constant 0 : i32
      %dma_wait3A_270 = tpu.memref_slice %arg2[%arg0, %dma_wait3A_268, %dma_wait3A_269] : memref<2x50000x16xf32, #tpu.memory_space<hbm>> -> memref<1x50000x16xf32, #tpu.memory_space<hbm>>
      %dma_wait3A_271 = tpu.memref_squeeze %dma_wait3A_270 : memref<1x50000x16xf32, #tpu.memory_space<hbm>> -> memref<50000x16xf32, #tpu.memory_space<hbm>>
      %dma_wait3A_272 = arith.constant 0 : i32
      %dma_wait3A_273 = arith.constant 0 : i32
      %dma_wait3A_274 = tpu.memref_slice %dma_wait3A_271[%dma_wait3A_272, %dma_wait3A_273] : memref<50000x16xf32, #tpu.memory_space<hbm>> -> memref<50000x16xf32, #tpu.memory_space<hbm>>
      tpu.wait_indirect_dma semaphore(%arg26 : memref<!tpu.dma_semaphore, #tpu.memory_space<semaphore_mem>>) src(%dma_wait3A_274 : memref<50000x16xf32, #tpu.memory_space<hbm>>) dst(%arg14 : memref<128x16xf32, #tpu.memory_space<vmem>>)
      %dma_start3A_275 = arith.constant 3 : i32
      %dma_start3A_276 = arith.constant 0 : i32
      %dma_start3A_277 = tpu.memref_slice %arg8[%dma_start3A_275, %dma_start3A_276] : memref<10x128xi32, #tpu.memory_space<vmem>> -> memref<1x128xi32, #tpu.memory_space<vmem>>
      %dma_start3A_278 = tpu.memref_squeeze %dma_start3A_277 : memref<1x128xi32, #tpu.memory_space<vmem>> -> memref<128xi32, #tpu.memory_space<vmem>>
      %dma_start3A_279 = arith.constant 0 : i32
      %dma_start3A_280 = arith.constant 0 : i32
      %dma_start3A_281 = tpu.memref_slice %arg22[%dma_start3A_279, %dma_start3A_280] : memref<50176x16xf32, #tpu.memory_space<vmem_shared>> -> memref<50176x16xf32, #tpu.memory_space<vmem_shared>>
      tpu.enqueue_indirect_dma source(%arg14 : memref<128x16xf32, #tpu.memory_space<vmem>>) target(%dma_start3A_281 : memref<50176x16xf32, #tpu.memory_space<vmem_shared>>) offsets(%dma_start3A_278 : memref<128xi32, #tpu.memory_space<vmem>>) semaphore(%arg36 : memref<!tpu.dma_semaphore, #tpu.memory_space<semaphore_mem>>) {add = true}
      %dma_wait3A_282 = arith.constant 4 : i32
      %dma_wait3A_283 = arith.constant 0 : i32
      %dma_wait3A_284 = tpu.memref_slice %arg5[%dma_wait3A_282, %dma_wait3A_283] : memref<10x128xi32, #tpu.memory_space<vmem>> -> memref<1x128xi32, #tpu.memory_space<vmem>>
      %dma_wait3A_285 = tpu.memref_squeeze %dma_wait3A_284 : memref<1x128xi32, #tpu.memory_space<vmem>> -> memref<128xi32, #tpu.memory_space<vmem>>
      %dma_wait3A_286 = arith.constant 0 : i32
      %dma_wait3A_287 = arith.constant 0 : i32
      %dma_wait3A_288 = tpu.memref_slice %arg2[%arg0, %dma_wait3A_286, %dma_wait3A_287] : memref<2x50000x16xf32, #tpu.memory_space<hbm>> -> memref<1x50000x16xf32, #tpu.memory_space<hbm>>
      %dma_wait3A_289 = tpu.memref_squeeze %dma_wait3A_288 : memref<1x50000x16xf32, #tpu.memory_space<hbm>> -> memref<50000x16xf32, #tpu.memory_space<hbm>>
      %dma_wait3A_290 = arith.constant 0 : i32
      %dma_wait3A_291 = arith.constant 0 : i32
      %dma_wait3A_292 = tpu.memref_slice %dma_wait3A_289[%dma_wait3A_290, %dma_wait3A_291] : memref<50000x16xf32, #tpu.memory_space<hbm>> -> memref<50000x16xf32, #tpu.memory_space<hbm>>
      tpu.wait_indirect_dma semaphore(%arg27 : memref<!tpu.dma_semaphore, #tpu.memory_space<semaphore_mem>>) src(%dma_wait3A_292 : memref<50000x16xf32, #tpu.memory_space<hbm>>) dst(%arg15 : memref<128x16xf32, #tpu.memory_space<vmem>>)
      %dma_start3A_293 = arith.constant 4 : i32
      %dma_start3A_294 = arith.constant 0 : i32
      %dma_start3A_295 = tpu.memref_slice %arg8[%dma_start3A_293, %dma_start3A_294] : memref<10x128xi32, #tpu.memory_space<vmem>> -> memref<1x128xi32, #tpu.memory_space<vmem>>
      %dma_start3A_296 = tpu.memref_squeeze %dma_start3A_295 : memref<1x128xi32, #tpu.memory_space<vmem>> -> memref<128xi32, #tpu.memory_space<vmem>>
      %dma_start3A_297 = arith.constant 0 : i32
      %dma_start3A_298 = arith.constant 0 : i32
      %dma_start3A_299 = tpu.memref_slice %arg22[%dma_start3A_297, %dma_start3A_298] : memref<50176x16xf32, #tpu.memory_space<vmem_shared>> -> memref<50176x16xf32, #tpu.memory_space<vmem_shared>>
      tpu.enqueue_indirect_dma source(%arg15 : memref<128x16xf32, #tpu.memory_space<vmem>>) target(%dma_start3A_299 : memref<50176x16xf32, #tpu.memory_space<vmem_shared>>) offsets(%dma_start3A_296 : memref<128xi32, #tpu.memory_space<vmem>>) semaphore(%arg37 : memref<!tpu.dma_semaphore, #tpu.memory_space<semaphore_mem>>) {add = true}
      %dma_wait3A_300 = arith.constant 5 : i32
      %dma_wait3A_301 = arith.constant 0 : i32
      %dma_wait3A_302 = tpu.memref_slice %arg5[%dma_wait3A_300, %dma_wait3A_301] : memref<10x128xi32, #tpu.memory_space<vmem>> -> memref<1x128xi32, #tpu.memory_space<vmem>>
      %dma_wait3A_303 = tpu.memref_squeeze %dma_wait3A_302 : memref<1x128xi32, #tpu.memory_space<vmem>> -> memref<128xi32, #tpu.memory_space<vmem>>
      %dma_wait3A_304 = arith.constant 0 : i32
      %dma_wait3A_305 = arith.constant 0 : i32
      %dma_wait3A_306 = tpu.memref_slice %arg2[%arg0, %dma_wait3A_304, %dma_wait3A_305] : memref<2x50000x16xf32, #tpu.memory_space<hbm>> -> memref<1x50000x16xf32, #tpu.memory_space<hbm>>
      %dma_wait3A_307 = tpu.memref_squeeze %dma_wait3A_306 : memref<1x50000x16xf32, #tpu.memory_space<hbm>> -> memref<50000x16xf32, #tpu.memory_space<hbm>>
      %dma_wait3A_308 = arith.constant 0 : i32
      %dma_wait3A_309 = arith.constant 0 : i32
      %dma_wait3A_310 = tpu.memref_slice %dma_wait3A_307[%dma_wait3A_308, %dma_wait3A_309] : memref<50000x16xf32, #tpu.memory_space<hbm>> -> memref<50000x16xf32, #tpu.memory_space<hbm>>
      tpu.wait_indirect_dma semaphore(%arg28 : memref<!tpu.dma_semaphore, #tpu.memory_space<semaphore_mem>>) src(%dma_wait3A_310 : memref<50000x16xf32, #tpu.memory_space<hbm>>) dst(%arg16 : memref<128x16xf32, #tpu.memory_space<vmem>>)
      %dma_start3A_311 = arith.constant 5 : i32
      %dma_start3A_312 = arith.constant 0 : i32
      %dma_start3A_313 = tpu.memref_slice %arg8[%dma_start3A_311, %dma_start3A_312] : memref<10x128xi32, #tpu.memory_space<vmem>> -> memref<1x128xi32, #tpu.memory_space<vmem>>
      %dma_start3A_314 = tpu.memref_squeeze %dma_start3A_313 : memref<1x128xi32, #tpu.memory_space<vmem>> -> memref<128xi32, #tpu.memory_space<vmem>>
      %dma_start3A_315 = arith.constant 0 : i32
      %dma_start3A_316 = arith.constant 0 : i32
      %dma_start3A_317 = tpu.memref_slice %arg22[%dma_start3A_315, %dma_start3A_316] : memref<50176x16xf32, #tpu.memory_space<vmem_shared>> -> memref<50176x16xf32, #tpu.memory_space<vmem_shared>>
      tpu.enqueue_indirect_dma source(%arg16 : memref<128x16xf32, #tpu.memory_space<vmem>>) target(%dma_start3A_317 : memref<50176x16xf32, #tpu.memory_space<vmem_shared>>) offsets(%dma_start3A_314 : memref<128xi32, #tpu.memory_space<vmem>>) semaphore(%arg38 : memref<!tpu.dma_semaphore, #tpu.memory_space<semaphore_mem>>) {add = true}
      %dma_wait3A_318 = arith.constant 6 : i32
      %dma_wait3A_319 = arith.constant 0 : i32
      %dma_wait3A_320 = tpu.memref_slice %arg5[%dma_wait3A_318, %dma_wait3A_319] : memref<10x128xi32, #tpu.memory_space<vmem>> -> memref<1x128xi32, #tpu.memory_space<vmem>>
      %dma_wait3A_321 = tpu.memref_squeeze %dma_wait3A_320 : memref<1x128xi32, #tpu.memory_space<vmem>> -> memref<128xi32, #tpu.memory_space<vmem>>
      %dma_wait3A_322 = arith.constant 0 : i32
      %dma_wait3A_323 = arith.constant 0 : i32
      %dma_wait3A_324 = tpu.memref_slice %arg2[%arg0, %dma_wait3A_322, %dma_wait3A_323] : memref<2x50000x16xf32, #tpu.memory_space<hbm>> -> memref<1x50000x16xf32, #tpu.memory_space<hbm>>
      %dma_wait3A_325 = tpu.memref_squeeze %dma_wait3A_324 : memref<1x50000x16xf32, #tpu.memory_space<hbm>> -> memref<50000x16xf32, #tpu.memory_space<hbm>>
      %dma_wait3A_326 = arith.constant 0 : i32
      %dma_wait3A_327 = arith.constant 0 : i32
      %dma_wait3A_328 = tpu.memref_slice %dma_wait3A_325[%dma_wait3A_326, %dma_wait3A_327] : memref<50000x16xf32, #tpu.memory_space<hbm>> -> memref<50000x16xf32, #tpu.memory_space<hbm>>
      tpu.wait_indirect_dma semaphore(%arg29 : memref<!tpu.dma_semaphore, #tpu.memory_space<semaphore_mem>>) src(%dma_wait3A_328 : memref<50000x16xf32, #tpu.memory_space<hbm>>) dst(%arg17 : memref<128x16xf32, #tpu.memory_space<vmem>>)
      %dma_start3A_329 = arith.constant 6 : i32
      %dma_start3A_330 = arith.constant 0 : i32
      %dma_start3A_331 = tpu.memref_slice %arg8[%dma_start3A_329, %dma_start3A_330] : memref<10x128xi32, #tpu.memory_space<vmem>> -> memref<1x128xi32, #tpu.memory_space<vmem>>
      %dma_start3A_332 = tpu.memref_squeeze %dma_start3A_331 : memref<1x128xi32, #tpu.memory_space<vmem>> -> memref<128xi32, #tpu.memory_space<vmem>>
      %dma_start3A_333 = arith.constant 0 : i32
      %dma_start3A_334 = arith.constant 0 : i32
      %dma_start3A_335 = tpu.memref_slice %arg22[%dma_start3A_333, %dma_start3A_334] : memref<50176x16xf32, #tpu.memory_space<vmem_shared>> -> memref<50176x16xf32, #tpu.memory_space<vmem_shared>>
      tpu.enqueue_indirect_dma source(%arg17 : memref<128x16xf32, #tpu.memory_space<vmem>>) target(%dma_start3A_335 : memref<50176x16xf32, #tpu.memory_space<vmem_shared>>) offsets(%dma_start3A_332 : memref<128xi32, #tpu.memory_space<vmem>>) semaphore(%arg39 : memref<!tpu.dma_semaphore, #tpu.memory_space<semaphore_mem>>) {add = true}
      %dma_wait3A_336 = arith.constant 7 : i32
      %dma_wait3A_337 = arith.constant 0 : i32
      %dma_wait3A_338 = tpu.memref_slice %arg5[%dma_wait3A_336, %dma_wait3A_337] : memref<10x128xi32, #tpu.memory_space<vmem>> -> memref<1x128xi32, #tpu.memory_space<vmem>>
      %dma_wait3A_339 = tpu.memref_squeeze %dma_wait3A_338 : memref<1x128xi32, #tpu.memory_space<vmem>> -> memref<128xi32, #tpu.memory_space<vmem>>
      %dma_wait3A_340 = arith.constant 0 : i32
      %dma_wait3A_341 = arith.constant 0 : i32
      %dma_wait3A_342 = tpu.memref_slice %arg2[%arg0, %dma_wait3A_340, %dma_wait3A_341] : memref<2x50000x16xf32, #tpu.memory_space<hbm>> -> memref<1x50000x16xf32, #tpu.memory_space<hbm>>
      %dma_wait3A_343 = tpu.memref_squeeze %dma_wait3A_342 : memref<1x50000x16xf32, #tpu.memory_space<hbm>> -> memref<50000x16xf32, #tpu.memory_space<hbm>>
      %dma_wait3A_344 = arith.constant 0 : i32
      %dma_wait3A_345 = arith.constant 0 : i32
      %dma_wait3A_346 = tpu.memref_slice %dma_wait3A_343[%dma_wait3A_344, %dma_wait3A_345] : memref<50000x16xf32, #tpu.memory_space<hbm>> -> memref<50000x16xf32, #tpu.memory_space<hbm>>
      tpu.wait_indirect_dma semaphore(%arg30 : memref<!tpu.dma_semaphore, #tpu.memory_space<semaphore_mem>>) src(%dma_wait3A_346 : memref<50000x16xf32, #tpu.memory_space<hbm>>) dst(%arg18 : memref<128x16xf32, #tpu.memory_space<vmem>>)
      %dma_start3A_347 = arith.constant 7 : i32
      %dma_start3A_348 = arith.constant 0 : i32
      %dma_start3A_349 = tpu.memref_slice %arg8[%dma_start3A_347, %dma_start3A_348] : memref<10x128xi32, #tpu.memory_space<vmem>> -> memref<1x128xi32, #tpu.memory_space<vmem>>
      %dma_start3A_350 = tpu.memref_squeeze %dma_start3A_349 : memref<1x128xi32, #tpu.memory_space<vmem>> -> memref<128xi32, #tpu.memory_space<vmem>>
      %dma_start3A_351 = arith.constant 0 : i32
      %dma_start3A_352 = arith.constant 0 : i32
      %dma_start3A_353 = tpu.memref_slice %arg22[%dma_start3A_351, %dma_start3A_352] : memref<50176x16xf32, #tpu.memory_space<vmem_shared>> -> memref<50176x16xf32, #tpu.memory_space<vmem_shared>>
      tpu.enqueue_indirect_dma source(%arg18 : memref<128x16xf32, #tpu.memory_space<vmem>>) target(%dma_start3A_353 : memref<50176x16xf32, #tpu.memory_space<vmem_shared>>) offsets(%dma_start3A_350 : memref<128xi32, #tpu.memory_space<vmem>>) semaphore(%arg40 : memref<!tpu.dma_semaphore, #tpu.memory_space<semaphore_mem>>) {add = true}
      %dma_wait3A_354 = arith.constant 8 : i32
      %dma_wait3A_355 = arith.constant 0 : i32
      %dma_wait3A_356 = tpu.memref_slice %arg5[%dma_wait3A_354, %dma_wait3A_355] : memref<10x128xi32, #tpu.memory_space<vmem>> -> memref<1x128xi32, #tpu.memory_space<vmem>>
      %dma_wait3A_357 = tpu.memref_squeeze %dma_wait3A_356 : memref<1x128xi32, #tpu.memory_space<vmem>> -> memref<128xi32, #tpu.memory_space<vmem>>
      %dma_wait3A_358 = arith.constant 0 : i32
      %dma_wait3A_359 = arith.constant 0 : i32
      %dma_wait3A_360 = tpu.memref_slice %arg2[%arg0, %dma_wait3A_358, %dma_wait3A_359] : memref<2x50000x16xf32, #tpu.memory_space<hbm>> -> memref<1x50000x16xf32, #tpu.memory_space<hbm>>
      %dma_wait3A_361 = tpu.memref_squeeze %dma_wait3A_360 : memref<1x50000x16xf32, #tpu.memory_space<hbm>> -> memref<50000x16xf32, #tpu.memory_space<hbm>>
      %dma_wait3A_362 = arith.constant 0 : i32
      %dma_wait3A_363 = arith.constant 0 : i32
      %dma_wait3A_364 = tpu.memref_slice %dma_wait3A_361[%dma_wait3A_362, %dma_wait3A_363] : memref<50000x16xf32, #tpu.memory_space<hbm>> -> memref<50000x16xf32, #tpu.memory_space<hbm>>
      tpu.wait_indirect_dma semaphore(%arg31 : memref<!tpu.dma_semaphore, #tpu.memory_space<semaphore_mem>>) src(%dma_wait3A_364 : memref<50000x16xf32, #tpu.memory_space<hbm>>) dst(%arg19 : memref<128x16xf32, #tpu.memory_space<vmem>>)
      %dma_start3A_365 = arith.constant 8 : i32
      %dma_start3A_366 = arith.constant 0 : i32
      %dma_start3A_367 = tpu.memref_slice %arg8[%dma_start3A_365, %dma_start3A_366] : memref<10x128xi32, #tpu.memory_space<vmem>> -> memref<1x128xi32, #tpu.memory_space<vmem>>
      %dma_start3A_368 = tpu.memref_squeeze %dma_start3A_367 : memref<1x128xi32, #tpu.memory_space<vmem>> -> memref<128xi32, #tpu.memory_space<vmem>>
      %dma_start3A_369 = arith.constant 0 : i32
      %dma_start3A_370 = arith.constant 0 : i32
      %dma_start3A_371 = tpu.memref_slice %arg22[%dma_start3A_369, %dma_start3A_370] : memref<50176x16xf32, #tpu.memory_space<vmem_shared>> -> memref<50176x16xf32, #tpu.memory_space<vmem_shared>>
      tpu.enqueue_indirect_dma source(%arg19 : memref<128x16xf32, #tpu.memory_space<vmem>>) target(%dma_start3A_371 : memref<50176x16xf32, #tpu.memory_space<vmem_shared>>) offsets(%dma_start3A_368 : memref<128xi32, #tpu.memory_space<vmem>>) semaphore(%arg41 : memref<!tpu.dma_semaphore, #tpu.memory_space<semaphore_mem>>) {add = true}
      %dma_wait3A_372 = arith.constant 9 : i32
      %dma_wait3A_373 = arith.constant 0 : i32
      %dma_wait3A_374 = tpu.memref_slice %arg5[%dma_wait3A_372, %dma_wait3A_373] : memref<10x128xi32, #tpu.memory_space<vmem>> -> memref<1x128xi32, #tpu.memory_space<vmem>>
      %dma_wait3A_375 = tpu.memref_squeeze %dma_wait3A_374 : memref<1x128xi32, #tpu.memory_space<vmem>> -> memref<128xi32, #tpu.memory_space<vmem>>
      %dma_wait3A_376 = arith.constant 0 : i32
      %dma_wait3A_377 = arith.constant 0 : i32
      %dma_wait3A_378 = tpu.memref_slice %arg2[%arg0, %dma_wait3A_376, %dma_wait3A_377] : memref<2x50000x16xf32, #tpu.memory_space<hbm>> -> memref<1x50000x16xf32, #tpu.memory_space<hbm>>
      %dma_wait3A_379 = tpu.memref_squeeze %dma_wait3A_378 : memref<1x50000x16xf32, #tpu.memory_space<hbm>> -> memref<50000x16xf32, #tpu.memory_space<hbm>>
      %dma_wait3A_380 = arith.constant 0 : i32
      %dma_wait3A_381 = arith.constant 0 : i32
      %dma_wait3A_382 = tpu.memref_slice %dma_wait3A_379[%dma_wait3A_380, %dma_wait3A_381] : memref<50000x16xf32, #tpu.memory_space<hbm>> -> memref<50000x16xf32, #tpu.memory_space<hbm>>
      tpu.wait_indirect_dma semaphore(%arg32 : memref<!tpu.dma_semaphore, #tpu.memory_space<semaphore_mem>>) src(%dma_wait3A_382 : memref<50000x16xf32, #tpu.memory_space<hbm>>) dst(%arg20 : memref<128x16xf32, #tpu.memory_space<vmem>>)
      %dma_start3A_383 = arith.constant 9 : i32
      %dma_start3A_384 = arith.constant 0 : i32
      %dma_start3A_385 = tpu.memref_slice %arg8[%dma_start3A_383, %dma_start3A_384] : memref<10x128xi32, #tpu.memory_space<vmem>> -> memref<1x128xi32, #tpu.memory_space<vmem>>
      %dma_start3A_386 = tpu.memref_squeeze %dma_start3A_385 : memref<1x128xi32, #tpu.memory_space<vmem>> -> memref<128xi32, #tpu.memory_space<vmem>>
      %dma_start3A_387 = arith.constant 0 : i32
      %dma_start3A_388 = arith.constant 0 : i32
      %dma_start3A_389 = tpu.memref_slice %arg22[%dma_start3A_387, %dma_start3A_388] : memref<50176x16xf32, #tpu.memory_space<vmem_shared>> -> memref<50176x16xf32, #tpu.memory_space<vmem_shared>>
      tpu.enqueue_indirect_dma source(%arg20 : memref<128x16xf32, #tpu.memory_space<vmem>>) target(%dma_start3A_389 : memref<50176x16xf32, #tpu.memory_space<vmem_shared>>) offsets(%dma_start3A_386 : memref<128xi32, #tpu.memory_space<vmem>>) semaphore(%arg42 : memref<!tpu.dma_semaphore, #tpu.memory_space<semaphore_mem>>) {add = true}
      %dma_wait3A_390 = arith.constant 0 : i32
      %dma_wait3A_391 = arith.constant 0 : i32
      %dma_wait3A_392 = tpu.memref_slice %arg8[%dma_wait3A_390, %dma_wait3A_391] : memref<10x128xi32, #tpu.memory_space<vmem>> -> memref<1x128xi32, #tpu.memory_space<vmem>>
      %dma_wait3A_393 = tpu.memref_squeeze %dma_wait3A_392 : memref<1x128xi32, #tpu.memory_space<vmem>> -> memref<128xi32, #tpu.memory_space<vmem>>
      %dma_wait3A_394 = arith.constant 0 : i32
      %dma_wait3A_395 = arith.constant 0 : i32
      %dma_wait3A_396 = tpu.memref_slice %arg22[%dma_wait3A_394, %dma_wait3A_395] : memref<50176x16xf32, #tpu.memory_space<vmem_shared>> -> memref<50176x16xf32, #tpu.memory_space<vmem_shared>>
      tpu.wait_indirect_dma semaphore(%arg33 : memref<!tpu.dma_semaphore, #tpu.memory_space<semaphore_mem>>) src(%arg11 : memref<128x16xf32, #tpu.memory_space<vmem>>) dst(%dma_wait3A_396 : memref<50176x16xf32, #tpu.memory_space<vmem_shared>>)
      %dma_wait3A_397 = arith.constant 1 : i32
      %dma_wait3A_398 = arith.constant 0 : i32
      %dma_wait3A_399 = tpu.memref_slice %arg8[%dma_wait3A_397, %dma_wait3A_398] : memref<10x128xi32, #tpu.memory_space<vmem>> -> memref<1x128xi32, #tpu.memory_space<vmem>>
      %dma_wait3A_400 = tpu.memref_squeeze %dma_wait3A_399 : memref<1x128xi32, #tpu.memory_space<vmem>> -> memref<128xi32, #tpu.memory_space<vmem>>
      %dma_wait3A_401 = arith.constant 0 : i32
      %dma_wait3A_402 = arith.constant 0 : i32
      %dma_wait3A_403 = tpu.memref_slice %arg22[%dma_wait3A_401, %dma_wait3A_402] : memref<50176x16xf32, #tpu.memory_space<vmem_shared>> -> memref<50176x16xf32, #tpu.memory_space<vmem_shared>>
      tpu.wait_indirect_dma semaphore(%arg34 : memref<!tpu.dma_semaphore, #tpu.memory_space<semaphore_mem>>) src(%arg12 : memref<128x16xf32, #tpu.memory_space<vmem>>) dst(%dma_wait3A_403 : memref<50176x16xf32, #tpu.memory_space<vmem_shared>>)
      %dma_wait3A_404 = arith.constant 2 : i32
      %dma_wait3A_405 = arith.constant 0 : i32
      %dma_wait3A_406 = tpu.memref_slice %arg8[%dma_wait3A_404, %dma_wait3A_405] : memref<10x128xi32, #tpu.memory_space<vmem>> -> memref<1x128xi32, #tpu.memory_space<vmem>>
      %dma_wait3A_407 = tpu.memref_squeeze %dma_wait3A_406 : memref<1x128xi32, #tpu.memory_space<vmem>> -> memref<128xi32, #tpu.memory_space<vmem>>
      %dma_wait3A_408 = arith.constant 0 : i32
      %dma_wait3A_409 = arith.constant 0 : i32
      %dma_wait3A_410 = tpu.memref_slice %arg22[%dma_wait3A_408, %dma_wait3A_409] : memref<50176x16xf32, #tpu.memory_space<vmem_shared>> -> memref<50176x16xf32, #tpu.memory_space<vmem_shared>>
      tpu.wait_indirect_dma semaphore(%arg35 : memref<!tpu.dma_semaphore, #tpu.memory_space<semaphore_mem>>) src(%arg13 : memref<128x16xf32, #tpu.memory_space<vmem>>) dst(%dma_wait3A_410 : memref<50176x16xf32, #tpu.memory_space<vmem_shared>>)
      %dma_wait3A_411 = arith.constant 3 : i32
      %dma_wait3A_412 = arith.constant 0 : i32
      %dma_wait3A_413 = tpu.memref_slice %arg8[%dma_wait3A_411, %dma_wait3A_412] : memref<10x128xi32, #tpu.memory_space<vmem>> -> memref<1x128xi32, #tpu.memory_space<vmem>>
      %dma_wait3A_414 = tpu.memref_squeeze %dma_wait3A_413 : memref<1x128xi32, #tpu.memory_space<vmem>> -> memref<128xi32, #tpu.memory_space<vmem>>
      %dma_wait3A_415 = arith.constant 0 : i32
      %dma_wait3A_416 = arith.constant 0 : i32
      %dma_wait3A_417 = tpu.memref_slice %arg22[%dma_wait3A_415, %dma_wait3A_416] : memref<50176x16xf32, #tpu.memory_space<vmem_shared>> -> memref<50176x16xf32, #tpu.memory_space<vmem_shared>>
      tpu.wait_indirect_dma semaphore(%arg36 : memref<!tpu.dma_semaphore, #tpu.memory_space<semaphore_mem>>) src(%arg14 : memref<128x16xf32, #tpu.memory_space<vmem>>) dst(%dma_wait3A_417 : memref<50176x16xf32, #tpu.memory_space<vmem_shared>>)
      %dma_wait3A_418 = arith.constant 4 : i32
      %dma_wait3A_419 = arith.constant 0 : i32
      %dma_wait3A_420 = tpu.memref_slice %arg8[%dma_wait3A_418, %dma_wait3A_419] : memref<10x128xi32, #tpu.memory_space<vmem>> -> memref<1x128xi32, #tpu.memory_space<vmem>>
      %dma_wait3A_421 = tpu.memref_squeeze %dma_wait3A_420 : memref<1x128xi32, #tpu.memory_space<vmem>> -> memref<128xi32, #tpu.memory_space<vmem>>
      %dma_wait3A_422 = arith.constant 0 : i32
      %dma_wait3A_423 = arith.constant 0 : i32
      %dma_wait3A_424 = tpu.memref_slice %arg22[%dma_wait3A_422, %dma_wait3A_423] : memref<50176x16xf32, #tpu.memory_space<vmem_shared>> -> memref<50176x16xf32, #tpu.memory_space<vmem_shared>>
      tpu.wait_indirect_dma semaphore(%arg37 : memref<!tpu.dma_semaphore, #tpu.memory_space<semaphore_mem>>) src(%arg15 : memref<128x16xf32, #tpu.memory_space<vmem>>) dst(%dma_wait3A_424 : memref<50176x16xf32, #tpu.memory_space<vmem_shared>>)
      %dma_wait3A_425 = arith.constant 5 : i32
      %dma_wait3A_426 = arith.constant 0 : i32
      %dma_wait3A_427 = tpu.memref_slice %arg8[%dma_wait3A_425, %dma_wait3A_426] : memref<10x128xi32, #tpu.memory_space<vmem>> -> memref<1x128xi32, #tpu.memory_space<vmem>>
      %dma_wait3A_428 = tpu.memref_squeeze %dma_wait3A_427 : memref<1x128xi32, #tpu.memory_space<vmem>> -> memref<128xi32, #tpu.memory_space<vmem>>
      %dma_wait3A_429 = arith.constant 0 : i32
      %dma_wait3A_430 = arith.constant 0 : i32
      %dma_wait3A_431 = tpu.memref_slice %arg22[%dma_wait3A_429, %dma_wait3A_430] : memref<50176x16xf32, #tpu.memory_space<vmem_shared>> -> memref<50176x16xf32, #tpu.memory_space<vmem_shared>>
      tpu.wait_indirect_dma semaphore(%arg38 : memref<!tpu.dma_semaphore, #tpu.memory_space<semaphore_mem>>) src(%arg16 : memref<128x16xf32, #tpu.memory_space<vmem>>) dst(%dma_wait3A_431 : memref<50176x16xf32, #tpu.memory_space<vmem_shared>>)
      %dma_wait3A_432 = arith.constant 6 : i32
      %dma_wait3A_433 = arith.constant 0 : i32
      %dma_wait3A_434 = tpu.memref_slice %arg8[%dma_wait3A_432, %dma_wait3A_433] : memref<10x128xi32, #tpu.memory_space<vmem>> -> memref<1x128xi32, #tpu.memory_space<vmem>>
      %dma_wait3A_435 = tpu.memref_squeeze %dma_wait3A_434 : memref<1x128xi32, #tpu.memory_space<vmem>> -> memref<128xi32, #tpu.memory_space<vmem>>
      %dma_wait3A_436 = arith.constant 0 : i32
      %dma_wait3A_437 = arith.constant 0 : i32
      %dma_wait3A_438 = tpu.memref_slice %arg22[%dma_wait3A_436, %dma_wait3A_437] : memref<50176x16xf32, #tpu.memory_space<vmem_shared>> -> memref<50176x16xf32, #tpu.memory_space<vmem_shared>>
      tpu.wait_indirect_dma semaphore(%arg39 : memref<!tpu.dma_semaphore, #tpu.memory_space<semaphore_mem>>) src(%arg17 : memref<128x16xf32, #tpu.memory_space<vmem>>) dst(%dma_wait3A_438 : memref<50176x16xf32, #tpu.memory_space<vmem_shared>>)
      %dma_wait3A_439 = arith.constant 7 : i32
      %dma_wait3A_440 = arith.constant 0 : i32
      %dma_wait3A_441 = tpu.memref_slice %arg8[%dma_wait3A_439, %dma_wait3A_440] : memref<10x128xi32, #tpu.memory_space<vmem>> -> memref<1x128xi32, #tpu.memory_space<vmem>>
      %dma_wait3A_442 = tpu.memref_squeeze %dma_wait3A_441 : memref<1x128xi32, #tpu.memory_space<vmem>> -> memref<128xi32, #tpu.memory_space<vmem>>
      %dma_wait3A_443 = arith.constant 0 : i32
      %dma_wait3A_444 = arith.constant 0 : i32
      %dma_wait3A_445 = tpu.memref_slice %arg22[%dma_wait3A_443, %dma_wait3A_444] : memref<50176x16xf32, #tpu.memory_space<vmem_shared>> -> memref<50176x16xf32, #tpu.memory_space<vmem_shared>>
      tpu.wait_indirect_dma semaphore(%arg40 : memref<!tpu.dma_semaphore, #tpu.memory_space<semaphore_mem>>) src(%arg18 : memref<128x16xf32, #tpu.memory_space<vmem>>) dst(%dma_wait3A_445 : memref<50176x16xf32, #tpu.memory_space<vmem_shared>>)
      %dma_wait3A_446 = arith.constant 8 : i32
      %dma_wait3A_447 = arith.constant 0 : i32
      %dma_wait3A_448 = tpu.memref_slice %arg8[%dma_wait3A_446, %dma_wait3A_447] : memref<10x128xi32, #tpu.memory_space<vmem>> -> memref<1x128xi32, #tpu.memory_space<vmem>>
      %dma_wait3A_449 = tpu.memref_squeeze %dma_wait3A_448 : memref<1x128xi32, #tpu.memory_space<vmem>> -> memref<128xi32, #tpu.memory_space<vmem>>
      %dma_wait3A_450 = arith.constant 0 : i32
      %dma_wait3A_451 = arith.constant 0 : i32
      %dma_wait3A_452 = tpu.memref_slice %arg22[%dma_wait3A_450, %dma_wait3A_451] : memref<50176x16xf32, #tpu.memory_space<vmem_shared>> -> memref<50176x16xf32, #tpu.memory_space<vmem_shared>>
      tpu.wait_indirect_dma semaphore(%arg41 : memref<!tpu.dma_semaphore, #tpu.memory_space<semaphore_mem>>) src(%arg19 : memref<128x16xf32, #tpu.memory_space<vmem>>) dst(%dma_wait3A_452 : memref<50176x16xf32, #tpu.memory_space<vmem_shared>>)
      %dma_wait3A_453 = arith.constant 9 : i32
      %dma_wait3A_454 = arith.constant 0 : i32
      %dma_wait3A_455 = tpu.memref_slice %arg8[%dma_wait3A_453, %dma_wait3A_454] : memref<10x128xi32, #tpu.memory_space<vmem>> -> memref<1x128xi32, #tpu.memory_space<vmem>>
      %dma_wait3A_456 = tpu.memref_squeeze %dma_wait3A_455 : memref<1x128xi32, #tpu.memory_space<vmem>> -> memref<128xi32, #tpu.memory_space<vmem>>
      %dma_wait3A_457 = arith.constant 0 : i32
      %dma_wait3A_458 = arith.constant 0 : i32
      %dma_wait3A_459 = tpu.memref_slice %arg22[%dma_wait3A_457, %dma_wait3A_458] : memref<50176x16xf32, #tpu.memory_space<vmem_shared>> -> memref<50176x16xf32, #tpu.memory_space<vmem_shared>>
      tpu.wait_indirect_dma semaphore(%arg42 : memref<!tpu.dma_semaphore, #tpu.memory_space<semaphore_mem>>) src(%arg20 : memref<128x16xf32, #tpu.memory_space<vmem>>) dst(%dma_wait3A_459 : memref<50176x16xf32, #tpu.memory_space<vmem_shared>>)
      %add3A_460 = arith.constant 3 : i32
      %add3A_461 = arith.addi %add3A_83, %add3A_460 : i32
      %lt3A_462 = arith.constant 39 : i32
      %lt3A_463 = arith.cmpi slt, %add3A_461, %lt3A_462 : i32
      %convert_element_type3A_464 = arith.extui %lt3A_463 : i1 to i32
      %cond3A_465 = arith.constant 0 : i32
      %cond3A_466 = arith.cmpi ne, %convert_element_type3A_464, %cond3A_465 : i32
      scf.if %cond3A_466 {
        %add3A_1243 = arith.constant 3 : i32
        %add3A_1244 = arith.addi %add3A_83, %add3A_1243 : i32
        %mul3A_1245 = arith.constant 10 : i32
        %mul3A_1246 = arith.muli %add3A_1244, %mul3A_1245 : i32
        %add3A_1247 = arith.addi %sub3A_3, %mul3A_1246 : i32
        %dma_start3A_1248 = arith.constant 0 : i32
        %dma_start3A_1249 = arith.constant 0 : i32
        %dma_start3A_1250 = tpu.memref_slice %arg3[%dma_start3A_1248, %add3A_1247, %dma_start3A_1249] : memref<2x6250x128xi32, #tpu.memory_space<hbm>> -> memref<1x10x128xi32, #tpu.memory_space<hbm>>
        %dma_start3A_1251 = tpu.memref_squeeze %dma_start3A_1250 : memref<1x10x128xi32, #tpu.memory_space<hbm>> -> memref<10x128xi32, #tpu.memory_space<hbm>>
        %dma_start3A_1252 = arith.constant 0 : i32
        %dma_start3A_1253 = tpu.memref_slice %arg3[%dma_start3A_1248, %add3A_1247, %dma_start3A_1252] : memref<2x6250x128xi32, #tpu.memory_space<hbm>> -> memref<1x10x128xi32, #tpu.memory_space<hbm>>
        %dma_start3A_1254 = tpu.memref_squeeze %dma_start3A_1253 : memref<1x10x128xi32, #tpu.memory_space<hbm>> -> memref<10x128xi32, #tpu.memory_space<hbm>>
        tpu.enqueue_dma source(%dma_start3A_1254 : memref<10x128xi32, #tpu.memory_space<hbm>>) target(%arg5 : memref<10x128xi32, #tpu.memory_space<vmem>>) target_semaphore(%arg43 : memref<!tpu.dma_semaphore, #tpu.memory_space<semaphore_mem>>)
        %dma_start3A_1255 = arith.constant 1 : i32
        %dma_start3A_1256 = arith.constant 0 : i32
        %dma_start3A_1257 = tpu.memref_slice %arg3[%dma_start3A_1255, %add3A_1247, %dma_start3A_1256] : memref<2x6250x128xi32, #tpu.memory_space<hbm>> -> memref<1x10x128xi32, #tpu.memory_space<hbm>>
        %dma_start3A_1258 = tpu.memref_squeeze %dma_start3A_1257 : memref<1x10x128xi32, #tpu.memory_space<hbm>> -> memref<10x128xi32, #tpu.memory_space<hbm>>
        %dma_start3A_1259 = arith.constant 0 : i32
        %dma_start3A_1260 = tpu.memref_slice %arg3[%dma_start3A_1255, %add3A_1247, %dma_start3A_1259] : memref<2x6250x128xi32, #tpu.memory_space<hbm>> -> memref<1x10x128xi32, #tpu.memory_space<hbm>>
        %dma_start3A_1261 = tpu.memref_squeeze %dma_start3A_1260 : memref<1x10x128xi32, #tpu.memory_space<hbm>> -> memref<10x128xi32, #tpu.memory_space<hbm>>
        tpu.enqueue_dma source(%dma_start3A_1261 : memref<10x128xi32, #tpu.memory_space<hbm>>) target(%arg8 : memref<10x128xi32, #tpu.memory_space<vmem>>) target_semaphore(%arg46 : memref<!tpu.dma_semaphore, #tpu.memory_space<semaphore_mem>>)
      } else {
      }
      %mul3A_467 = arith.constant 3 : i32
      %mul3A_468 = arith.muli %mul3A_467, %scan3A_79 : i32
      %add3A_469 = arith.constant 1 : i32
      %add3A_470 = arith.addi %mul3A_468, %add3A_469 : i32
      %mul3A_471 = arith.constant 10 : i32
      %mul3A_472 = arith.muli %add3A_470, %mul3A_471 : i32
      %add3A_473 = arith.addi %sub3A_3, %mul3A_472 : i32
      %dma_wait3A_474 = arith.constant 0 : i32
      %dma_wait3A_475 = arith.constant 0 : i32
      %dma_wait3A_476 = tpu.memref_slice %arg3[%dma_wait3A_474, %add3A_473, %dma_wait3A_475] : memref<2x6250x128xi32, #tpu.memory_space<hbm>> -> memref<1x10x128xi32, #tpu.memory_space<hbm>>
      %dma_wait3A_477 = tpu.memref_squeeze %dma_wait3A_476 : memref<1x10x128xi32, #tpu.memory_space<hbm>> -> memref<10x128xi32, #tpu.memory_space<hbm>>
      %dma_wait3A_478 = arith.constant 0 : i32
      %dma_wait3A_479 = tpu.memref_slice %arg3[%dma_wait3A_474, %add3A_473, %dma_wait3A_478] : memref<2x6250x128xi32, #tpu.memory_space<hbm>> -> memref<1x10x128xi32, #tpu.memory_space<hbm>>
      %dma_wait3A_480 = tpu.memref_squeeze %dma_wait3A_479 : memref<1x10x128xi32, #tpu.memory_space<hbm>> -> memref<10x128xi32, #tpu.memory_space<hbm>>
      tpu.wait_dma2 semaphore(%arg44 : memref<!tpu.dma_semaphore, #tpu.memory_space<semaphore_mem>>) src(%dma_wait3A_480 : memref<10x128xi32, #tpu.memory_space<hbm>>) dst(%arg6 : memref<10x128xi32, #tpu.memory_space<vmem>>)
      %dma_wait3A_481 = arith.constant 1 : i32
      %dma_wait3A_482 = arith.constant 0 : i32
      %dma_wait3A_483 = tpu.memref_slice %arg3[%dma_wait3A_481, %add3A_473, %dma_wait3A_482] : memref<2x6250x128xi32, #tpu.memory_space<hbm>> -> memref<1x10x128xi32, #tpu.memory_space<hbm>>
      %dma_wait3A_484 = tpu.memref_squeeze %dma_wait3A_483 : memref<1x10x128xi32, #tpu.memory_space<hbm>> -> memref<10x128xi32, #tpu.memory_space<hbm>>
      %dma_wait3A_485 = arith.constant 0 : i32
      %dma_wait3A_486 = tpu.memref_slice %arg3[%dma_wait3A_481, %add3A_473, %dma_wait3A_485] : memref<2x6250x128xi32, #tpu.memory_space<hbm>> -> memref<1x10x128xi32, #tpu.memory_space<hbm>>
      %dma_wait3A_487 = tpu.memref_squeeze %dma_wait3A_486 : memref<1x10x128xi32, #tpu.memory_space<hbm>> -> memref<10x128xi32, #tpu.memory_space<hbm>>
      tpu.wait_dma2 semaphore(%arg47 : memref<!tpu.dma_semaphore, #tpu.memory_space<semaphore_mem>>) src(%dma_wait3A_487 : memref<10x128xi32, #tpu.memory_space<hbm>>) dst(%arg9 : memref<10x128xi32, #tpu.memory_space<vmem>>)
      %dma_start3A_488 = arith.constant 0 : i32
      %dma_start3A_489 = arith.constant 0 : i32
      %dma_start3A_490 = tpu.memref_slice %arg6[%dma_start3A_488, %dma_start3A_489] : memref<10x128xi32, #tpu.memory_space<vmem>> -> memref<1x128xi32, #tpu.memory_space<vmem>>
      %dma_start3A_491 = tpu.memref_squeeze %dma_start3A_490 : memref<1x128xi32, #tpu.memory_space<vmem>> -> memref<128xi32, #tpu.memory_space<vmem>>
      %dma_start3A_492 = arith.constant 0 : i32
      %dma_start3A_493 = arith.constant 0 : i32
      %dma_start3A_494 = tpu.memref_slice %arg2[%arg0, %dma_start3A_492, %dma_start3A_493] : memref<2x50000x16xf32, #tpu.memory_space<hbm>> -> memref<1x50000x16xf32, #tpu.memory_space<hbm>>
      %dma_start3A_495 = tpu.memref_squeeze %dma_start3A_494 : memref<1x50000x16xf32, #tpu.memory_space<hbm>> -> memref<50000x16xf32, #tpu.memory_space<hbm>>
      %dma_start3A_496 = arith.constant 0 : i32
      %dma_start3A_497 = arith.constant 0 : i32
      %dma_start3A_498 = tpu.memref_slice %dma_start3A_495[%dma_start3A_496, %dma_start3A_497] : memref<50000x16xf32, #tpu.memory_space<hbm>> -> memref<50000x16xf32, #tpu.memory_space<hbm>>
      tpu.enqueue_indirect_dma source(%dma_start3A_498 : memref<50000x16xf32, #tpu.memory_space<hbm>>) target(%arg11 : memref<128x16xf32, #tpu.memory_space<vmem>>) offsets(%dma_start3A_491 : memref<128xi32, #tpu.memory_space<vmem>>) semaphore(%arg23 : memref<!tpu.dma_semaphore, #tpu.memory_space<semaphore_mem>>)
      %dma_start3A_499 = arith.constant 1 : i32
      %dma_start3A_500 = arith.constant 0 : i32
      %dma_start3A_501 = tpu.memref_slice %arg6[%dma_start3A_499, %dma_start3A_500] : memref<10x128xi32, #tpu.memory_space<vmem>> -> memref<1x128xi32, #tpu.memory_space<vmem>>
      %dma_start3A_502 = tpu.memref_squeeze %dma_start3A_501 : memref<1x128xi32, #tpu.memory_space<vmem>> -> memref<128xi32, #tpu.memory_space<vmem>>
      %dma_start3A_503 = arith.constant 0 : i32
      %dma_start3A_504 = arith.constant 0 : i32
      %dma_start3A_505 = tpu.memref_slice %arg2[%arg0, %dma_start3A_503, %dma_start3A_504] : memref<2x50000x16xf32, #tpu.memory_space<hbm>> -> memref<1x50000x16xf32, #tpu.memory_space<hbm>>
      %dma_start3A_506 = tpu.memref_squeeze %dma_start3A_505 : memref<1x50000x16xf32, #tpu.memory_space<hbm>> -> memref<50000x16xf32, #tpu.memory_space<hbm>>
      %dma_start3A_507 = arith.constant 0 : i32
      %dma_start3A_508 = arith.constant 0 : i32
      %dma_start3A_509 = tpu.memref_slice %dma_start3A_506[%dma_start3A_507, %dma_start3A_508] : memref<50000x16xf32, #tpu.memory_space<hbm>> -> memref<50000x16xf32, #tpu.memory_space<hbm>>
      tpu.enqueue_indirect_dma source(%dma_start3A_509 : memref<50000x16xf32, #tpu.memory_space<hbm>>) target(%arg12 : memref<128x16xf32, #tpu.memory_space<vmem>>) offsets(%dma_start3A_502 : memref<128xi32, #tpu.memory_space<vmem>>) semaphore(%arg24 : memref<!tpu.dma_semaphore, #tpu.memory_space<semaphore_mem>>)
      %dma_start3A_510 = arith.constant 2 : i32
      %dma_start3A_511 = arith.constant 0 : i32
      %dma_start3A_512 = tpu.memref_slice %arg6[%dma_start3A_510, %dma_start3A_511] : memref<10x128xi32, #tpu.memory_space<vmem>> -> memref<1x128xi32, #tpu.memory_space<vmem>>
      %dma_start3A_513 = tpu.memref_squeeze %dma_start3A_512 : memref<1x128xi32, #tpu.memory_space<vmem>> -> memref<128xi32, #tpu.memory_space<vmem>>
      %dma_start3A_514 = arith.constant 0 : i32
      %dma_start3A_515 = arith.constant 0 : i32
      %dma_start3A_516 = tpu.memref_slice %arg2[%arg0, %dma_start3A_514, %dma_start3A_515] : memref<2x50000x16xf32, #tpu.memory_space<hbm>> -> memref<1x50000x16xf32, #tpu.memory_space<hbm>>
      %dma_start3A_517 = tpu.memref_squeeze %dma_start3A_516 : memref<1x50000x16xf32, #tpu.memory_space<hbm>> -> memref<50000x16xf32, #tpu.memory_space<hbm>>
      %dma_start3A_518 = arith.constant 0 : i32
      %dma_start3A_519 = arith.constant 0 : i32
      %dma_start3A_520 = tpu.memref_slice %dma_start3A_517[%dma_start3A_518, %dma_start3A_519] : memref<50000x16xf32, #tpu.memory_space<hbm>> -> memref<50000x16xf32, #tpu.memory_space<hbm>>
      tpu.enqueue_indirect_dma source(%dma_start3A_520 : memref<50000x16xf32, #tpu.memory_space<hbm>>) target(%arg13 : memref<128x16xf32, #tpu.memory_space<vmem>>) offsets(%dma_start3A_513 : memref<128xi32, #tpu.memory_space<vmem>>) semaphore(%arg25 : memref<!tpu.dma_semaphore, #tpu.memory_space<semaphore_mem>>)
      %dma_start3A_521 = arith.constant 3 : i32
      %dma_start3A_522 = arith.constant 0 : i32
      %dma_start3A_523 = tpu.memref_slice %arg6[%dma_start3A_521, %dma_start3A_522] : memref<10x128xi32, #tpu.memory_space<vmem>> -> memref<1x128xi32, #tpu.memory_space<vmem>>
      %dma_start3A_524 = tpu.memref_squeeze %dma_start3A_523 : memref<1x128xi32, #tpu.memory_space<vmem>> -> memref<128xi32, #tpu.memory_space<vmem>>
      %dma_start3A_525 = arith.constant 0 : i32
      %dma_start3A_526 = arith.constant 0 : i32
      %dma_start3A_527 = tpu.memref_slice %arg2[%arg0, %dma_start3A_525, %dma_start3A_526] : memref<2x50000x16xf32, #tpu.memory_space<hbm>> -> memref<1x50000x16xf32, #tpu.memory_space<hbm>>
      %dma_start3A_528 = tpu.memref_squeeze %dma_start3A_527 : memref<1x50000x16xf32, #tpu.memory_space<hbm>> -> memref<50000x16xf32, #tpu.memory_space<hbm>>
      %dma_start3A_529 = arith.constant 0 : i32
      %dma_start3A_530 = arith.constant 0 : i32
      %dma_start3A_531 = tpu.memref_slice %dma_start3A_528[%dma_start3A_529, %dma_start3A_530] : memref<50000x16xf32, #tpu.memory_space<hbm>> -> memref<50000x16xf32, #tpu.memory_space<hbm>>
      tpu.enqueue_indirect_dma source(%dma_start3A_531 : memref<50000x16xf32, #tpu.memory_space<hbm>>) target(%arg14 : memref<128x16xf32, #tpu.memory_space<vmem>>) offsets(%dma_start3A_524 : memref<128xi32, #tpu.memory_space<vmem>>) semaphore(%arg26 : memref<!tpu.dma_semaphore, #tpu.memory_space<semaphore_mem>>)
      %dma_start3A_532 = arith.constant 4 : i32
      %dma_start3A_533 = arith.constant 0 : i32
      %dma_start3A_534 = tpu.memref_slice %arg6[%dma_start3A_532, %dma_start3A_533] : memref<10x128xi32, #tpu.memory_space<vmem>> -> memref<1x128xi32, #tpu.memory_space<vmem>>
      %dma_start3A_535 = tpu.memref_squeeze %dma_start3A_534 : memref<1x128xi32, #tpu.memory_space<vmem>> -> memref<128xi32, #tpu.memory_space<vmem>>
      %dma_start3A_536 = arith.constant 0 : i32
      %dma_start3A_537 = arith.constant 0 : i32
      %dma_start3A_538 = tpu.memref_slice %arg2[%arg0, %dma_start3A_536, %dma_start3A_537] : memref<2x50000x16xf32, #tpu.memory_space<hbm>> -> memref<1x50000x16xf32, #tpu.memory_space<hbm>>
      %dma_start3A_539 = tpu.memref_squeeze %dma_start3A_538 : memref<1x50000x16xf32, #tpu.memory_space<hbm>> -> memref<50000x16xf32, #tpu.memory_space<hbm>>
      %dma_start3A_540 = arith.constant 0 : i32
      %dma_start3A_541 = arith.constant 0 : i32
      %dma_start3A_542 = tpu.memref_slice %dma_start3A_539[%dma_start3A_540, %dma_start3A_541] : memref<50000x16xf32, #tpu.memory_space<hbm>> -> memref<50000x16xf32, #tpu.memory_space<hbm>>
      tpu.enqueue_indirect_dma source(%dma_start3A_542 : memref<50000x16xf32, #tpu.memory_space<hbm>>) target(%arg15 : memref<128x16xf32, #tpu.memory_space<vmem>>) offsets(%dma_start3A_535 : memref<128xi32, #tpu.memory_space<vmem>>) semaphore(%arg27 : memref<!tpu.dma_semaphore, #tpu.memory_space<semaphore_mem>>)
      %dma_start3A_543 = arith.constant 5 : i32
      %dma_start3A_544 = arith.constant 0 : i32
      %dma_start3A_545 = tpu.memref_slice %arg6[%dma_start3A_543, %dma_start3A_544] : memref<10x128xi32, #tpu.memory_space<vmem>> -> memref<1x128xi32, #tpu.memory_space<vmem>>
      %dma_start3A_546 = tpu.memref_squeeze %dma_start3A_545 : memref<1x128xi32, #tpu.memory_space<vmem>> -> memref<128xi32, #tpu.memory_space<vmem>>
      %dma_start3A_547 = arith.constant 0 : i32
      %dma_start3A_548 = arith.constant 0 : i32
      %dma_start3A_549 = tpu.memref_slice %arg2[%arg0, %dma_start3A_547, %dma_start3A_548] : memref<2x50000x16xf32, #tpu.memory_space<hbm>> -> memref<1x50000x16xf32, #tpu.memory_space<hbm>>
      %dma_start3A_550 = tpu.memref_squeeze %dma_start3A_549 : memref<1x50000x16xf32, #tpu.memory_space<hbm>> -> memref<50000x16xf32, #tpu.memory_space<hbm>>
      %dma_start3A_551 = arith.constant 0 : i32
      %dma_start3A_552 = arith.constant 0 : i32
      %dma_start3A_553 = tpu.memref_slice %dma_start3A_550[%dma_start3A_551, %dma_start3A_552] : memref<50000x16xf32, #tpu.memory_space<hbm>> -> memref<50000x16xf32, #tpu.memory_space<hbm>>
      tpu.enqueue_indirect_dma source(%dma_start3A_553 : memref<50000x16xf32, #tpu.memory_space<hbm>>) target(%arg16 : memref<128x16xf32, #tpu.memory_space<vmem>>) offsets(%dma_start3A_546 : memref<128xi32, #tpu.memory_space<vmem>>) semaphore(%arg28 : memref<!tpu.dma_semaphore, #tpu.memory_space<semaphore_mem>>)
      %dma_start3A_554 = arith.constant 6 : i32
      %dma_start3A_555 = arith.constant 0 : i32
      %dma_start3A_556 = tpu.memref_slice %arg6[%dma_start3A_554, %dma_start3A_555] : memref<10x128xi32, #tpu.memory_space<vmem>> -> memref<1x128xi32, #tpu.memory_space<vmem>>
      %dma_start3A_557 = tpu.memref_squeeze %dma_start3A_556 : memref<1x128xi32, #tpu.memory_space<vmem>> -> memref<128xi32, #tpu.memory_space<vmem>>
      %dma_start3A_558 = arith.constant 0 : i32
      %dma_start3A_559 = arith.constant 0 : i32
      %dma_start3A_560 = tpu.memref_slice %arg2[%arg0, %dma_start3A_558, %dma_start3A_559] : memref<2x50000x16xf32, #tpu.memory_space<hbm>> -> memref<1x50000x16xf32, #tpu.memory_space<hbm>>
      %dma_start3A_561 = tpu.memref_squeeze %dma_start3A_560 : memref<1x50000x16xf32, #tpu.memory_space<hbm>> -> memref<50000x16xf32, #tpu.memory_space<hbm>>
      %dma_start3A_562 = arith.constant 0 : i32
      %dma_start3A_563 = arith.constant 0 : i32
      %dma_start3A_564 = tpu.memref_slice %dma_start3A_561[%dma_start3A_562, %dma_start3A_563] : memref<50000x16xf32, #tpu.memory_space<hbm>> -> memref<50000x16xf32, #tpu.memory_space<hbm>>
      tpu.enqueue_indirect_dma source(%dma_start3A_564 : memref<50000x16xf32, #tpu.memory_space<hbm>>) target(%arg17 : memref<128x16xf32, #tpu.memory_space<vmem>>) offsets(%dma_start3A_557 : memref<128xi32, #tpu.memory_space<vmem>>) semaphore(%arg29 : memref<!tpu.dma_semaphore, #tpu.memory_space<semaphore_mem>>)
      %dma_start3A_565 = arith.constant 7 : i32
      %dma_start3A_566 = arith.constant 0 : i32
      %dma_start3A_567 = tpu.memref_slice %arg6[%dma_start3A_565, %dma_start3A_566] : memref<10x128xi32, #tpu.memory_space<vmem>> -> memref<1x128xi32, #tpu.memory_space<vmem>>
      %dma_start3A_568 = tpu.memref_squeeze %dma_start3A_567 : memref<1x128xi32, #tpu.memory_space<vmem>> -> memref<128xi32, #tpu.memory_space<vmem>>
      %dma_start3A_569 = arith.constant 0 : i32
      %dma_start3A_570 = arith.constant 0 : i32
      %dma_start3A_571 = tpu.memref_slice %arg2[%arg0, %dma_start3A_569, %dma_start3A_570] : memref<2x50000x16xf32, #tpu.memory_space<hbm>> -> memref<1x50000x16xf32, #tpu.memory_space<hbm>>
      %dma_start3A_572 = tpu.memref_squeeze %dma_start3A_571 : memref<1x50000x16xf32, #tpu.memory_space<hbm>> -> memref<50000x16xf32, #tpu.memory_space<hbm>>
      %dma_start3A_573 = arith.constant 0 : i32
      %dma_start3A_574 = arith.constant 0 : i32
      %dma_start3A_575 = tpu.memref_slice %dma_start3A_572[%dma_start3A_573, %dma_start3A_574] : memref<50000x16xf32, #tpu.memory_space<hbm>> -> memref<50000x16xf32, #tpu.memory_space<hbm>>
      tpu.enqueue_indirect_dma source(%dma_start3A_575 : memref<50000x16xf32, #tpu.memory_space<hbm>>) target(%arg18 : memref<128x16xf32, #tpu.memory_space<vmem>>) offsets(%dma_start3A_568 : memref<128xi32, #tpu.memory_space<vmem>>) semaphore(%arg30 : memref<!tpu.dma_semaphore, #tpu.memory_space<semaphore_mem>>)
      %dma_start3A_576 = arith.constant 8 : i32
      %dma_start3A_577 = arith.constant 0 : i32
      %dma_start3A_578 = tpu.memref_slice %arg6[%dma_start3A_576, %dma_start3A_577] : memref<10x128xi32, #tpu.memory_space<vmem>> -> memref<1x128xi32, #tpu.memory_space<vmem>>
      %dma_start3A_579 = tpu.memref_squeeze %dma_start3A_578 : memref<1x128xi32, #tpu.memory_space<vmem>> -> memref<128xi32, #tpu.memory_space<vmem>>
      %dma_start3A_580 = arith.constant 0 : i32
      %dma_start3A_581 = arith.constant 0 : i32
      %dma_start3A_582 = tpu.memref_slice %arg2[%arg0, %dma_start3A_580, %dma_start3A_581] : memref<2x50000x16xf32, #tpu.memory_space<hbm>> -> memref<1x50000x16xf32, #tpu.memory_space<hbm>>
      %dma_start3A_583 = tpu.memref_squeeze %dma_start3A_582 : memref<1x50000x16xf32, #tpu.memory_space<hbm>> -> memref<50000x16xf32, #tpu.memory_space<hbm>>
      %dma_start3A_584 = arith.constant 0 : i32
      %dma_start3A_585 = arith.constant 0 : i32
      %dma_start3A_586 = tpu.memref_slice %dma_start3A_583[%dma_start3A_584, %dma_start3A_585] : memref<50000x16xf32, #tpu.memory_space<hbm>> -> memref<50000x16xf32, #tpu.memory_space<hbm>>
      tpu.enqueue_indirect_dma source(%dma_start3A_586 : memref<50000x16xf32, #tpu.memory_space<hbm>>) target(%arg19 : memref<128x16xf32, #tpu.memory_space<vmem>>) offsets(%dma_start3A_579 : memref<128xi32, #tpu.memory_space<vmem>>) semaphore(%arg31 : memref<!tpu.dma_semaphore, #tpu.memory_space<semaphore_mem>>)
      %dma_start3A_587 = arith.constant 9 : i32
      %dma_start3A_588 = arith.constant 0 : i32
      %dma_start3A_589 = tpu.memref_slice %arg6[%dma_start3A_587, %dma_start3A_588] : memref<10x128xi32, #tpu.memory_space<vmem>> -> memref<1x128xi32, #tpu.memory_space<vmem>>
      %dma_start3A_590 = tpu.memref_squeeze %dma_start3A_589 : memref<1x128xi32, #tpu.memory_space<vmem>> -> memref<128xi32, #tpu.memory_space<vmem>>
      %dma_start3A_591 = arith.constant 0 : i32
      %dma_start3A_592 = arith.constant 0 : i32
      %dma_start3A_593 = tpu.memref_slice %arg2[%arg0, %dma_start3A_591, %dma_start3A_592] : memref<2x50000x16xf32, #tpu.memory_space<hbm>> -> memref<1x50000x16xf32, #tpu.memory_space<hbm>>
      %dma_start3A_594 = tpu.memref_squeeze %dma_start3A_593 : memref<1x50000x16xf32, #tpu.memory_space<hbm>> -> memref<50000x16xf32, #tpu.memory_space<hbm>>
      %dma_start3A_595 = arith.constant 0 : i32
      %dma_start3A_596 = arith.constant 0 : i32
      %dma_start3A_597 = tpu.memref_slice %dma_start3A_594[%dma_start3A_595, %dma_start3A_596] : memref<50000x16xf32, #tpu.memory_space<hbm>> -> memref<50000x16xf32, #tpu.memory_space<hbm>>
      tpu.enqueue_indirect_dma source(%dma_start3A_597 : memref<50000x16xf32, #tpu.memory_space<hbm>>) target(%arg20 : memref<128x16xf32, #tpu.memory_space<vmem>>) offsets(%dma_start3A_590 : memref<128xi32, #tpu.memory_space<vmem>>) semaphore(%arg32 : memref<!tpu.dma_semaphore, #tpu.memory_space<semaphore_mem>>)
      %dma_wait3A_598 = arith.constant 0 : i32
      %dma_wait3A_599 = arith.constant 0 : i32
      %dma_wait3A_600 = tpu.memref_slice %arg6[%dma_wait3A_598, %dma_wait3A_599] : memref<10x128xi32, #tpu.memory_space<vmem>> -> memref<1x128xi32, #tpu.memory_space<vmem>>
      %dma_wait3A_601 = tpu.memref_squeeze %dma_wait3A_600 : memref<1x128xi32, #tpu.memory_space<vmem>> -> memref<128xi32, #tpu.memory_space<vmem>>
      %dma_wait3A_602 = arith.constant 0 : i32
      %dma_wait3A_603 = arith.constant 0 : i32
      %dma_wait3A_604 = tpu.memref_slice %arg2[%arg0, %dma_wait3A_602, %dma_wait3A_603] : memref<2x50000x16xf32, #tpu.memory_space<hbm>> -> memref<1x50000x16xf32, #tpu.memory_space<hbm>>
      %dma_wait3A_605 = tpu.memref_squeeze %dma_wait3A_604 : memref<1x50000x16xf32, #tpu.memory_space<hbm>> -> memref<50000x16xf32, #tpu.memory_space<hbm>>
      %dma_wait3A_606 = arith.constant 0 : i32
      %dma_wait3A_607 = arith.constant 0 : i32
      %dma_wait3A_608 = tpu.memref_slice %dma_wait3A_605[%dma_wait3A_606, %dma_wait3A_607] : memref<50000x16xf32, #tpu.memory_space<hbm>> -> memref<50000x16xf32, #tpu.memory_space<hbm>>
      tpu.wait_indirect_dma semaphore(%arg23 : memref<!tpu.dma_semaphore, #tpu.memory_space<semaphore_mem>>) src(%dma_wait3A_608 : memref<50000x16xf32, #tpu.memory_space<hbm>>) dst(%arg11 : memref<128x16xf32, #tpu.memory_space<vmem>>)
      %dma_start3A_609 = arith.constant 0 : i32
      %dma_start3A_610 = arith.constant 0 : i32
      %dma_start3A_611 = tpu.memref_slice %arg9[%dma_start3A_609, %dma_start3A_610] : memref<10x128xi32, #tpu.memory_space<vmem>> -> memref<1x128xi32, #tpu.memory_space<vmem>>
      %dma_start3A_612 = tpu.memref_squeeze %dma_start3A_611 : memref<1x128xi32, #tpu.memory_space<vmem>> -> memref<128xi32, #tpu.memory_space<vmem>>
      %dma_start3A_613 = arith.constant 0 : i32
      %dma_start3A_614 = arith.constant 0 : i32
      %dma_start3A_615 = tpu.memref_slice %arg22[%dma_start3A_613, %dma_start3A_614] : memref<50176x16xf32, #tpu.memory_space<vmem_shared>> -> memref<50176x16xf32, #tpu.memory_space<vmem_shared>>
      tpu.enqueue_indirect_dma source(%arg11 : memref<128x16xf32, #tpu.memory_space<vmem>>) target(%dma_start3A_615 : memref<50176x16xf32, #tpu.memory_space<vmem_shared>>) offsets(%dma_start3A_612 : memref<128xi32, #tpu.memory_space<vmem>>) semaphore(%arg33 : memref<!tpu.dma_semaphore, #tpu.memory_space<semaphore_mem>>) {add = true}
      %dma_wait3A_616 = arith.constant 1 : i32
      %dma_wait3A_617 = arith.constant 0 : i32
      %dma_wait3A_618 = tpu.memref_slice %arg6[%dma_wait3A_616, %dma_wait3A_617] : memref<10x128xi32, #tpu.memory_space<vmem>> -> memref<1x128xi32, #tpu.memory_space<vmem>>
      %dma_wait3A_619 = tpu.memref_squeeze %dma_wait3A_618 : memref<1x128xi32, #tpu.memory_space<vmem>> -> memref<128xi32, #tpu.memory_space<vmem>>
      %dma_wait3A_620 = arith.constant 0 : i32
      %dma_wait3A_621 = arith.constant 0 : i32
      %dma_wait3A_622 = tpu.memref_slice %arg2[%arg0, %dma_wait3A_620, %dma_wait3A_621] : memref<2x50000x16xf32, #tpu.memory_space<hbm>> -> memref<1x50000x16xf32, #tpu.memory_space<hbm>>
      %dma_wait3A_623 = tpu.memref_squeeze %dma_wait3A_622 : memref<1x50000x16xf32, #tpu.memory_space<hbm>> -> memref<50000x16xf32, #tpu.memory_space<hbm>>
      %dma_wait3A_624 = arith.constant 0 : i32
      %dma_wait3A_625 = arith.constant 0 : i32
      %dma_wait3A_626 = tpu.memref_slice %dma_wait3A_623[%dma_wait3A_624, %dma_wait3A_625] : memref<50000x16xf32, #tpu.memory_space<hbm>> -> memref<50000x16xf32, #tpu.memory_space<hbm>>
      tpu.wait_indirect_dma semaphore(%arg24 : memref<!tpu.dma_semaphore, #tpu.memory_space<semaphore_mem>>) src(%dma_wait3A_626 : memref<50000x16xf32, #tpu.memory_space<hbm>>) dst(%arg12 : memref<128x16xf32, #tpu.memory_space<vmem>>)
      %dma_start3A_627 = arith.constant 1 : i32
      %dma_start3A_628 = arith.constant 0 : i32
      %dma_start3A_629 = tpu.memref_slice %arg9[%dma_start3A_627, %dma_start3A_628] : memref<10x128xi32, #tpu.memory_space<vmem>> -> memref<1x128xi32, #tpu.memory_space<vmem>>
      %dma_start3A_630 = tpu.memref_squeeze %dma_start3A_629 : memref<1x128xi32, #tpu.memory_space<vmem>> -> memref<128xi32, #tpu.memory_space<vmem>>
      %dma_start3A_631 = arith.constant 0 : i32
      %dma_start3A_632 = arith.constant 0 : i32
      %dma_start3A_633 = tpu.memref_slice %arg22[%dma_start3A_631, %dma_start3A_632] : memref<50176x16xf32, #tpu.memory_space<vmem_shared>> -> memref<50176x16xf32, #tpu.memory_space<vmem_shared>>
      tpu.enqueue_indirect_dma source(%arg12 : memref<128x16xf32, #tpu.memory_space<vmem>>) target(%dma_start3A_633 : memref<50176x16xf32, #tpu.memory_space<vmem_shared>>) offsets(%dma_start3A_630 : memref<128xi32, #tpu.memory_space<vmem>>) semaphore(%arg34 : memref<!tpu.dma_semaphore, #tpu.memory_space<semaphore_mem>>) {add = true}
      %dma_wait3A_634 = arith.constant 2 : i32
      %dma_wait3A_635 = arith.constant 0 : i32
      %dma_wait3A_636 = tpu.memref_slice %arg6[%dma_wait3A_634, %dma_wait3A_635] : memref<10x128xi32, #tpu.memory_space<vmem>> -> memref<1x128xi32, #tpu.memory_space<vmem>>
      %dma_wait3A_637 = tpu.memref_squeeze %dma_wait3A_636 : memref<1x128xi32, #tpu.memory_space<vmem>> -> memref<128xi32, #tpu.memory_space<vmem>>
      %dma_wait3A_638 = arith.constant 0 : i32
      %dma_wait3A_639 = arith.constant 0 : i32
      %dma_wait3A_640 = tpu.memref_slice %arg2[%arg0, %dma_wait3A_638, %dma_wait3A_639] : memref<2x50000x16xf32, #tpu.memory_space<hbm>> -> memref<1x50000x16xf32, #tpu.memory_space<hbm>>
      %dma_wait3A_641 = tpu.memref_squeeze %dma_wait3A_640 : memref<1x50000x16xf32, #tpu.memory_space<hbm>> -> memref<50000x16xf32, #tpu.memory_space<hbm>>
      %dma_wait3A_642 = arith.constant 0 : i32
      %dma_wait3A_643 = arith.constant 0 : i32
      %dma_wait3A_644 = tpu.memref_slice %dma_wait3A_641[%dma_wait3A_642, %dma_wait3A_643] : memref<50000x16xf32, #tpu.memory_space<hbm>> -> memref<50000x16xf32, #tpu.memory_space<hbm>>
      tpu.wait_indirect_dma semaphore(%arg25 : memref<!tpu.dma_semaphore, #tpu.memory_space<semaphore_mem>>) src(%dma_wait3A_644 : memref<50000x16xf32, #tpu.memory_space<hbm>>) dst(%arg13 : memref<128x16xf32, #tpu.memory_space<vmem>>)
      %dma_start3A_645 = arith.constant 2 : i32
      %dma_start3A_646 = arith.constant 0 : i32
      %dma_start3A_647 = tpu.memref_slice %arg9[%dma_start3A_645, %dma_start3A_646] : memref<10x128xi32, #tpu.memory_space<vmem>> -> memref<1x128xi32, #tpu.memory_space<vmem>>
      %dma_start3A_648 = tpu.memref_squeeze %dma_start3A_647 : memref<1x128xi32, #tpu.memory_space<vmem>> -> memref<128xi32, #tpu.memory_space<vmem>>
      %dma_start3A_649 = arith.constant 0 : i32
      %dma_start3A_650 = arith.constant 0 : i32
      %dma_start3A_651 = tpu.memref_slice %arg22[%dma_start3A_649, %dma_start3A_650] : memref<50176x16xf32, #tpu.memory_space<vmem_shared>> -> memref<50176x16xf32, #tpu.memory_space<vmem_shared>>
      tpu.enqueue_indirect_dma source(%arg13 : memref<128x16xf32, #tpu.memory_space<vmem>>) target(%dma_start3A_651 : memref<50176x16xf32, #tpu.memory_space<vmem_shared>>) offsets(%dma_start3A_648 : memref<128xi32, #tpu.memory_space<vmem>>) semaphore(%arg35 : memref<!tpu.dma_semaphore, #tpu.memory_space<semaphore_mem>>) {add = true}
      %dma_wait3A_652 = arith.constant 3 : i32
      %dma_wait3A_653 = arith.constant 0 : i32
      %dma_wait3A_654 = tpu.memref_slice %arg6[%dma_wait3A_652, %dma_wait3A_653] : memref<10x128xi32, #tpu.memory_space<vmem>> -> memref<1x128xi32, #tpu.memory_space<vmem>>
      %dma_wait3A_655 = tpu.memref_squeeze %dma_wait3A_654 : memref<1x128xi32, #tpu.memory_space<vmem>> -> memref<128xi32, #tpu.memory_space<vmem>>
      %dma_wait3A_656 = arith.constant 0 : i32
      %dma_wait3A_657 = arith.constant 0 : i32
      %dma_wait3A_658 = tpu.memref_slice %arg2[%arg0, %dma_wait3A_656, %dma_wait3A_657] : memref<2x50000x16xf32, #tpu.memory_space<hbm>> -> memref<1x50000x16xf32, #tpu.memory_space<hbm>>
      %dma_wait3A_659 = tpu.memref_squeeze %dma_wait3A_658 : memref<1x50000x16xf32, #tpu.memory_space<hbm>> -> memref<50000x16xf32, #tpu.memory_space<hbm>>
      %dma_wait3A_660 = arith.constant 0 : i32
      %dma_wait3A_661 = arith.constant 0 : i32
      %dma_wait3A_662 = tpu.memref_slice %dma_wait3A_659[%dma_wait3A_660, %dma_wait3A_661] : memref<50000x16xf32, #tpu.memory_space<hbm>> -> memref<50000x16xf32, #tpu.memory_space<hbm>>
      tpu.wait_indirect_dma semaphore(%arg26 : memref<!tpu.dma_semaphore, #tpu.memory_space<semaphore_mem>>) src(%dma_wait3A_662 : memref<50000x16xf32, #tpu.memory_space<hbm>>) dst(%arg14 : memref<128x16xf32, #tpu.memory_space<vmem>>)
      %dma_start3A_663 = arith.constant 3 : i32
      %dma_start3A_664 = arith.constant 0 : i32
      %dma_start3A_665 = tpu.memref_slice %arg9[%dma_start3A_663, %dma_start3A_664] : memref<10x128xi32, #tpu.memory_space<vmem>> -> memref<1x128xi32, #tpu.memory_space<vmem>>
      %dma_start3A_666 = tpu.memref_squeeze %dma_start3A_665 : memref<1x128xi32, #tpu.memory_space<vmem>> -> memref<128xi32, #tpu.memory_space<vmem>>
      %dma_start3A_667 = arith.constant 0 : i32
      %dma_start3A_668 = arith.constant 0 : i32
      %dma_start3A_669 = tpu.memref_slice %arg22[%dma_start3A_667, %dma_start3A_668] : memref<50176x16xf32, #tpu.memory_space<vmem_shared>> -> memref<50176x16xf32, #tpu.memory_space<vmem_shared>>
      tpu.enqueue_indirect_dma source(%arg14 : memref<128x16xf32, #tpu.memory_space<vmem>>) target(%dma_start3A_669 : memref<50176x16xf32, #tpu.memory_space<vmem_shared>>) offsets(%dma_start3A_666 : memref<128xi32, #tpu.memory_space<vmem>>) semaphore(%arg36 : memref<!tpu.dma_semaphore, #tpu.memory_space<semaphore_mem>>) {add = true}
      %dma_wait3A_670 = arith.constant 4 : i32
      %dma_wait3A_671 = arith.constant 0 : i32
      %dma_wait3A_672 = tpu.memref_slice %arg6[%dma_wait3A_670, %dma_wait3A_671] : memref<10x128xi32, #tpu.memory_space<vmem>> -> memref<1x128xi32, #tpu.memory_space<vmem>>
      %dma_wait3A_673 = tpu.memref_squeeze %dma_wait3A_672 : memref<1x128xi32, #tpu.memory_space<vmem>> -> memref<128xi32, #tpu.memory_space<vmem>>
      %dma_wait3A_674 = arith.constant 0 : i32
      %dma_wait3A_675 = arith.constant 0 : i32
      %dma_wait3A_676 = tpu.memref_slice %arg2[%arg0, %dma_wait3A_674, %dma_wait3A_675] : memref<2x50000x16xf32, #tpu.memory_space<hbm>> -> memref<1x50000x16xf32, #tpu.memory_space<hbm>>
      %dma_wait3A_677 = tpu.memref_squeeze %dma_wait3A_676 : memref<1x50000x16xf32, #tpu.memory_space<hbm>> -> memref<50000x16xf32, #tpu.memory_space<hbm>>
      %dma_wait3A_678 = arith.constant 0 : i32
      %dma_wait3A_679 = arith.constant 0 : i32
      %dma_wait3A_680 = tpu.memref_slice %dma_wait3A_677[%dma_wait3A_678, %dma_wait3A_679] : memref<50000x16xf32, #tpu.memory_space<hbm>> -> memref<50000x16xf32, #tpu.memory_space<hbm>>
      tpu.wait_indirect_dma semaphore(%arg27 : memref<!tpu.dma_semaphore, #tpu.memory_space<semaphore_mem>>) src(%dma_wait3A_680 : memref<50000x16xf32, #tpu.memory_space<hbm>>) dst(%arg15 : memref<128x16xf32, #tpu.memory_space<vmem>>)
      %dma_start3A_681 = arith.constant 4 : i32
      %dma_start3A_682 = arith.constant 0 : i32
      %dma_start3A_683 = tpu.memref_slice %arg9[%dma_start3A_681, %dma_start3A_682] : memref<10x128xi32, #tpu.memory_space<vmem>> -> memref<1x128xi32, #tpu.memory_space<vmem>>
      %dma_start3A_684 = tpu.memref_squeeze %dma_start3A_683 : memref<1x128xi32, #tpu.memory_space<vmem>> -> memref<128xi32, #tpu.memory_space<vmem>>
      %dma_start3A_685 = arith.constant 0 : i32
      %dma_start3A_686 = arith.constant 0 : i32
      %dma_start3A_687 = tpu.memref_slice %arg22[%dma_start3A_685, %dma_start3A_686] : memref<50176x16xf32, #tpu.memory_space<vmem_shared>> -> memref<50176x16xf32, #tpu.memory_space<vmem_shared>>
      tpu.enqueue_indirect_dma source(%arg15 : memref<128x16xf32, #tpu.memory_space<vmem>>) target(%dma_start3A_687 : memref<50176x16xf32, #tpu.memory_space<vmem_shared>>) offsets(%dma_start3A_684 : memref<128xi32, #tpu.memory_space<vmem>>) semaphore(%arg37 : memref<!tpu.dma_semaphore, #tpu.memory_space<semaphore_mem>>) {add = true}
      %dma_wait3A_688 = arith.constant 5 : i32
      %dma_wait3A_689 = arith.constant 0 : i32
      %dma_wait3A_690 = tpu.memref_slice %arg6[%dma_wait3A_688, %dma_wait3A_689] : memref<10x128xi32, #tpu.memory_space<vmem>> -> memref<1x128xi32, #tpu.memory_space<vmem>>
      %dma_wait3A_691 = tpu.memref_squeeze %dma_wait3A_690 : memref<1x128xi32, #tpu.memory_space<vmem>> -> memref<128xi32, #tpu.memory_space<vmem>>
      %dma_wait3A_692 = arith.constant 0 : i32
      %dma_wait3A_693 = arith.constant 0 : i32
      %dma_wait3A_694 = tpu.memref_slice %arg2[%arg0, %dma_wait3A_692, %dma_wait3A_693] : memref<2x50000x16xf32, #tpu.memory_space<hbm>> -> memref<1x50000x16xf32, #tpu.memory_space<hbm>>
      %dma_wait3A_695 = tpu.memref_squeeze %dma_wait3A_694 : memref<1x50000x16xf32, #tpu.memory_space<hbm>> -> memref<50000x16xf32, #tpu.memory_space<hbm>>
      %dma_wait3A_696 = arith.constant 0 : i32
      %dma_wait3A_697 = arith.constant 0 : i32
      %dma_wait3A_698 = tpu.memref_slice %dma_wait3A_695[%dma_wait3A_696, %dma_wait3A_697] : memref<50000x16xf32, #tpu.memory_space<hbm>> -> memref<50000x16xf32, #tpu.memory_space<hbm>>
      tpu.wait_indirect_dma semaphore(%arg28 : memref<!tpu.dma_semaphore, #tpu.memory_space<semaphore_mem>>) src(%dma_wait3A_698 : memref<50000x16xf32, #tpu.memory_space<hbm>>) dst(%arg16 : memref<128x16xf32, #tpu.memory_space<vmem>>)
      %dma_start3A_699 = arith.constant 5 : i32
      %dma_start3A_700 = arith.constant 0 : i32
      %dma_start3A_701 = tpu.memref_slice %arg9[%dma_start3A_699, %dma_start3A_700] : memref<10x128xi32, #tpu.memory_space<vmem>> -> memref<1x128xi32, #tpu.memory_space<vmem>>
      %dma_start3A_702 = tpu.memref_squeeze %dma_start3A_701 : memref<1x128xi32, #tpu.memory_space<vmem>> -> memref<128xi32, #tpu.memory_space<vmem>>
      %dma_start3A_703 = arith.constant 0 : i32
      %dma_start3A_704 = arith.constant 0 : i32
      %dma_start3A_705 = tpu.memref_slice %arg22[%dma_start3A_703, %dma_start3A_704] : memref<50176x16xf32, #tpu.memory_space<vmem_shared>> -> memref<50176x16xf32, #tpu.memory_space<vmem_shared>>
      tpu.enqueue_indirect_dma source(%arg16 : memref<128x16xf32, #tpu.memory_space<vmem>>) target(%dma_start3A_705 : memref<50176x16xf32, #tpu.memory_space<vmem_shared>>) offsets(%dma_start3A_702 : memref<128xi32, #tpu.memory_space<vmem>>) semaphore(%arg38 : memref<!tpu.dma_semaphore, #tpu.memory_space<semaphore_mem>>) {add = true}
      %dma_wait3A_706 = arith.constant 6 : i32
      %dma_wait3A_707 = arith.constant 0 : i32
      %dma_wait3A_708 = tpu.memref_slice %arg6[%dma_wait3A_706, %dma_wait3A_707] : memref<10x128xi32, #tpu.memory_space<vmem>> -> memref<1x128xi32, #tpu.memory_space<vmem>>
      %dma_wait3A_709 = tpu.memref_squeeze %dma_wait3A_708 : memref<1x128xi32, #tpu.memory_space<vmem>> -> memref<128xi32, #tpu.memory_space<vmem>>
      %dma_wait3A_710 = arith.constant 0 : i32
      %dma_wait3A_711 = arith.constant 0 : i32
      %dma_wait3A_712 = tpu.memref_slice %arg2[%arg0, %dma_wait3A_710, %dma_wait3A_711] : memref<2x50000x16xf32, #tpu.memory_space<hbm>> -> memref<1x50000x16xf32, #tpu.memory_space<hbm>>
      %dma_wait3A_713 = tpu.memref_squeeze %dma_wait3A_712 : memref<1x50000x16xf32, #tpu.memory_space<hbm>> -> memref<50000x16xf32, #tpu.memory_space<hbm>>
      %dma_wait3A_714 = arith.constant 0 : i32
      %dma_wait3A_715 = arith.constant 0 : i32
      %dma_wait3A_716 = tpu.memref_slice %dma_wait3A_713[%dma_wait3A_714, %dma_wait3A_715] : memref<50000x16xf32, #tpu.memory_space<hbm>> -> memref<50000x16xf32, #tpu.memory_space<hbm>>
      tpu.wait_indirect_dma semaphore(%arg29 : memref<!tpu.dma_semaphore, #tpu.memory_space<semaphore_mem>>) src(%dma_wait3A_716 : memref<50000x16xf32, #tpu.memory_space<hbm>>) dst(%arg17 : memref<128x16xf32, #tpu.memory_space<vmem>>)
      %dma_start3A_717 = arith.constant 6 : i32
      %dma_start3A_718 = arith.constant 0 : i32
      %dma_start3A_719 = tpu.memref_slice %arg9[%dma_start3A_717, %dma_start3A_718] : memref<10x128xi32, #tpu.memory_space<vmem>> -> memref<1x128xi32, #tpu.memory_space<vmem>>
      %dma_start3A_720 = tpu.memref_squeeze %dma_start3A_719 : memref<1x128xi32, #tpu.memory_space<vmem>> -> memref<128xi32, #tpu.memory_space<vmem>>
      %dma_start3A_721 = arith.constant 0 : i32
      %dma_start3A_722 = arith.constant 0 : i32
      %dma_start3A_723 = tpu.memref_slice %arg22[%dma_start3A_721, %dma_start3A_722] : memref<50176x16xf32, #tpu.memory_space<vmem_shared>> -> memref<50176x16xf32, #tpu.memory_space<vmem_shared>>
      tpu.enqueue_indirect_dma source(%arg17 : memref<128x16xf32, #tpu.memory_space<vmem>>) target(%dma_start3A_723 : memref<50176x16xf32, #tpu.memory_space<vmem_shared>>) offsets(%dma_start3A_720 : memref<128xi32, #tpu.memory_space<vmem>>) semaphore(%arg39 : memref<!tpu.dma_semaphore, #tpu.memory_space<semaphore_mem>>) {add = true}
      %dma_wait3A_724 = arith.constant 7 : i32
      %dma_wait3A_725 = arith.constant 0 : i32
      %dma_wait3A_726 = tpu.memref_slice %arg6[%dma_wait3A_724, %dma_wait3A_725] : memref<10x128xi32, #tpu.memory_space<vmem>> -> memref<1x128xi32, #tpu.memory_space<vmem>>
      %dma_wait3A_727 = tpu.memref_squeeze %dma_wait3A_726 : memref<1x128xi32, #tpu.memory_space<vmem>> -> memref<128xi32, #tpu.memory_space<vmem>>
      %dma_wait3A_728 = arith.constant 0 : i32
      %dma_wait3A_729 = arith.constant 0 : i32
      %dma_wait3A_730 = tpu.memref_slice %arg2[%arg0, %dma_wait3A_728, %dma_wait3A_729] : memref<2x50000x16xf32, #tpu.memory_space<hbm>> -> memref<1x50000x16xf32, #tpu.memory_space<hbm>>
      %dma_wait3A_731 = tpu.memref_squeeze %dma_wait3A_730 : memref<1x50000x16xf32, #tpu.memory_space<hbm>> -> memref<50000x16xf32, #tpu.memory_space<hbm>>
      %dma_wait3A_732 = arith.constant 0 : i32
      %dma_wait3A_733 = arith.constant 0 : i32
      %dma_wait3A_734 = tpu.memref_slice %dma_wait3A_731[%dma_wait3A_732, %dma_wait3A_733] : memref<50000x16xf32, #tpu.memory_space<hbm>> -> memref<50000x16xf32, #tpu.memory_space<hbm>>
      tpu.wait_indirect_dma semaphore(%arg30 : memref<!tpu.dma_semaphore, #tpu.memory_space<semaphore_mem>>) src(%dma_wait3A_734 : memref<50000x16xf32, #tpu.memory_space<hbm>>) dst(%arg18 : memref<128x16xf32, #tpu.memory_space<vmem>>)
      %dma_start3A_735 = arith.constant 7 : i32
      %dma_start3A_736 = arith.constant 0 : i32
      %dma_start3A_737 = tpu.memref_slice %arg9[%dma_start3A_735, %dma_start3A_736] : memref<10x128xi32, #tpu.memory_space<vmem>> -> memref<1x128xi32, #tpu.memory_space<vmem>>
      %dma_start3A_738 = tpu.memref_squeeze %dma_start3A_737 : memref<1x128xi32, #tpu.memory_space<vmem>> -> memref<128xi32, #tpu.memory_space<vmem>>
      %dma_start3A_739 = arith.constant 0 : i32
      %dma_start3A_740 = arith.constant 0 : i32
      %dma_start3A_741 = tpu.memref_slice %arg22[%dma_start3A_739, %dma_start3A_740] : memref<50176x16xf32, #tpu.memory_space<vmem_shared>> -> memref<50176x16xf32, #tpu.memory_space<vmem_shared>>
      tpu.enqueue_indirect_dma source(%arg18 : memref<128x16xf32, #tpu.memory_space<vmem>>) target(%dma_start3A_741 : memref<50176x16xf32, #tpu.memory_space<vmem_shared>>) offsets(%dma_start3A_738 : memref<128xi32, #tpu.memory_space<vmem>>) semaphore(%arg40 : memref<!tpu.dma_semaphore, #tpu.memory_space<semaphore_mem>>) {add = true}
      %dma_wait3A_742 = arith.constant 8 : i32
      %dma_wait3A_743 = arith.constant 0 : i32
      %dma_wait3A_744 = tpu.memref_slice %arg6[%dma_wait3A_742, %dma_wait3A_743] : memref<10x128xi32, #tpu.memory_space<vmem>> -> memref<1x128xi32, #tpu.memory_space<vmem>>
      %dma_wait3A_745 = tpu.memref_squeeze %dma_wait3A_744 : memref<1x128xi32, #tpu.memory_space<vmem>> -> memref<128xi32, #tpu.memory_space<vmem>>
      %dma_wait3A_746 = arith.constant 0 : i32
      %dma_wait3A_747 = arith.constant 0 : i32
      %dma_wait3A_748 = tpu.memref_slice %arg2[%arg0, %dma_wait3A_746, %dma_wait3A_747] : memref<2x50000x16xf32, #tpu.memory_space<hbm>> -> memref<1x50000x16xf32, #tpu.memory_space<hbm>>
      %dma_wait3A_749 = tpu.memref_squeeze %dma_wait3A_748 : memref<1x50000x16xf32, #tpu.memory_space<hbm>> -> memref<50000x16xf32, #tpu.memory_space<hbm>>
      %dma_wait3A_750 = arith.constant 0 : i32
      %dma_wait3A_751 = arith.constant 0 : i32
      %dma_wait3A_752 = tpu.memref_slice %dma_wait3A_749[%dma_wait3A_750, %dma_wait3A_751] : memref<50000x16xf32, #tpu.memory_space<hbm>> -> memref<50000x16xf32, #tpu.memory_space<hbm>>
      tpu.wait_indirect_dma semaphore(%arg31 : memref<!tpu.dma_semaphore, #tpu.memory_space<semaphore_mem>>) src(%dma_wait3A_752 : memref<50000x16xf32, #tpu.memory_space<hbm>>) dst(%arg19 : memref<128x16xf32, #tpu.memory_space<vmem>>)
      %dma_start3A_753 = arith.constant 8 : i32
      %dma_start3A_754 = arith.constant 0 : i32
      %dma_start3A_755 = tpu.memref_slice %arg9[%dma_start3A_753, %dma_start3A_754] : memref<10x128xi32, #tpu.memory_space<vmem>> -> memref<1x128xi32, #tpu.memory_space<vmem>>
      %dma_start3A_756 = tpu.memref_squeeze %dma_start3A_755 : memref<1x128xi32, #tpu.memory_space<vmem>> -> memref<128xi32, #tpu.memory_space<vmem>>
      %dma_start3A_757 = arith.constant 0 : i32
      %dma_start3A_758 = arith.constant 0 : i32
      %dma_start3A_759 = tpu.memref_slice %arg22[%dma_start3A_757, %dma_start3A_758] : memref<50176x16xf32, #tpu.memory_space<vmem_shared>> -> memref<50176x16xf32, #tpu.memory_space<vmem_shared>>
      tpu.enqueue_indirect_dma source(%arg19 : memref<128x16xf32, #tpu.memory_space<vmem>>) target(%dma_start3A_759 : memref<50176x16xf32, #tpu.memory_space<vmem_shared>>) offsets(%dma_start3A_756 : memref<128xi32, #tpu.memory_space<vmem>>) semaphore(%arg41 : memref<!tpu.dma_semaphore, #tpu.memory_space<semaphore_mem>>) {add = true}
      %dma_wait3A_760 = arith.constant 9 : i32
      %dma_wait3A_761 = arith.constant 0 : i32
      %dma_wait3A_762 = tpu.memref_slice %arg6[%dma_wait3A_760, %dma_wait3A_761] : memref<10x128xi32, #tpu.memory_space<vmem>> -> memref<1x128xi32, #tpu.memory_space<vmem>>
      %dma_wait3A_763 = tpu.memref_squeeze %dma_wait3A_762 : memref<1x128xi32, #tpu.memory_space<vmem>> -> memref<128xi32, #tpu.memory_space<vmem>>
      %dma_wait3A_764 = arith.constant 0 : i32
      %dma_wait3A_765 = arith.constant 0 : i32
      %dma_wait3A_766 = tpu.memref_slice %arg2[%arg0, %dma_wait3A_764, %dma_wait3A_765] : memref<2x50000x16xf32, #tpu.memory_space<hbm>> -> memref<1x50000x16xf32, #tpu.memory_space<hbm>>
      %dma_wait3A_767 = tpu.memref_squeeze %dma_wait3A_766 : memref<1x50000x16xf32, #tpu.memory_space<hbm>> -> memref<50000x16xf32, #tpu.memory_space<hbm>>
      %dma_wait3A_768 = arith.constant 0 : i32
      %dma_wait3A_769 = arith.constant 0 : i32
      %dma_wait3A_770 = tpu.memref_slice %dma_wait3A_767[%dma_wait3A_768, %dma_wait3A_769] : memref<50000x16xf32, #tpu.memory_space<hbm>> -> memref<50000x16xf32, #tpu.memory_space<hbm>>
      tpu.wait_indirect_dma semaphore(%arg32 : memref<!tpu.dma_semaphore, #tpu.memory_space<semaphore_mem>>) src(%dma_wait3A_770 : memref<50000x16xf32, #tpu.memory_space<hbm>>) dst(%arg20 : memref<128x16xf32, #tpu.memory_space<vmem>>)
      %dma_start3A_771 = arith.constant 9 : i32
      %dma_start3A_772 = arith.constant 0 : i32
      %dma_start3A_773 = tpu.memref_slice %arg9[%dma_start3A_771, %dma_start3A_772] : memref<10x128xi32, #tpu.memory_space<vmem>> -> memref<1x128xi32, #tpu.memory_space<vmem>>
      %dma_start3A_774 = tpu.memref_squeeze %dma_start3A_773 : memref<1x128xi32, #tpu.memory_space<vmem>> -> memref<128xi32, #tpu.memory_space<vmem>>
      %dma_start3A_775 = arith.constant 0 : i32
      %dma_start3A_776 = arith.constant 0 : i32
      %dma_start3A_777 = tpu.memref_slice %arg22[%dma_start3A_775, %dma_start3A_776] : memref<50176x16xf32, #tpu.memory_space<vmem_shared>> -> memref<50176x16xf32, #tpu.memory_space<vmem_shared>>
      tpu.enqueue_indirect_dma source(%arg20 : memref<128x16xf32, #tpu.memory_space<vmem>>) target(%dma_start3A_777 : memref<50176x16xf32, #tpu.memory_space<vmem_shared>>) offsets(%dma_start3A_774 : memref<128xi32, #tpu.memory_space<vmem>>) semaphore(%arg42 : memref<!tpu.dma_semaphore, #tpu.memory_space<semaphore_mem>>) {add = true}
      %dma_wait3A_778 = arith.constant 0 : i32
      %dma_wait3A_779 = arith.constant 0 : i32
      %dma_wait3A_780 = tpu.memref_slice %arg9[%dma_wait3A_778, %dma_wait3A_779] : memref<10x128xi32, #tpu.memory_space<vmem>> -> memref<1x128xi32, #tpu.memory_space<vmem>>
      %dma_wait3A_781 = tpu.memref_squeeze %dma_wait3A_780 : memref<1x128xi32, #tpu.memory_space<vmem>> -> memref<128xi32, #tpu.memory_space<vmem>>
      %dma_wait3A_782 = arith.constant 0 : i32
      %dma_wait3A_783 = arith.constant 0 : i32
      %dma_wait3A_784 = tpu.memref_slice %arg22[%dma_wait3A_782, %dma_wait3A_783] : memref<50176x16xf32, #tpu.memory_space<vmem_shared>> -> memref<50176x16xf32, #tpu.memory_space<vmem_shared>>
      tpu.wait_indirect_dma semaphore(%arg33 : memref<!tpu.dma_semaphore, #tpu.memory_space<semaphore_mem>>) src(%arg11 : memref<128x16xf32, #tpu.memory_space<vmem>>) dst(%dma_wait3A_784 : memref<50176x16xf32, #tpu.memory_space<vmem_shared>>)
      %dma_wait3A_785 = arith.constant 1 : i32
      %dma_wait3A_786 = arith.constant 0 : i32
      %dma_wait3A_787 = tpu.memref_slice %arg9[%dma_wait3A_785, %dma_wait3A_786] : memref<10x128xi32, #tpu.memory_space<vmem>> -> memref<1x128xi32, #tpu.memory_space<vmem>>
      %dma_wait3A_788 = tpu.memref_squeeze %dma_wait3A_787 : memref<1x128xi32, #tpu.memory_space<vmem>> -> memref<128xi32, #tpu.memory_space<vmem>>
      %dma_wait3A_789 = arith.constant 0 : i32
      %dma_wait3A_790 = arith.constant 0 : i32
      %dma_wait3A_791 = tpu.memref_slice %arg22[%dma_wait3A_789, %dma_wait3A_790] : memref<50176x16xf32, #tpu.memory_space<vmem_shared>> -> memref<50176x16xf32, #tpu.memory_space<vmem_shared>>
      tpu.wait_indirect_dma semaphore(%arg34 : memref<!tpu.dma_semaphore, #tpu.memory_space<semaphore_mem>>) src(%arg12 : memref<128x16xf32, #tpu.memory_space<vmem>>) dst(%dma_wait3A_791 : memref<50176x16xf32, #tpu.memory_space<vmem_shared>>)
      %dma_wait3A_792 = arith.constant 2 : i32
      %dma_wait3A_793 = arith.constant 0 : i32
      %dma_wait3A_794 = tpu.memref_slice %arg9[%dma_wait3A_792, %dma_wait3A_793] : memref<10x128xi32, #tpu.memory_space<vmem>> -> memref<1x128xi32, #tpu.memory_space<vmem>>
      %dma_wait3A_795 = tpu.memref_squeeze %dma_wait3A_794 : memref<1x128xi32, #tpu.memory_space<vmem>> -> memref<128xi32, #tpu.memory_space<vmem>>
      %dma_wait3A_796 = arith.constant 0 : i32
      %dma_wait3A_797 = arith.constant 0 : i32
      %dma_wait3A_798 = tpu.memref_slice %arg22[%dma_wait3A_796, %dma_wait3A_797] : memref<50176x16xf32, #tpu.memory_space<vmem_shared>> -> memref<50176x16xf32, #tpu.memory_space<vmem_shared>>
      tpu.wait_indirect_dma semaphore(%arg35 : memref<!tpu.dma_semaphore, #tpu.memory_space<semaphore_mem>>) src(%arg13 : memref<128x16xf32, #tpu.memory_space<vmem>>) dst(%dma_wait3A_798 : memref<50176x16xf32, #tpu.memory_space<vmem_shared>>)
      %dma_wait3A_799 = arith.constant 3 : i32
      %dma_wait3A_800 = arith.constant 0 : i32
      %dma_wait3A_801 = tpu.memref_slice %arg9[%dma_wait3A_799, %dma_wait3A_800] : memref<10x128xi32, #tpu.memory_space<vmem>> -> memref<1x128xi32, #tpu.memory_space<vmem>>
      %dma_wait3A_802 = tpu.memref_squeeze %dma_wait3A_801 : memref<1x128xi32, #tpu.memory_space<vmem>> -> memref<128xi32, #tpu.memory_space<vmem>>
      %dma_wait3A_803 = arith.constant 0 : i32
      %dma_wait3A_804 = arith.constant 0 : i32
      %dma_wait3A_805 = tpu.memref_slice %arg22[%dma_wait3A_803, %dma_wait3A_804] : memref<50176x16xf32, #tpu.memory_space<vmem_shared>> -> memref<50176x16xf32, #tpu.memory_space<vmem_shared>>
      tpu.wait_indirect_dma semaphore(%arg36 : memref<!tpu.dma_semaphore, #tpu.memory_space<semaphore_mem>>) src(%arg14 : memref<128x16xf32, #tpu.memory_space<vmem>>) dst(%dma_wait3A_805 : memref<50176x16xf32, #tpu.memory_space<vmem_shared>>)
      %dma_wait3A_806 = arith.constant 4 : i32
      %dma_wait3A_807 = arith.constant 0 : i32
      %dma_wait3A_808 = tpu.memref_slice %arg9[%dma_wait3A_806, %dma_wait3A_807] : memref<10x128xi32, #tpu.memory_space<vmem>> -> memref<1x128xi32, #tpu.memory_space<vmem>>
      %dma_wait3A_809 = tpu.memref_squeeze %dma_wait3A_808 : memref<1x128xi32, #tpu.memory_space<vmem>> -> memref<128xi32, #tpu.memory_space<vmem>>
      %dma_wait3A_810 = arith.constant 0 : i32
      %dma_wait3A_811 = arith.constant 0 : i32
      %dma_wait3A_812 = tpu.memref_slice %arg22[%dma_wait3A_810, %dma_wait3A_811] : memref<50176x16xf32, #tpu.memory_space<vmem_shared>> -> memref<50176x16xf32, #tpu.memory_space<vmem_shared>>
      tpu.wait_indirect_dma semaphore(%arg37 : memref<!tpu.dma_semaphore, #tpu.memory_space<semaphore_mem>>) src(%arg15 : memref<128x16xf32, #tpu.memory_space<vmem>>) dst(%dma_wait3A_812 : memref<50176x16xf32, #tpu.memory_space<vmem_shared>>)
      %dma_wait3A_813 = arith.constant 5 : i32
      %dma_wait3A_814 = arith.constant 0 : i32
      %dma_wait3A_815 = tpu.memref_slice %arg9[%dma_wait3A_813, %dma_wait3A_814] : memref<10x128xi32, #tpu.memory_space<vmem>> -> memref<1x128xi32, #tpu.memory_space<vmem>>
      %dma_wait3A_816 = tpu.memref_squeeze %dma_wait3A_815 : memref<1x128xi32, #tpu.memory_space<vmem>> -> memref<128xi32, #tpu.memory_space<vmem>>
      %dma_wait3A_817 = arith.constant 0 : i32
      %dma_wait3A_818 = arith.constant 0 : i32
      %dma_wait3A_819 = tpu.memref_slice %arg22[%dma_wait3A_817, %dma_wait3A_818] : memref<50176x16xf32, #tpu.memory_space<vmem_shared>> -> memref<50176x16xf32, #tpu.memory_space<vmem_shared>>
      tpu.wait_indirect_dma semaphore(%arg38 : memref<!tpu.dma_semaphore, #tpu.memory_space<semaphore_mem>>) src(%arg16 : memref<128x16xf32, #tpu.memory_space<vmem>>) dst(%dma_wait3A_819 : memref<50176x16xf32, #tpu.memory_space<vmem_shared>>)
      %dma_wait3A_820 = arith.constant 6 : i32
      %dma_wait3A_821 = arith.constant 0 : i32
      %dma_wait3A_822 = tpu.memref_slice %arg9[%dma_wait3A_820, %dma_wait3A_821] : memref<10x128xi32, #tpu.memory_space<vmem>> -> memref<1x128xi32, #tpu.memory_space<vmem>>
      %dma_wait3A_823 = tpu.memref_squeeze %dma_wait3A_822 : memref<1x128xi32, #tpu.memory_space<vmem>> -> memref<128xi32, #tpu.memory_space<vmem>>
      %dma_wait3A_824 = arith.constant 0 : i32
      %dma_wait3A_825 = arith.constant 0 : i32
      %dma_wait3A_826 = tpu.memref_slice %arg22[%dma_wait3A_824, %dma_wait3A_825] : memref<50176x16xf32, #tpu.memory_space<vmem_shared>> -> memref<50176x16xf32, #tpu.memory_space<vmem_shared>>
      tpu.wait_indirect_dma semaphore(%arg39 : memref<!tpu.dma_semaphore, #tpu.memory_space<semaphore_mem>>) src(%arg17 : memref<128x16xf32, #tpu.memory_space<vmem>>) dst(%dma_wait3A_826 : memref<50176x16xf32, #tpu.memory_space<vmem_shared>>)
      %dma_wait3A_827 = arith.constant 7 : i32
      %dma_wait3A_828 = arith.constant 0 : i32
      %dma_wait3A_829 = tpu.memref_slice %arg9[%dma_wait3A_827, %dma_wait3A_828] : memref<10x128xi32, #tpu.memory_space<vmem>> -> memref<1x128xi32, #tpu.memory_space<vmem>>
      %dma_wait3A_830 = tpu.memref_squeeze %dma_wait3A_829 : memref<1x128xi32, #tpu.memory_space<vmem>> -> memref<128xi32, #tpu.memory_space<vmem>>
      %dma_wait3A_831 = arith.constant 0 : i32
      %dma_wait3A_832 = arith.constant 0 : i32
      %dma_wait3A_833 = tpu.memref_slice %arg22[%dma_wait3A_831, %dma_wait3A_832] : memref<50176x16xf32, #tpu.memory_space<vmem_shared>> -> memref<50176x16xf32, #tpu.memory_space<vmem_shared>>
      tpu.wait_indirect_dma semaphore(%arg40 : memref<!tpu.dma_semaphore, #tpu.memory_space<semaphore_mem>>) src(%arg18 : memref<128x16xf32, #tpu.memory_space<vmem>>) dst(%dma_wait3A_833 : memref<50176x16xf32, #tpu.memory_space<vmem_shared>>)
      %dma_wait3A_834 = arith.constant 8 : i32
      %dma_wait3A_835 = arith.constant 0 : i32
      %dma_wait3A_836 = tpu.memref_slice %arg9[%dma_wait3A_834, %dma_wait3A_835] : memref<10x128xi32, #tpu.memory_space<vmem>> -> memref<1x128xi32, #tpu.memory_space<vmem>>
      %dma_wait3A_837 = tpu.memref_squeeze %dma_wait3A_836 : memref<1x128xi32, #tpu.memory_space<vmem>> -> memref<128xi32, #tpu.memory_space<vmem>>
      %dma_wait3A_838 = arith.constant 0 : i32
      %dma_wait3A_839 = arith.constant 0 : i32
      %dma_wait3A_840 = tpu.memref_slice %arg22[%dma_wait3A_838, %dma_wait3A_839] : memref<50176x16xf32, #tpu.memory_space<vmem_shared>> -> memref<50176x16xf32, #tpu.memory_space<vmem_shared>>
      tpu.wait_indirect_dma semaphore(%arg41 : memref<!tpu.dma_semaphore, #tpu.memory_space<semaphore_mem>>) src(%arg19 : memref<128x16xf32, #tpu.memory_space<vmem>>) dst(%dma_wait3A_840 : memref<50176x16xf32, #tpu.memory_space<vmem_shared>>)
      %dma_wait3A_841 = arith.constant 9 : i32
      %dma_wait3A_842 = arith.constant 0 : i32
      %dma_wait3A_843 = tpu.memref_slice %arg9[%dma_wait3A_841, %dma_wait3A_842] : memref<10x128xi32, #tpu.memory_space<vmem>> -> memref<1x128xi32, #tpu.memory_space<vmem>>
      %dma_wait3A_844 = tpu.memref_squeeze %dma_wait3A_843 : memref<1x128xi32, #tpu.memory_space<vmem>> -> memref<128xi32, #tpu.memory_space<vmem>>
      %dma_wait3A_845 = arith.constant 0 : i32
      %dma_wait3A_846 = arith.constant 0 : i32
      %dma_wait3A_847 = tpu.memref_slice %arg22[%dma_wait3A_845, %dma_wait3A_846] : memref<50176x16xf32, #tpu.memory_space<vmem_shared>> -> memref<50176x16xf32, #tpu.memory_space<vmem_shared>>
      tpu.wait_indirect_dma semaphore(%arg42 : memref<!tpu.dma_semaphore, #tpu.memory_space<semaphore_mem>>) src(%arg20 : memref<128x16xf32, #tpu.memory_space<vmem>>) dst(%dma_wait3A_847 : memref<50176x16xf32, #tpu.memory_space<vmem_shared>>)
      %add3A_848 = arith.constant 3 : i32
      %add3A_849 = arith.addi %add3A_470, %add3A_848 : i32
      %lt3A_850 = arith.constant 39 : i32
      %lt3A_851 = arith.cmpi slt, %add3A_849, %lt3A_850 : i32
      %convert_element_type3A_852 = arith.extui %lt3A_851 : i1 to i32
      %cond3A_853 = arith.constant 0 : i32
      %cond3A_854 = arith.cmpi ne, %convert_element_type3A_852, %cond3A_853 : i32
      scf.if %cond3A_854 {
        %add3A_1243 = arith.constant 3 : i32
        %add3A_1244 = arith.addi %add3A_470, %add3A_1243 : i32
        %mul3A_1245 = arith.constant 10 : i32
        %mul3A_1246 = arith.muli %add3A_1244, %mul3A_1245 : i32
        %add3A_1247 = arith.addi %sub3A_3, %mul3A_1246 : i32
        %dma_start3A_1248 = arith.constant 0 : i32
        %dma_start3A_1249 = arith.constant 0 : i32
        %dma_start3A_1250 = tpu.memref_slice %arg3[%dma_start3A_1248, %add3A_1247, %dma_start3A_1249] : memref<2x6250x128xi32, #tpu.memory_space<hbm>> -> memref<1x10x128xi32, #tpu.memory_space<hbm>>
        %dma_start3A_1251 = tpu.memref_squeeze %dma_start3A_1250 : memref<1x10x128xi32, #tpu.memory_space<hbm>> -> memref<10x128xi32, #tpu.memory_space<hbm>>
        %dma_start3A_1252 = arith.constant 0 : i32
        %dma_start3A_1253 = tpu.memref_slice %arg3[%dma_start3A_1248, %add3A_1247, %dma_start3A_1252] : memref<2x6250x128xi32, #tpu.memory_space<hbm>> -> memref<1x10x128xi32, #tpu.memory_space<hbm>>
        %dma_start3A_1254 = tpu.memref_squeeze %dma_start3A_1253 : memref<1x10x128xi32, #tpu.memory_space<hbm>> -> memref<10x128xi32, #tpu.memory_space<hbm>>
        tpu.enqueue_dma source(%dma_start3A_1254 : memref<10x128xi32, #tpu.memory_space<hbm>>) target(%arg6 : memref<10x128xi32, #tpu.memory_space<vmem>>) target_semaphore(%arg44 : memref<!tpu.dma_semaphore, #tpu.memory_space<semaphore_mem>>)
        %dma_start3A_1255 = arith.constant 1 : i32
        %dma_start3A_1256 = arith.constant 0 : i32
        %dma_start3A_1257 = tpu.memref_slice %arg3[%dma_start3A_1255, %add3A_1247, %dma_start3A_1256] : memref<2x6250x128xi32, #tpu.memory_space<hbm>> -> memref<1x10x128xi32, #tpu.memory_space<hbm>>
        %dma_start3A_1258 = tpu.memref_squeeze %dma_start3A_1257 : memref<1x10x128xi32, #tpu.memory_space<hbm>> -> memref<10x128xi32, #tpu.memory_space<hbm>>
        %dma_start3A_1259 = arith.constant 0 : i32
        %dma_start3A_1260 = tpu.memref_slice %arg3[%dma_start3A_1255, %add3A_1247, %dma_start3A_1259] : memref<2x6250x128xi32, #tpu.memory_space<hbm>> -> memref<1x10x128xi32, #tpu.memory_space<hbm>>
        %dma_start3A_1261 = tpu.memref_squeeze %dma_start3A_1260 : memref<1x10x128xi32, #tpu.memory_space<hbm>> -> memref<10x128xi32, #tpu.memory_space<hbm>>
        tpu.enqueue_dma source(%dma_start3A_1261 : memref<10x128xi32, #tpu.memory_space<hbm>>) target(%arg9 : memref<10x128xi32, #tpu.memory_space<vmem>>) target_semaphore(%arg47 : memref<!tpu.dma_semaphore, #tpu.memory_space<semaphore_mem>>)
      } else {
      }
      %mul3A_855 = arith.constant 3 : i32
      %mul3A_856 = arith.muli %mul3A_855, %scan3A_79 : i32
      %add3A_857 = arith.constant 2 : i32
      %add3A_858 = arith.addi %mul3A_856, %add3A_857 : i32
      %mul3A_859 = arith.constant 10 : i32
      %mul3A_860 = arith.muli %add3A_858, %mul3A_859 : i32
      %add3A_861 = arith.addi %sub3A_3, %mul3A_860 : i32
      %dma_wait3A_862 = arith.constant 0 : i32
      %dma_wait3A_863 = arith.constant 0 : i32
      %dma_wait3A_864 = tpu.memref_slice %arg3[%dma_wait3A_862, %add3A_861, %dma_wait3A_863] : memref<2x6250x128xi32, #tpu.memory_space<hbm>> -> memref<1x10x128xi32, #tpu.memory_space<hbm>>
      %dma_wait3A_865 = tpu.memref_squeeze %dma_wait3A_864 : memref<1x10x128xi32, #tpu.memory_space<hbm>> -> memref<10x128xi32, #tpu.memory_space<hbm>>
      %dma_wait3A_866 = arith.constant 0 : i32
      %dma_wait3A_867 = tpu.memref_slice %arg3[%dma_wait3A_862, %add3A_861, %dma_wait3A_866] : memref<2x6250x128xi32, #tpu.memory_space<hbm>> -> memref<1x10x128xi32, #tpu.memory_space<hbm>>
      %dma_wait3A_868 = tpu.memref_squeeze %dma_wait3A_867 : memref<1x10x128xi32, #tpu.memory_space<hbm>> -> memref<10x128xi32, #tpu.memory_space<hbm>>
      tpu.wait_dma2 semaphore(%arg45 : memref<!tpu.dma_semaphore, #tpu.memory_space<semaphore_mem>>) src(%dma_wait3A_868 : memref<10x128xi32, #tpu.memory_space<hbm>>) dst(%arg7 : memref<10x128xi32, #tpu.memory_space<vmem>>)
      %dma_wait3A_869 = arith.constant 1 : i32
      %dma_wait3A_870 = arith.constant 0 : i32
      %dma_wait3A_871 = tpu.memref_slice %arg3[%dma_wait3A_869, %add3A_861, %dma_wait3A_870] : memref<2x6250x128xi32, #tpu.memory_space<hbm>> -> memref<1x10x128xi32, #tpu.memory_space<hbm>>
      %dma_wait3A_872 = tpu.memref_squeeze %dma_wait3A_871 : memref<1x10x128xi32, #tpu.memory_space<hbm>> -> memref<10x128xi32, #tpu.memory_space<hbm>>
      %dma_wait3A_873 = arith.constant 0 : i32
      %dma_wait3A_874 = tpu.memref_slice %arg3[%dma_wait3A_869, %add3A_861, %dma_wait3A_873] : memref<2x6250x128xi32, #tpu.memory_space<hbm>> -> memref<1x10x128xi32, #tpu.memory_space<hbm>>
      %dma_wait3A_875 = tpu.memref_squeeze %dma_wait3A_874 : memref<1x10x128xi32, #tpu.memory_space<hbm>> -> memref<10x128xi32, #tpu.memory_space<hbm>>
      tpu.wait_dma2 semaphore(%arg48 : memref<!tpu.dma_semaphore, #tpu.memory_space<semaphore_mem>>) src(%dma_wait3A_875 : memref<10x128xi32, #tpu.memory_space<hbm>>) dst(%arg10 : memref<10x128xi32, #tpu.memory_space<vmem>>)
      %dma_start3A_876 = arith.constant 0 : i32
      %dma_start3A_877 = arith.constant 0 : i32
      %dma_start3A_878 = tpu.memref_slice %arg7[%dma_start3A_876, %dma_start3A_877] : memref<10x128xi32, #tpu.memory_space<vmem>> -> memref<1x128xi32, #tpu.memory_space<vmem>>
      %dma_start3A_879 = tpu.memref_squeeze %dma_start3A_878 : memref<1x128xi32, #tpu.memory_space<vmem>> -> memref<128xi32, #tpu.memory_space<vmem>>
      %dma_start3A_880 = arith.constant 0 : i32
      %dma_start3A_881 = arith.constant 0 : i32
      %dma_start3A_882 = tpu.memref_slice %arg2[%arg0, %dma_start3A_880, %dma_start3A_881] : memref<2x50000x16xf32, #tpu.memory_space<hbm>> -> memref<1x50000x16xf32, #tpu.memory_space<hbm>>
      %dma_start3A_883 = tpu.memref_squeeze %dma_start3A_882 : memref<1x50000x16xf32, #tpu.memory_space<hbm>> -> memref<50000x16xf32, #tpu.memory_space<hbm>>
      %dma_start3A_884 = arith.constant 0 : i32
      %dma_start3A_885 = arith.constant 0 : i32
      %dma_start3A_886 = tpu.memref_slice %dma_start3A_883[%dma_start3A_884, %dma_start3A_885] : memref<50000x16xf32, #tpu.memory_space<hbm>> -> memref<50000x16xf32, #tpu.memory_space<hbm>>
      tpu.enqueue_indirect_dma source(%dma_start3A_886 : memref<50000x16xf32, #tpu.memory_space<hbm>>) target(%arg11 : memref<128x16xf32, #tpu.memory_space<vmem>>) offsets(%dma_start3A_879 : memref<128xi32, #tpu.memory_space<vmem>>) semaphore(%arg23 : memref<!tpu.dma_semaphore, #tpu.memory_space<semaphore_mem>>)
      %dma_start3A_887 = arith.constant 1 : i32
      %dma_start3A_888 = arith.constant 0 : i32
      %dma_start3A_889 = tpu.memref_slice %arg7[%dma_start3A_887, %dma_start3A_888] : memref<10x128xi32, #tpu.memory_space<vmem>> -> memref<1x128xi32, #tpu.memory_space<vmem>>
      %dma_start3A_890 = tpu.memref_squeeze %dma_start3A_889 : memref<1x128xi32, #tpu.memory_space<vmem>> -> memref<128xi32, #tpu.memory_space<vmem>>
      %dma_start3A_891 = arith.constant 0 : i32
      %dma_start3A_892 = arith.constant 0 : i32
      %dma_start3A_893 = tpu.memref_slice %arg2[%arg0, %dma_start3A_891, %dma_start3A_892] : memref<2x50000x16xf32, #tpu.memory_space<hbm>> -> memref<1x50000x16xf32, #tpu.memory_space<hbm>>
      %dma_start3A_894 = tpu.memref_squeeze %dma_start3A_893 : memref<1x50000x16xf32, #tpu.memory_space<hbm>> -> memref<50000x16xf32, #tpu.memory_space<hbm>>
      %dma_start3A_895 = arith.constant 0 : i32
      %dma_start3A_896 = arith.constant 0 : i32
      %dma_start3A_897 = tpu.memref_slice %dma_start3A_894[%dma_start3A_895, %dma_start3A_896] : memref<50000x16xf32, #tpu.memory_space<hbm>> -> memref<50000x16xf32, #tpu.memory_space<hbm>>
      tpu.enqueue_indirect_dma source(%dma_start3A_897 : memref<50000x16xf32, #tpu.memory_space<hbm>>) target(%arg12 : memref<128x16xf32, #tpu.memory_space<vmem>>) offsets(%dma_start3A_890 : memref<128xi32, #tpu.memory_space<vmem>>) semaphore(%arg24 : memref<!tpu.dma_semaphore, #tpu.memory_space<semaphore_mem>>)
      %dma_start3A_898 = arith.constant 2 : i32
      %dma_start3A_899 = arith.constant 0 : i32
      %dma_start3A_900 = tpu.memref_slice %arg7[%dma_start3A_898, %dma_start3A_899] : memref<10x128xi32, #tpu.memory_space<vmem>> -> memref<1x128xi32, #tpu.memory_space<vmem>>
      %dma_start3A_901 = tpu.memref_squeeze %dma_start3A_900 : memref<1x128xi32, #tpu.memory_space<vmem>> -> memref<128xi32, #tpu.memory_space<vmem>>
      %dma_start3A_902 = arith.constant 0 : i32
      %dma_start3A_903 = arith.constant 0 : i32
      %dma_start3A_904 = tpu.memref_slice %arg2[%arg0, %dma_start3A_902, %dma_start3A_903] : memref<2x50000x16xf32, #tpu.memory_space<hbm>> -> memref<1x50000x16xf32, #tpu.memory_space<hbm>>
      %dma_start3A_905 = tpu.memref_squeeze %dma_start3A_904 : memref<1x50000x16xf32, #tpu.memory_space<hbm>> -> memref<50000x16xf32, #tpu.memory_space<hbm>>
      %dma_start3A_906 = arith.constant 0 : i32
      %dma_start3A_907 = arith.constant 0 : i32
      %dma_start3A_908 = tpu.memref_slice %dma_start3A_905[%dma_start3A_906, %dma_start3A_907] : memref<50000x16xf32, #tpu.memory_space<hbm>> -> memref<50000x16xf32, #tpu.memory_space<hbm>>
      tpu.enqueue_indirect_dma source(%dma_start3A_908 : memref<50000x16xf32, #tpu.memory_space<hbm>>) target(%arg13 : memref<128x16xf32, #tpu.memory_space<vmem>>) offsets(%dma_start3A_901 : memref<128xi32, #tpu.memory_space<vmem>>) semaphore(%arg25 : memref<!tpu.dma_semaphore, #tpu.memory_space<semaphore_mem>>)
      %dma_start3A_909 = arith.constant 3 : i32
      %dma_start3A_910 = arith.constant 0 : i32
      %dma_start3A_911 = tpu.memref_slice %arg7[%dma_start3A_909, %dma_start3A_910] : memref<10x128xi32, #tpu.memory_space<vmem>> -> memref<1x128xi32, #tpu.memory_space<vmem>>
      %dma_start3A_912 = tpu.memref_squeeze %dma_start3A_911 : memref<1x128xi32, #tpu.memory_space<vmem>> -> memref<128xi32, #tpu.memory_space<vmem>>
      %dma_start3A_913 = arith.constant 0 : i32
      %dma_start3A_914 = arith.constant 0 : i32
      %dma_start3A_915 = tpu.memref_slice %arg2[%arg0, %dma_start3A_913, %dma_start3A_914] : memref<2x50000x16xf32, #tpu.memory_space<hbm>> -> memref<1x50000x16xf32, #tpu.memory_space<hbm>>
      %dma_start3A_916 = tpu.memref_squeeze %dma_start3A_915 : memref<1x50000x16xf32, #tpu.memory_space<hbm>> -> memref<50000x16xf32, #tpu.memory_space<hbm>>
      %dma_start3A_917 = arith.constant 0 : i32
      %dma_start3A_918 = arith.constant 0 : i32
      %dma_start3A_919 = tpu.memref_slice %dma_start3A_916[%dma_start3A_917, %dma_start3A_918] : memref<50000x16xf32, #tpu.memory_space<hbm>> -> memref<50000x16xf32, #tpu.memory_space<hbm>>
      tpu.enqueue_indirect_dma source(%dma_start3A_919 : memref<50000x16xf32, #tpu.memory_space<hbm>>) target(%arg14 : memref<128x16xf32, #tpu.memory_space<vmem>>) offsets(%dma_start3A_912 : memref<128xi32, #tpu.memory_space<vmem>>) semaphore(%arg26 : memref<!tpu.dma_semaphore, #tpu.memory_space<semaphore_mem>>)
      %dma_start3A_920 = arith.constant 4 : i32
      %dma_start3A_921 = arith.constant 0 : i32
      %dma_start3A_922 = tpu.memref_slice %arg7[%dma_start3A_920, %dma_start3A_921] : memref<10x128xi32, #tpu.memory_space<vmem>> -> memref<1x128xi32, #tpu.memory_space<vmem>>
      %dma_start3A_923 = tpu.memref_squeeze %dma_start3A_922 : memref<1x128xi32, #tpu.memory_space<vmem>> -> memref<128xi32, #tpu.memory_space<vmem>>
      %dma_start3A_924 = arith.constant 0 : i32
      %dma_start3A_925 = arith.constant 0 : i32
      %dma_start3A_926 = tpu.memref_slice %arg2[%arg0, %dma_start3A_924, %dma_start3A_925] : memref<2x50000x16xf32, #tpu.memory_space<hbm>> -> memref<1x50000x16xf32, #tpu.memory_space<hbm>>
      %dma_start3A_927 = tpu.memref_squeeze %dma_start3A_926 : memref<1x50000x16xf32, #tpu.memory_space<hbm>> -> memref<50000x16xf32, #tpu.memory_space<hbm>>
      %dma_start3A_928 = arith.constant 0 : i32
      %dma_start3A_929 = arith.constant 0 : i32
      %dma_start3A_930 = tpu.memref_slice %dma_start3A_927[%dma_start3A_928, %dma_start3A_929] : memref<50000x16xf32, #tpu.memory_space<hbm>> -> memref<50000x16xf32, #tpu.memory_space<hbm>>
      tpu.enqueue_indirect_dma source(%dma_start3A_930 : memref<50000x16xf32, #tpu.memory_space<hbm>>) target(%arg15 : memref<128x16xf32, #tpu.memory_space<vmem>>) offsets(%dma_start3A_923 : memref<128xi32, #tpu.memory_space<vmem>>) semaphore(%arg27 : memref<!tpu.dma_semaphore, #tpu.memory_space<semaphore_mem>>)
      %dma_start3A_931 = arith.constant 5 : i32
      %dma_start3A_932 = arith.constant 0 : i32
      %dma_start3A_933 = tpu.memref_slice %arg7[%dma_start3A_931, %dma_start3A_932] : memref<10x128xi32, #tpu.memory_space<vmem>> -> memref<1x128xi32, #tpu.memory_space<vmem>>
      %dma_start3A_934 = tpu.memref_squeeze %dma_start3A_933 : memref<1x128xi32, #tpu.memory_space<vmem>> -> memref<128xi32, #tpu.memory_space<vmem>>
      %dma_start3A_935 = arith.constant 0 : i32
      %dma_start3A_936 = arith.constant 0 : i32
      %dma_start3A_937 = tpu.memref_slice %arg2[%arg0, %dma_start3A_935, %dma_start3A_936] : memref<2x50000x16xf32, #tpu.memory_space<hbm>> -> memref<1x50000x16xf32, #tpu.memory_space<hbm>>
      %dma_start3A_938 = tpu.memref_squeeze %dma_start3A_937 : memref<1x50000x16xf32, #tpu.memory_space<hbm>> -> memref<50000x16xf32, #tpu.memory_space<hbm>>
      %dma_start3A_939 = arith.constant 0 : i32
      %dma_start3A_940 = arith.constant 0 : i32
      %dma_start3A_941 = tpu.memref_slice %dma_start3A_938[%dma_start3A_939, %dma_start3A_940] : memref<50000x16xf32, #tpu.memory_space<hbm>> -> memref<50000x16xf32, #tpu.memory_space<hbm>>
      tpu.enqueue_indirect_dma source(%dma_start3A_941 : memref<50000x16xf32, #tpu.memory_space<hbm>>) target(%arg16 : memref<128x16xf32, #tpu.memory_space<vmem>>) offsets(%dma_start3A_934 : memref<128xi32, #tpu.memory_space<vmem>>) semaphore(%arg28 : memref<!tpu.dma_semaphore, #tpu.memory_space<semaphore_mem>>)
      %dma_start3A_942 = arith.constant 6 : i32
      %dma_start3A_943 = arith.constant 0 : i32
      %dma_start3A_944 = tpu.memref_slice %arg7[%dma_start3A_942, %dma_start3A_943] : memref<10x128xi32, #tpu.memory_space<vmem>> -> memref<1x128xi32, #tpu.memory_space<vmem>>
      %dma_start3A_945 = tpu.memref_squeeze %dma_start3A_944 : memref<1x128xi32, #tpu.memory_space<vmem>> -> memref<128xi32, #tpu.memory_space<vmem>>
      %dma_start3A_946 = arith.constant 0 : i32
      %dma_start3A_947 = arith.constant 0 : i32
      %dma_start3A_948 = tpu.memref_slice %arg2[%arg0, %dma_start3A_946, %dma_start3A_947] : memref<2x50000x16xf32, #tpu.memory_space<hbm>> -> memref<1x50000x16xf32, #tpu.memory_space<hbm>>
      %dma_start3A_949 = tpu.memref_squeeze %dma_start3A_948 : memref<1x50000x16xf32, #tpu.memory_space<hbm>> -> memref<50000x16xf32, #tpu.memory_space<hbm>>
      %dma_start3A_950 = arith.constant 0 : i32
      %dma_start3A_951 = arith.constant 0 : i32
      %dma_start3A_952 = tpu.memref_slice %dma_start3A_949[%dma_start3A_950, %dma_start3A_951] : memref<50000x16xf32, #tpu.memory_space<hbm>> -> memref<50000x16xf32, #tpu.memory_space<hbm>>
      tpu.enqueue_indirect_dma source(%dma_start3A_952 : memref<50000x16xf32, #tpu.memory_space<hbm>>) target(%arg17 : memref<128x16xf32, #tpu.memory_space<vmem>>) offsets(%dma_start3A_945 : memref<128xi32, #tpu.memory_space<vmem>>) semaphore(%arg29 : memref<!tpu.dma_semaphore, #tpu.memory_space<semaphore_mem>>)
      %dma_start3A_953 = arith.constant 7 : i32
      %dma_start3A_954 = arith.constant 0 : i32
      %dma_start3A_955 = tpu.memref_slice %arg7[%dma_start3A_953, %dma_start3A_954] : memref<10x128xi32, #tpu.memory_space<vmem>> -> memref<1x128xi32, #tpu.memory_space<vmem>>
      %dma_start3A_956 = tpu.memref_squeeze %dma_start3A_955 : memref<1x128xi32, #tpu.memory_space<vmem>> -> memref<128xi32, #tpu.memory_space<vmem>>
      %dma_start3A_957 = arith.constant 0 : i32
      %dma_start3A_958 = arith.constant 0 : i32
      %dma_start3A_959 = tpu.memref_slice %arg2[%arg0, %dma_start3A_957, %dma_start3A_958] : memref<2x50000x16xf32, #tpu.memory_space<hbm>> -> memref<1x50000x16xf32, #tpu.memory_space<hbm>>
      %dma_start3A_960 = tpu.memref_squeeze %dma_start3A_959 : memref<1x50000x16xf32, #tpu.memory_space<hbm>> -> memref<50000x16xf32, #tpu.memory_space<hbm>>
      %dma_start3A_961 = arith.constant 0 : i32
      %dma_start3A_962 = arith.constant 0 : i32
      %dma_start3A_963 = tpu.memref_slice %dma_start3A_960[%dma_start3A_961, %dma_start3A_962] : memref<50000x16xf32, #tpu.memory_space<hbm>> -> memref<50000x16xf32, #tpu.memory_space<hbm>>
      tpu.enqueue_indirect_dma source(%dma_start3A_963 : memref<50000x16xf32, #tpu.memory_space<hbm>>) target(%arg18 : memref<128x16xf32, #tpu.memory_space<vmem>>) offsets(%dma_start3A_956 : memref<128xi32, #tpu.memory_space<vmem>>) semaphore(%arg30 : memref<!tpu.dma_semaphore, #tpu.memory_space<semaphore_mem>>)
      %dma_start3A_964 = arith.constant 8 : i32
      %dma_start3A_965 = arith.constant 0 : i32
      %dma_start3A_966 = tpu.memref_slice %arg7[%dma_start3A_964, %dma_start3A_965] : memref<10x128xi32, #tpu.memory_space<vmem>> -> memref<1x128xi32, #tpu.memory_space<vmem>>
      %dma_start3A_967 = tpu.memref_squeeze %dma_start3A_966 : memref<1x128xi32, #tpu.memory_space<vmem>> -> memref<128xi32, #tpu.memory_space<vmem>>
      %dma_start3A_968 = arith.constant 0 : i32
      %dma_start3A_969 = arith.constant 0 : i32
      %dma_start3A_970 = tpu.memref_slice %arg2[%arg0, %dma_start3A_968, %dma_start3A_969] : memref<2x50000x16xf32, #tpu.memory_space<hbm>> -> memref<1x50000x16xf32, #tpu.memory_space<hbm>>
      %dma_start3A_971 = tpu.memref_squeeze %dma_start3A_970 : memref<1x50000x16xf32, #tpu.memory_space<hbm>> -> memref<50000x16xf32, #tpu.memory_space<hbm>>
      %dma_start3A_972 = arith.constant 0 : i32
      %dma_start3A_973 = arith.constant 0 : i32
      %dma_start3A_974 = tpu.memref_slice %dma_start3A_971[%dma_start3A_972, %dma_start3A_973] : memref<50000x16xf32, #tpu.memory_space<hbm>> -> memref<50000x16xf32, #tpu.memory_space<hbm>>
      tpu.enqueue_indirect_dma source(%dma_start3A_974 : memref<50000x16xf32, #tpu.memory_space<hbm>>) target(%arg19 : memref<128x16xf32, #tpu.memory_space<vmem>>) offsets(%dma_start3A_967 : memref<128xi32, #tpu.memory_space<vmem>>) semaphore(%arg31 : memref<!tpu.dma_semaphore, #tpu.memory_space<semaphore_mem>>)
      %dma_start3A_975 = arith.constant 9 : i32
      %dma_start3A_976 = arith.constant 0 : i32
      %dma_start3A_977 = tpu.memref_slice %arg7[%dma_start3A_975, %dma_start3A_976] : memref<10x128xi32, #tpu.memory_space<vmem>> -> memref<1x128xi32, #tpu.memory_space<vmem>>
      %dma_start3A_978 = tpu.memref_squeeze %dma_start3A_977 : memref<1x128xi32, #tpu.memory_space<vmem>> -> memref<128xi32, #tpu.memory_space<vmem>>
      %dma_start3A_979 = arith.constant 0 : i32
      %dma_start3A_980 = arith.constant 0 : i32
      %dma_start3A_981 = tpu.memref_slice %arg2[%arg0, %dma_start3A_979, %dma_start3A_980] : memref<2x50000x16xf32, #tpu.memory_space<hbm>> -> memref<1x50000x16xf32, #tpu.memory_space<hbm>>
      %dma_start3A_982 = tpu.memref_squeeze %dma_start3A_981 : memref<1x50000x16xf32, #tpu.memory_space<hbm>> -> memref<50000x16xf32, #tpu.memory_space<hbm>>
      %dma_start3A_983 = arith.constant 0 : i32
      %dma_start3A_984 = arith.constant 0 : i32
      %dma_start3A_985 = tpu.memref_slice %dma_start3A_982[%dma_start3A_983, %dma_start3A_984] : memref<50000x16xf32, #tpu.memory_space<hbm>> -> memref<50000x16xf32, #tpu.memory_space<hbm>>
      tpu.enqueue_indirect_dma source(%dma_start3A_985 : memref<50000x16xf32, #tpu.memory_space<hbm>>) target(%arg20 : memref<128x16xf32, #tpu.memory_space<vmem>>) offsets(%dma_start3A_978 : memref<128xi32, #tpu.memory_space<vmem>>) semaphore(%arg32 : memref<!tpu.dma_semaphore, #tpu.memory_space<semaphore_mem>>)
      %dma_wait3A_986 = arith.constant 0 : i32
      %dma_wait3A_987 = arith.constant 0 : i32
      %dma_wait3A_988 = tpu.memref_slice %arg7[%dma_wait3A_986, %dma_wait3A_987] : memref<10x128xi32, #tpu.memory_space<vmem>> -> memref<1x128xi32, #tpu.memory_space<vmem>>
      %dma_wait3A_989 = tpu.memref_squeeze %dma_wait3A_988 : memref<1x128xi32, #tpu.memory_space<vmem>> -> memref<128xi32, #tpu.memory_space<vmem>>
      %dma_wait3A_990 = arith.constant 0 : i32
      %dma_wait3A_991 = arith.constant 0 : i32
      %dma_wait3A_992 = tpu.memref_slice %arg2[%arg0, %dma_wait3A_990, %dma_wait3A_991] : memref<2x50000x16xf32, #tpu.memory_space<hbm>> -> memref<1x50000x16xf32, #tpu.memory_space<hbm>>
      %dma_wait3A_993 = tpu.memref_squeeze %dma_wait3A_992 : memref<1x50000x16xf32, #tpu.memory_space<hbm>> -> memref<50000x16xf32, #tpu.memory_space<hbm>>
      %dma_wait3A_994 = arith.constant 0 : i32
      %dma_wait3A_995 = arith.constant 0 : i32
      %dma_wait3A_996 = tpu.memref_slice %dma_wait3A_993[%dma_wait3A_994, %dma_wait3A_995] : memref<50000x16xf32, #tpu.memory_space<hbm>> -> memref<50000x16xf32, #tpu.memory_space<hbm>>
      tpu.wait_indirect_dma semaphore(%arg23 : memref<!tpu.dma_semaphore, #tpu.memory_space<semaphore_mem>>) src(%dma_wait3A_996 : memref<50000x16xf32, #tpu.memory_space<hbm>>) dst(%arg11 : memref<128x16xf32, #tpu.memory_space<vmem>>)
      %dma_start3A_997 = arith.constant 0 : i32
      %dma_start3A_998 = arith.constant 0 : i32
      %dma_start3A_999 = tpu.memref_slice %arg10[%dma_start3A_997, %dma_start3A_998] : memref<10x128xi32, #tpu.memory_space<vmem>> -> memref<1x128xi32, #tpu.memory_space<vmem>>
      %dma_start3A_1000 = tpu.memref_squeeze %dma_start3A_999 : memref<1x128xi32, #tpu.memory_space<vmem>> -> memref<128xi32, #tpu.memory_space<vmem>>
      %dma_start3A_1001 = arith.constant 0 : i32
      %dma_start3A_1002 = arith.constant 0 : i32
      %dma_start3A_1003 = tpu.memref_slice %arg22[%dma_start3A_1001, %dma_start3A_1002] : memref<50176x16xf32, #tpu.memory_space<vmem_shared>> -> memref<50176x16xf32, #tpu.memory_space<vmem_shared>>
      tpu.enqueue_indirect_dma source(%arg11 : memref<128x16xf32, #tpu.memory_space<vmem>>) target(%dma_start3A_1003 : memref<50176x16xf32, #tpu.memory_space<vmem_shared>>) offsets(%dma_start3A_1000 : memref<128xi32, #tpu.memory_space<vmem>>) semaphore(%arg33 : memref<!tpu.dma_semaphore, #tpu.memory_space<semaphore_mem>>) {add = true}
      %dma_wait3A_1004 = arith.constant 1 : i32
      %dma_wait3A_1005 = arith.constant 0 : i32
      %dma_wait3A_1006 = tpu.memref_slice %arg7[%dma_wait3A_1004, %dma_wait3A_1005] : memref<10x128xi32, #tpu.memory_space<vmem>> -> memref<1x128xi32, #tpu.memory_space<vmem>>
      %dma_wait3A_1007 = tpu.memref_squeeze %dma_wait3A_1006 : memref<1x128xi32, #tpu.memory_space<vmem>> -> memref<128xi32, #tpu.memory_space<vmem>>
      %dma_wait3A_1008 = arith.constant 0 : i32
      %dma_wait3A_1009 = arith.constant 0 : i32
      %dma_wait3A_1010 = tpu.memref_slice %arg2[%arg0, %dma_wait3A_1008, %dma_wait3A_1009] : memref<2x50000x16xf32, #tpu.memory_space<hbm>> -> memref<1x50000x16xf32, #tpu.memory_space<hbm>>
      %dma_wait3A_1011 = tpu.memref_squeeze %dma_wait3A_1010 : memref<1x50000x16xf32, #tpu.memory_space<hbm>> -> memref<50000x16xf32, #tpu.memory_space<hbm>>
      %dma_wait3A_1012 = arith.constant 0 : i32
      %dma_wait3A_1013 = arith.constant 0 : i32
      %dma_wait3A_1014 = tpu.memref_slice %dma_wait3A_1011[%dma_wait3A_1012, %dma_wait3A_1013] : memref<50000x16xf32, #tpu.memory_space<hbm>> -> memref<50000x16xf32, #tpu.memory_space<hbm>>
      tpu.wait_indirect_dma semaphore(%arg24 : memref<!tpu.dma_semaphore, #tpu.memory_space<semaphore_mem>>) src(%dma_wait3A_1014 : memref<50000x16xf32, #tpu.memory_space<hbm>>) dst(%arg12 : memref<128x16xf32, #tpu.memory_space<vmem>>)
      %dma_start3A_1015 = arith.constant 1 : i32
      %dma_start3A_1016 = arith.constant 0 : i32
      %dma_start3A_1017 = tpu.memref_slice %arg10[%dma_start3A_1015, %dma_start3A_1016] : memref<10x128xi32, #tpu.memory_space<vmem>> -> memref<1x128xi32, #tpu.memory_space<vmem>>
      %dma_start3A_1018 = tpu.memref_squeeze %dma_start3A_1017 : memref<1x128xi32, #tpu.memory_space<vmem>> -> memref<128xi32, #tpu.memory_space<vmem>>
      %dma_start3A_1019 = arith.constant 0 : i32
      %dma_start3A_1020 = arith.constant 0 : i32
      %dma_start3A_1021 = tpu.memref_slice %arg22[%dma_start3A_1019, %dma_start3A_1020] : memref<50176x16xf32, #tpu.memory_space<vmem_shared>> -> memref<50176x16xf32, #tpu.memory_space<vmem_shared>>
      tpu.enqueue_indirect_dma source(%arg12 : memref<128x16xf32, #tpu.memory_space<vmem>>) target(%dma_start3A_1021 : memref<50176x16xf32, #tpu.memory_space<vmem_shared>>) offsets(%dma_start3A_1018 : memref<128xi32, #tpu.memory_space<vmem>>) semaphore(%arg34 : memref<!tpu.dma_semaphore, #tpu.memory_space<semaphore_mem>>) {add = true}
      %dma_wait3A_1022 = arith.constant 2 : i32
      %dma_wait3A_1023 = arith.constant 0 : i32
      %dma_wait3A_1024 = tpu.memref_slice %arg7[%dma_wait3A_1022, %dma_wait3A_1023] : memref<10x128xi32, #tpu.memory_space<vmem>> -> memref<1x128xi32, #tpu.memory_space<vmem>>
      %dma_wait3A_1025 = tpu.memref_squeeze %dma_wait3A_1024 : memref<1x128xi32, #tpu.memory_space<vmem>> -> memref<128xi32, #tpu.memory_space<vmem>>
      %dma_wait3A_1026 = arith.constant 0 : i32
      %dma_wait3A_1027 = arith.constant 0 : i32
      %dma_wait3A_1028 = tpu.memref_slice %arg2[%arg0, %dma_wait3A_1026, %dma_wait3A_1027] : memref<2x50000x16xf32, #tpu.memory_space<hbm>> -> memref<1x50000x16xf32, #tpu.memory_space<hbm>>
      %dma_wait3A_1029 = tpu.memref_squeeze %dma_wait3A_1028 : memref<1x50000x16xf32, #tpu.memory_space<hbm>> -> memref<50000x16xf32, #tpu.memory_space<hbm>>
      %dma_wait3A_1030 = arith.constant 0 : i32
      %dma_wait3A_1031 = arith.constant 0 : i32
      %dma_wait3A_1032 = tpu.memref_slice %dma_wait3A_1029[%dma_wait3A_1030, %dma_wait3A_1031] : memref<50000x16xf32, #tpu.memory_space<hbm>> -> memref<50000x16xf32, #tpu.memory_space<hbm>>
      tpu.wait_indirect_dma semaphore(%arg25 : memref<!tpu.dma_semaphore, #tpu.memory_space<semaphore_mem>>) src(%dma_wait3A_1032 : memref<50000x16xf32, #tpu.memory_space<hbm>>) dst(%arg13 : memref<128x16xf32, #tpu.memory_space<vmem>>)
      %dma_start3A_1033 = arith.constant 2 : i32
      %dma_start3A_1034 = arith.constant 0 : i32
      %dma_start3A_1035 = tpu.memref_slice %arg10[%dma_start3A_1033, %dma_start3A_1034] : memref<10x128xi32, #tpu.memory_space<vmem>> -> memref<1x128xi32, #tpu.memory_space<vmem>>
      %dma_start3A_1036 = tpu.memref_squeeze %dma_start3A_1035 : memref<1x128xi32, #tpu.memory_space<vmem>> -> memref<128xi32, #tpu.memory_space<vmem>>
      %dma_start3A_1037 = arith.constant 0 : i32
      %dma_start3A_1038 = arith.constant 0 : i32
      %dma_start3A_1039 = tpu.memref_slice %arg22[%dma_start3A_1037, %dma_start3A_1038] : memref<50176x16xf32, #tpu.memory_space<vmem_shared>> -> memref<50176x16xf32, #tpu.memory_space<vmem_shared>>
      tpu.enqueue_indirect_dma source(%arg13 : memref<128x16xf32, #tpu.memory_space<vmem>>) target(%dma_start3A_1039 : memref<50176x16xf32, #tpu.memory_space<vmem_shared>>) offsets(%dma_start3A_1036 : memref<128xi32, #tpu.memory_space<vmem>>) semaphore(%arg35 : memref<!tpu.dma_semaphore, #tpu.memory_space<semaphore_mem>>) {add = true}
      %dma_wait3A_1040 = arith.constant 3 : i32
      %dma_wait3A_1041 = arith.constant 0 : i32
      %dma_wait3A_1042 = tpu.memref_slice %arg7[%dma_wait3A_1040, %dma_wait3A_1041] : memref<10x128xi32, #tpu.memory_space<vmem>> -> memref<1x128xi32, #tpu.memory_space<vmem>>
      %dma_wait3A_1043 = tpu.memref_squeeze %dma_wait3A_1042 : memref<1x128xi32, #tpu.memory_space<vmem>> -> memref<128xi32, #tpu.memory_space<vmem>>
      %dma_wait3A_1044 = arith.constant 0 : i32
      %dma_wait3A_1045 = arith.constant 0 : i32
      %dma_wait3A_1046 = tpu.memref_slice %arg2[%arg0, %dma_wait3A_1044, %dma_wait3A_1045] : memref<2x50000x16xf32, #tpu.memory_space<hbm>> -> memref<1x50000x16xf32, #tpu.memory_space<hbm>>
      %dma_wait3A_1047 = tpu.memref_squeeze %dma_wait3A_1046 : memref<1x50000x16xf32, #tpu.memory_space<hbm>> -> memref<50000x16xf32, #tpu.memory_space<hbm>>
      %dma_wait3A_1048 = arith.constant 0 : i32
      %dma_wait3A_1049 = arith.constant 0 : i32
      %dma_wait3A_1050 = tpu.memref_slice %dma_wait3A_1047[%dma_wait3A_1048, %dma_wait3A_1049] : memref<50000x16xf32, #tpu.memory_space<hbm>> -> memref<50000x16xf32, #tpu.memory_space<hbm>>
      tpu.wait_indirect_dma semaphore(%arg26 : memref<!tpu.dma_semaphore, #tpu.memory_space<semaphore_mem>>) src(%dma_wait3A_1050 : memref<50000x16xf32, #tpu.memory_space<hbm>>) dst(%arg14 : memref<128x16xf32, #tpu.memory_space<vmem>>)
      %dma_start3A_1051 = arith.constant 3 : i32
      %dma_start3A_1052 = arith.constant 0 : i32
      %dma_start3A_1053 = tpu.memref_slice %arg10[%dma_start3A_1051, %dma_start3A_1052] : memref<10x128xi32, #tpu.memory_space<vmem>> -> memref<1x128xi32, #tpu.memory_space<vmem>>
      %dma_start3A_1054 = tpu.memref_squeeze %dma_start3A_1053 : memref<1x128xi32, #tpu.memory_space<vmem>> -> memref<128xi32, #tpu.memory_space<vmem>>
      %dma_start3A_1055 = arith.constant 0 : i32
      %dma_start3A_1056 = arith.constant 0 : i32
      %dma_start3A_1057 = tpu.memref_slice %arg22[%dma_start3A_1055, %dma_start3A_1056] : memref<50176x16xf32, #tpu.memory_space<vmem_shared>> -> memref<50176x16xf32, #tpu.memory_space<vmem_shared>>
      tpu.enqueue_indirect_dma source(%arg14 : memref<128x16xf32, #tpu.memory_space<vmem>>) target(%dma_start3A_1057 : memref<50176x16xf32, #tpu.memory_space<vmem_shared>>) offsets(%dma_start3A_1054 : memref<128xi32, #tpu.memory_space<vmem>>) semaphore(%arg36 : memref<!tpu.dma_semaphore, #tpu.memory_space<semaphore_mem>>) {add = true}
      %dma_wait3A_1058 = arith.constant 4 : i32
      %dma_wait3A_1059 = arith.constant 0 : i32
      %dma_wait3A_1060 = tpu.memref_slice %arg7[%dma_wait3A_1058, %dma_wait3A_1059] : memref<10x128xi32, #tpu.memory_space<vmem>> -> memref<1x128xi32, #tpu.memory_space<vmem>>
      %dma_wait3A_1061 = tpu.memref_squeeze %dma_wait3A_1060 : memref<1x128xi32, #tpu.memory_space<vmem>> -> memref<128xi32, #tpu.memory_space<vmem>>
      %dma_wait3A_1062 = arith.constant 0 : i32
      %dma_wait3A_1063 = arith.constant 0 : i32
      %dma_wait3A_1064 = tpu.memref_slice %arg2[%arg0, %dma_wait3A_1062, %dma_wait3A_1063] : memref<2x50000x16xf32, #tpu.memory_space<hbm>> -> memref<1x50000x16xf32, #tpu.memory_space<hbm>>
      %dma_wait3A_1065 = tpu.memref_squeeze %dma_wait3A_1064 : memref<1x50000x16xf32, #tpu.memory_space<hbm>> -> memref<50000x16xf32, #tpu.memory_space<hbm>>
      %dma_wait3A_1066 = arith.constant 0 : i32
      %dma_wait3A_1067 = arith.constant 0 : i32
      %dma_wait3A_1068 = tpu.memref_slice %dma_wait3A_1065[%dma_wait3A_1066, %dma_wait3A_1067] : memref<50000x16xf32, #tpu.memory_space<hbm>> -> memref<50000x16xf32, #tpu.memory_space<hbm>>
      tpu.wait_indirect_dma semaphore(%arg27 : memref<!tpu.dma_semaphore, #tpu.memory_space<semaphore_mem>>) src(%dma_wait3A_1068 : memref<50000x16xf32, #tpu.memory_space<hbm>>) dst(%arg15 : memref<128x16xf32, #tpu.memory_space<vmem>>)
      %dma_start3A_1069 = arith.constant 4 : i32
      %dma_start3A_1070 = arith.constant 0 : i32
      %dma_start3A_1071 = tpu.memref_slice %arg10[%dma_start3A_1069, %dma_start3A_1070] : memref<10x128xi32, #tpu.memory_space<vmem>> -> memref<1x128xi32, #tpu.memory_space<vmem>>
      %dma_start3A_1072 = tpu.memref_squeeze %dma_start3A_1071 : memref<1x128xi32, #tpu.memory_space<vmem>> -> memref<128xi32, #tpu.memory_space<vmem>>
      %dma_start3A_1073 = arith.constant 0 : i32
      %dma_start3A_1074 = arith.constant 0 : i32
      %dma_start3A_1075 = tpu.memref_slice %arg22[%dma_start3A_1073, %dma_start3A_1074] : memref<50176x16xf32, #tpu.memory_space<vmem_shared>> -> memref<50176x16xf32, #tpu.memory_space<vmem_shared>>
      tpu.enqueue_indirect_dma source(%arg15 : memref<128x16xf32, #tpu.memory_space<vmem>>) target(%dma_start3A_1075 : memref<50176x16xf32, #tpu.memory_space<vmem_shared>>) offsets(%dma_start3A_1072 : memref<128xi32, #tpu.memory_space<vmem>>) semaphore(%arg37 : memref<!tpu.dma_semaphore, #tpu.memory_space<semaphore_mem>>) {add = true}
      %dma_wait3A_1076 = arith.constant 5 : i32
      %dma_wait3A_1077 = arith.constant 0 : i32
      %dma_wait3A_1078 = tpu.memref_slice %arg7[%dma_wait3A_1076, %dma_wait3A_1077] : memref<10x128xi32, #tpu.memory_space<vmem>> -> memref<1x128xi32, #tpu.memory_space<vmem>>
      %dma_wait3A_1079 = tpu.memref_squeeze %dma_wait3A_1078 : memref<1x128xi32, #tpu.memory_space<vmem>> -> memref<128xi32, #tpu.memory_space<vmem>>
      %dma_wait3A_1080 = arith.constant 0 : i32
      %dma_wait3A_1081 = arith.constant 0 : i32
      %dma_wait3A_1082 = tpu.memref_slice %arg2[%arg0, %dma_wait3A_1080, %dma_wait3A_1081] : memref<2x50000x16xf32, #tpu.memory_space<hbm>> -> memref<1x50000x16xf32, #tpu.memory_space<hbm>>
      %dma_wait3A_1083 = tpu.memref_squeeze %dma_wait3A_1082 : memref<1x50000x16xf32, #tpu.memory_space<hbm>> -> memref<50000x16xf32, #tpu.memory_space<hbm>>
      %dma_wait3A_1084 = arith.constant 0 : i32
      %dma_wait3A_1085 = arith.constant 0 : i32
      %dma_wait3A_1086 = tpu.memref_slice %dma_wait3A_1083[%dma_wait3A_1084, %dma_wait3A_1085] : memref<50000x16xf32, #tpu.memory_space<hbm>> -> memref<50000x16xf32, #tpu.memory_space<hbm>>
      tpu.wait_indirect_dma semaphore(%arg28 : memref<!tpu.dma_semaphore, #tpu.memory_space<semaphore_mem>>) src(%dma_wait3A_1086 : memref<50000x16xf32, #tpu.memory_space<hbm>>) dst(%arg16 : memref<128x16xf32, #tpu.memory_space<vmem>>)
      %dma_start3A_1087 = arith.constant 5 : i32
      %dma_start3A_1088 = arith.constant 0 : i32
      %dma_start3A_1089 = tpu.memref_slice %arg10[%dma_start3A_1087, %dma_start3A_1088] : memref<10x128xi32, #tpu.memory_space<vmem>> -> memref<1x128xi32, #tpu.memory_space<vmem>>
      %dma_start3A_1090 = tpu.memref_squeeze %dma_start3A_1089 : memref<1x128xi32, #tpu.memory_space<vmem>> -> memref<128xi32, #tpu.memory_space<vmem>>
      %dma_start3A_1091 = arith.constant 0 : i32
      %dma_start3A_1092 = arith.constant 0 : i32
      %dma_start3A_1093 = tpu.memref_slice %arg22[%dma_start3A_1091, %dma_start3A_1092] : memref<50176x16xf32, #tpu.memory_space<vmem_shared>> -> memref<50176x16xf32, #tpu.memory_space<vmem_shared>>
      tpu.enqueue_indirect_dma source(%arg16 : memref<128x16xf32, #tpu.memory_space<vmem>>) target(%dma_start3A_1093 : memref<50176x16xf32, #tpu.memory_space<vmem_shared>>) offsets(%dma_start3A_1090 : memref<128xi32, #tpu.memory_space<vmem>>) semaphore(%arg38 : memref<!tpu.dma_semaphore, #tpu.memory_space<semaphore_mem>>) {add = true}
      %dma_wait3A_1094 = arith.constant 6 : i32
      %dma_wait3A_1095 = arith.constant 0 : i32
      %dma_wait3A_1096 = tpu.memref_slice %arg7[%dma_wait3A_1094, %dma_wait3A_1095] : memref<10x128xi32, #tpu.memory_space<vmem>> -> memref<1x128xi32, #tpu.memory_space<vmem>>
      %dma_wait3A_1097 = tpu.memref_squeeze %dma_wait3A_1096 : memref<1x128xi32, #tpu.memory_space<vmem>> -> memref<128xi32, #tpu.memory_space<vmem>>
      %dma_wait3A_1098 = arith.constant 0 : i32
      %dma_wait3A_1099 = arith.constant 0 : i32
      %dma_wait3A_1100 = tpu.memref_slice %arg2[%arg0, %dma_wait3A_1098, %dma_wait3A_1099] : memref<2x50000x16xf32, #tpu.memory_space<hbm>> -> memref<1x50000x16xf32, #tpu.memory_space<hbm>>
      %dma_wait3A_1101 = tpu.memref_squeeze %dma_wait3A_1100 : memref<1x50000x16xf32, #tpu.memory_space<hbm>> -> memref<50000x16xf32, #tpu.memory_space<hbm>>
      %dma_wait3A_1102 = arith.constant 0 : i32
      %dma_wait3A_1103 = arith.constant 0 : i32
      %dma_wait3A_1104 = tpu.memref_slice %dma_wait3A_1101[%dma_wait3A_1102, %dma_wait3A_1103] : memref<50000x16xf32, #tpu.memory_space<hbm>> -> memref<50000x16xf32, #tpu.memory_space<hbm>>
      tpu.wait_indirect_dma semaphore(%arg29 : memref<!tpu.dma_semaphore, #tpu.memory_space<semaphore_mem>>) src(%dma_wait3A_1104 : memref<50000x16xf32, #tpu.memory_space<hbm>>) dst(%arg17 : memref<128x16xf32, #tpu.memory_space<vmem>>)
      %dma_start3A_1105 = arith.constant 6 : i32
      %dma_start3A_1106 = arith.constant 0 : i32
      %dma_start3A_1107 = tpu.memref_slice %arg10[%dma_start3A_1105, %dma_start3A_1106] : memref<10x128xi32, #tpu.memory_space<vmem>> -> memref<1x128xi32, #tpu.memory_space<vmem>>
      %dma_start3A_1108 = tpu.memref_squeeze %dma_start3A_1107 : memref<1x128xi32, #tpu.memory_space<vmem>> -> memref<128xi32, #tpu.memory_space<vmem>>
      %dma_start3A_1109 = arith.constant 0 : i32
      %dma_start3A_1110 = arith.constant 0 : i32
      %dma_start3A_1111 = tpu.memref_slice %arg22[%dma_start3A_1109, %dma_start3A_1110] : memref<50176x16xf32, #tpu.memory_space<vmem_shared>> -> memref<50176x16xf32, #tpu.memory_space<vmem_shared>>
      tpu.enqueue_indirect_dma source(%arg17 : memref<128x16xf32, #tpu.memory_space<vmem>>) target(%dma_start3A_1111 : memref<50176x16xf32, #tpu.memory_space<vmem_shared>>) offsets(%dma_start3A_1108 : memref<128xi32, #tpu.memory_space<vmem>>) semaphore(%arg39 : memref<!tpu.dma_semaphore, #tpu.memory_space<semaphore_mem>>) {add = true}
      %dma_wait3A_1112 = arith.constant 7 : i32
      %dma_wait3A_1113 = arith.constant 0 : i32
      %dma_wait3A_1114 = tpu.memref_slice %arg7[%dma_wait3A_1112, %dma_wait3A_1113] : memref<10x128xi32, #tpu.memory_space<vmem>> -> memref<1x128xi32, #tpu.memory_space<vmem>>
      %dma_wait3A_1115 = tpu.memref_squeeze %dma_wait3A_1114 : memref<1x128xi32, #tpu.memory_space<vmem>> -> memref<128xi32, #tpu.memory_space<vmem>>
      %dma_wait3A_1116 = arith.constant 0 : i32
      %dma_wait3A_1117 = arith.constant 0 : i32
      %dma_wait3A_1118 = tpu.memref_slice %arg2[%arg0, %dma_wait3A_1116, %dma_wait3A_1117] : memref<2x50000x16xf32, #tpu.memory_space<hbm>> -> memref<1x50000x16xf32, #tpu.memory_space<hbm>>
      %dma_wait3A_1119 = tpu.memref_squeeze %dma_wait3A_1118 : memref<1x50000x16xf32, #tpu.memory_space<hbm>> -> memref<50000x16xf32, #tpu.memory_space<hbm>>
      %dma_wait3A_1120 = arith.constant 0 : i32
      %dma_wait3A_1121 = arith.constant 0 : i32
      %dma_wait3A_1122 = tpu.memref_slice %dma_wait3A_1119[%dma_wait3A_1120, %dma_wait3A_1121] : memref<50000x16xf32, #tpu.memory_space<hbm>> -> memref<50000x16xf32, #tpu.memory_space<hbm>>
      tpu.wait_indirect_dma semaphore(%arg30 : memref<!tpu.dma_semaphore, #tpu.memory_space<semaphore_mem>>) src(%dma_wait3A_1122 : memref<50000x16xf32, #tpu.memory_space<hbm>>) dst(%arg18 : memref<128x16xf32, #tpu.memory_space<vmem>>)
      %dma_start3A_1123 = arith.constant 7 : i32
      %dma_start3A_1124 = arith.constant 0 : i32
      %dma_start3A_1125 = tpu.memref_slice %arg10[%dma_start3A_1123, %dma_start3A_1124] : memref<10x128xi32, #tpu.memory_space<vmem>> -> memref<1x128xi32, #tpu.memory_space<vmem>>
      %dma_start3A_1126 = tpu.memref_squeeze %dma_start3A_1125 : memref<1x128xi32, #tpu.memory_space<vmem>> -> memref<128xi32, #tpu.memory_space<vmem>>
      %dma_start3A_1127 = arith.constant 0 : i32
      %dma_start3A_1128 = arith.constant 0 : i32
      %dma_start3A_1129 = tpu.memref_slice %arg22[%dma_start3A_1127, %dma_start3A_1128] : memref<50176x16xf32, #tpu.memory_space<vmem_shared>> -> memref<50176x16xf32, #tpu.memory_space<vmem_shared>>
      tpu.enqueue_indirect_dma source(%arg18 : memref<128x16xf32, #tpu.memory_space<vmem>>) target(%dma_start3A_1129 : memref<50176x16xf32, #tpu.memory_space<vmem_shared>>) offsets(%dma_start3A_1126 : memref<128xi32, #tpu.memory_space<vmem>>) semaphore(%arg40 : memref<!tpu.dma_semaphore, #tpu.memory_space<semaphore_mem>>) {add = true}
      %dma_wait3A_1130 = arith.constant 8 : i32
      %dma_wait3A_1131 = arith.constant 0 : i32
      %dma_wait3A_1132 = tpu.memref_slice %arg7[%dma_wait3A_1130, %dma_wait3A_1131] : memref<10x128xi32, #tpu.memory_space<vmem>> -> memref<1x128xi32, #tpu.memory_space<vmem>>
      %dma_wait3A_1133 = tpu.memref_squeeze %dma_wait3A_1132 : memref<1x128xi32, #tpu.memory_space<vmem>> -> memref<128xi32, #tpu.memory_space<vmem>>
      %dma_wait3A_1134 = arith.constant 0 : i32
      %dma_wait3A_1135 = arith.constant 0 : i32
      %dma_wait3A_1136 = tpu.memref_slice %arg2[%arg0, %dma_wait3A_1134, %dma_wait3A_1135] : memref<2x50000x16xf32, #tpu.memory_space<hbm>> -> memref<1x50000x16xf32, #tpu.memory_space<hbm>>
      %dma_wait3A_1137 = tpu.memref_squeeze %dma_wait3A_1136 : memref<1x50000x16xf32, #tpu.memory_space<hbm>> -> memref<50000x16xf32, #tpu.memory_space<hbm>>
      %dma_wait3A_1138 = arith.constant 0 : i32
      %dma_wait3A_1139 = arith.constant 0 : i32
      %dma_wait3A_1140 = tpu.memref_slice %dma_wait3A_1137[%dma_wait3A_1138, %dma_wait3A_1139] : memref<50000x16xf32, #tpu.memory_space<hbm>> -> memref<50000x16xf32, #tpu.memory_space<hbm>>
      tpu.wait_indirect_dma semaphore(%arg31 : memref<!tpu.dma_semaphore, #tpu.memory_space<semaphore_mem>>) src(%dma_wait3A_1140 : memref<50000x16xf32, #tpu.memory_space<hbm>>) dst(%arg19 : memref<128x16xf32, #tpu.memory_space<vmem>>)
      %dma_start3A_1141 = arith.constant 8 : i32
      %dma_start3A_1142 = arith.constant 0 : i32
      %dma_start3A_1143 = tpu.memref_slice %arg10[%dma_start3A_1141, %dma_start3A_1142] : memref<10x128xi32, #tpu.memory_space<vmem>> -> memref<1x128xi32, #tpu.memory_space<vmem>>
      %dma_start3A_1144 = tpu.memref_squeeze %dma_start3A_1143 : memref<1x128xi32, #tpu.memory_space<vmem>> -> memref<128xi32, #tpu.memory_space<vmem>>
      %dma_start3A_1145 = arith.constant 0 : i32
      %dma_start3A_1146 = arith.constant 0 : i32
      %dma_start3A_1147 = tpu.memref_slice %arg22[%dma_start3A_1145, %dma_start3A_1146] : memref<50176x16xf32, #tpu.memory_space<vmem_shared>> -> memref<50176x16xf32, #tpu.memory_space<vmem_shared>>
      tpu.enqueue_indirect_dma source(%arg19 : memref<128x16xf32, #tpu.memory_space<vmem>>) target(%dma_start3A_1147 : memref<50176x16xf32, #tpu.memory_space<vmem_shared>>) offsets(%dma_start3A_1144 : memref<128xi32, #tpu.memory_space<vmem>>) semaphore(%arg41 : memref<!tpu.dma_semaphore, #tpu.memory_space<semaphore_mem>>) {add = true}
      %dma_wait3A_1148 = arith.constant 9 : i32
      %dma_wait3A_1149 = arith.constant 0 : i32
      %dma_wait3A_1150 = tpu.memref_slice %arg7[%dma_wait3A_1148, %dma_wait3A_1149] : memref<10x128xi32, #tpu.memory_space<vmem>> -> memref<1x128xi32, #tpu.memory_space<vmem>>
      %dma_wait3A_1151 = tpu.memref_squeeze %dma_wait3A_1150 : memref<1x128xi32, #tpu.memory_space<vmem>> -> memref<128xi32, #tpu.memory_space<vmem>>
      %dma_wait3A_1152 = arith.constant 0 : i32
      %dma_wait3A_1153 = arith.constant 0 : i32
      %dma_wait3A_1154 = tpu.memref_slice %arg2[%arg0, %dma_wait3A_1152, %dma_wait3A_1153] : memref<2x50000x16xf32, #tpu.memory_space<hbm>> -> memref<1x50000x16xf32, #tpu.memory_space<hbm>>
      %dma_wait3A_1155 = tpu.memref_squeeze %dma_wait3A_1154 : memref<1x50000x16xf32, #tpu.memory_space<hbm>> -> memref<50000x16xf32, #tpu.memory_space<hbm>>
      %dma_wait3A_1156 = arith.constant 0 : i32
      %dma_wait3A_1157 = arith.constant 0 : i32
      %dma_wait3A_1158 = tpu.memref_slice %dma_wait3A_1155[%dma_wait3A_1156, %dma_wait3A_1157] : memref<50000x16xf32, #tpu.memory_space<hbm>> -> memref<50000x16xf32, #tpu.memory_space<hbm>>
      tpu.wait_indirect_dma semaphore(%arg32 : memref<!tpu.dma_semaphore, #tpu.memory_space<semaphore_mem>>) src(%dma_wait3A_1158 : memref<50000x16xf32, #tpu.memory_space<hbm>>) dst(%arg20 : memref<128x16xf32, #tpu.memory_space<vmem>>)
      %dma_start3A_1159 = arith.constant 9 : i32
      %dma_start3A_1160 = arith.constant 0 : i32
      %dma_start3A_1161 = tpu.memref_slice %arg10[%dma_start3A_1159, %dma_start3A_1160] : memref<10x128xi32, #tpu.memory_space<vmem>> -> memref<1x128xi32, #tpu.memory_space<vmem>>
      %dma_start3A_1162 = tpu.memref_squeeze %dma_start3A_1161 : memref<1x128xi32, #tpu.memory_space<vmem>> -> memref<128xi32, #tpu.memory_space<vmem>>
      %dma_start3A_1163 = arith.constant 0 : i32
      %dma_start3A_1164 = arith.constant 0 : i32
      %dma_start3A_1165 = tpu.memref_slice %arg22[%dma_start3A_1163, %dma_start3A_1164] : memref<50176x16xf32, #tpu.memory_space<vmem_shared>> -> memref<50176x16xf32, #tpu.memory_space<vmem_shared>>
      tpu.enqueue_indirect_dma source(%arg20 : memref<128x16xf32, #tpu.memory_space<vmem>>) target(%dma_start3A_1165 : memref<50176x16xf32, #tpu.memory_space<vmem_shared>>) offsets(%dma_start3A_1162 : memref<128xi32, #tpu.memory_space<vmem>>) semaphore(%arg42 : memref<!tpu.dma_semaphore, #tpu.memory_space<semaphore_mem>>) {add = true}
      %dma_wait3A_1166 = arith.constant 0 : i32
      %dma_wait3A_1167 = arith.constant 0 : i32
      %dma_wait3A_1168 = tpu.memref_slice %arg10[%dma_wait3A_1166, %dma_wait3A_1167] : memref<10x128xi32, #tpu.memory_space<vmem>> -> memref<1x128xi32, #tpu.memory_space<vmem>>
      %dma_wait3A_1169 = tpu.memref_squeeze %dma_wait3A_1168 : memref<1x128xi32, #tpu.memory_space<vmem>> -> memref<128xi32, #tpu.memory_space<vmem>>
      %dma_wait3A_1170 = arith.constant 0 : i32
      %dma_wait3A_1171 = arith.constant 0 : i32
      %dma_wait3A_1172 = tpu.memref_slice %arg22[%dma_wait3A_1170, %dma_wait3A_1171] : memref<50176x16xf32, #tpu.memory_space<vmem_shared>> -> memref<50176x16xf32, #tpu.memory_space<vmem_shared>>
      tpu.wait_indirect_dma semaphore(%arg33 : memref<!tpu.dma_semaphore, #tpu.memory_space<semaphore_mem>>) src(%arg11 : memref<128x16xf32, #tpu.memory_space<vmem>>) dst(%dma_wait3A_1172 : memref<50176x16xf32, #tpu.memory_space<vmem_shared>>)
      %dma_wait3A_1173 = arith.constant 1 : i32
      %dma_wait3A_1174 = arith.constant 0 : i32
      %dma_wait3A_1175 = tpu.memref_slice %arg10[%dma_wait3A_1173, %dma_wait3A_1174] : memref<10x128xi32, #tpu.memory_space<vmem>> -> memref<1x128xi32, #tpu.memory_space<vmem>>
      %dma_wait3A_1176 = tpu.memref_squeeze %dma_wait3A_1175 : memref<1x128xi32, #tpu.memory_space<vmem>> -> memref<128xi32, #tpu.memory_space<vmem>>
      %dma_wait3A_1177 = arith.constant 0 : i32
      %dma_wait3A_1178 = arith.constant 0 : i32
      %dma_wait3A_1179 = tpu.memref_slice %arg22[%dma_wait3A_1177, %dma_wait3A_1178] : memref<50176x16xf32, #tpu.memory_space<vmem_shared>> -> memref<50176x16xf32, #tpu.memory_space<vmem_shared>>
      tpu.wait_indirect_dma semaphore(%arg34 : memref<!tpu.dma_semaphore, #tpu.memory_space<semaphore_mem>>) src(%arg12 : memref<128x16xf32, #tpu.memory_space<vmem>>) dst(%dma_wait3A_1179 : memref<50176x16xf32, #tpu.memory_space<vmem_shared>>)
      %dma_wait3A_1180 = arith.constant 2 : i32
      %dma_wait3A_1181 = arith.constant 0 : i32
      %dma_wait3A_1182 = tpu.memref_slice %arg10[%dma_wait3A_1180, %dma_wait3A_1181] : memref<10x128xi32, #tpu.memory_space<vmem>> -> memref<1x128xi32, #tpu.memory_space<vmem>>
      %dma_wait3A_1183 = tpu.memref_squeeze %dma_wait3A_1182 : memref<1x128xi32, #tpu.memory_space<vmem>> -> memref<128xi32, #tpu.memory_space<vmem>>
      %dma_wait3A_1184 = arith.constant 0 : i32
      %dma_wait3A_1185 = arith.constant 0 : i32
      %dma_wait3A_1186 = tpu.memref_slice %arg22[%dma_wait3A_1184, %dma_wait3A_1185] : memref<50176x16xf32, #tpu.memory_space<vmem_shared>> -> memref<50176x16xf32, #tpu.memory_space<vmem_shared>>
      tpu.wait_indirect_dma semaphore(%arg35 : memref<!tpu.dma_semaphore, #tpu.memory_space<semaphore_mem>>) src(%arg13 : memref<128x16xf32, #tpu.memory_space<vmem>>) dst(%dma_wait3A_1186 : memref<50176x16xf32, #tpu.memory_space<vmem_shared>>)
      %dma_wait3A_1187 = arith.constant 3 : i32
      %dma_wait3A_1188 = arith.constant 0 : i32
      %dma_wait3A_1189 = tpu.memref_slice %arg10[%dma_wait3A_1187, %dma_wait3A_1188] : memref<10x128xi32, #tpu.memory_space<vmem>> -> memref<1x128xi32, #tpu.memory_space<vmem>>
      %dma_wait3A_1190 = tpu.memref_squeeze %dma_wait3A_1189 : memref<1x128xi32, #tpu.memory_space<vmem>> -> memref<128xi32, #tpu.memory_space<vmem>>
      %dma_wait3A_1191 = arith.constant 0 : i32
      %dma_wait3A_1192 = arith.constant 0 : i32
      %dma_wait3A_1193 = tpu.memref_slice %arg22[%dma_wait3A_1191, %dma_wait3A_1192] : memref<50176x16xf32, #tpu.memory_space<vmem_shared>> -> memref<50176x16xf32, #tpu.memory_space<vmem_shared>>
      tpu.wait_indirect_dma semaphore(%arg36 : memref<!tpu.dma_semaphore, #tpu.memory_space<semaphore_mem>>) src(%arg14 : memref<128x16xf32, #tpu.memory_space<vmem>>) dst(%dma_wait3A_1193 : memref<50176x16xf32, #tpu.memory_space<vmem_shared>>)
      %dma_wait3A_1194 = arith.constant 4 : i32
      %dma_wait3A_1195 = arith.constant 0 : i32
      %dma_wait3A_1196 = tpu.memref_slice %arg10[%dma_wait3A_1194, %dma_wait3A_1195] : memref<10x128xi32, #tpu.memory_space<vmem>> -> memref<1x128xi32, #tpu.memory_space<vmem>>
      %dma_wait3A_1197 = tpu.memref_squeeze %dma_wait3A_1196 : memref<1x128xi32, #tpu.memory_space<vmem>> -> memref<128xi32, #tpu.memory_space<vmem>>
      %dma_wait3A_1198 = arith.constant 0 : i32
      %dma_wait3A_1199 = arith.constant 0 : i32
      %dma_wait3A_1200 = tpu.memref_slice %arg22[%dma_wait3A_1198, %dma_wait3A_1199] : memref<50176x16xf32, #tpu.memory_space<vmem_shared>> -> memref<50176x16xf32, #tpu.memory_space<vmem_shared>>
      tpu.wait_indirect_dma semaphore(%arg37 : memref<!tpu.dma_semaphore, #tpu.memory_space<semaphore_mem>>) src(%arg15 : memref<128x16xf32, #tpu.memory_space<vmem>>) dst(%dma_wait3A_1200 : memref<50176x16xf32, #tpu.memory_space<vmem_shared>>)
      %dma_wait3A_1201 = arith.constant 5 : i32
      %dma_wait3A_1202 = arith.constant 0 : i32
      %dma_wait3A_1203 = tpu.memref_slice %arg10[%dma_wait3A_1201, %dma_wait3A_1202] : memref<10x128xi32, #tpu.memory_space<vmem>> -> memref<1x128xi32, #tpu.memory_space<vmem>>
      %dma_wait3A_1204 = tpu.memref_squeeze %dma_wait3A_1203 : memref<1x128xi32, #tpu.memory_space<vmem>> -> memref<128xi32, #tpu.memory_space<vmem>>
      %dma_wait3A_1205 = arith.constant 0 : i32
      %dma_wait3A_1206 = arith.constant 0 : i32
      %dma_wait3A_1207 = tpu.memref_slice %arg22[%dma_wait3A_1205, %dma_wait3A_1206] : memref<50176x16xf32, #tpu.memory_space<vmem_shared>> -> memref<50176x16xf32, #tpu.memory_space<vmem_shared>>
      tpu.wait_indirect_dma semaphore(%arg38 : memref<!tpu.dma_semaphore, #tpu.memory_space<semaphore_mem>>) src(%arg16 : memref<128x16xf32, #tpu.memory_space<vmem>>) dst(%dma_wait3A_1207 : memref<50176x16xf32, #tpu.memory_space<vmem_shared>>)
      %dma_wait3A_1208 = arith.constant 6 : i32
      %dma_wait3A_1209 = arith.constant 0 : i32
      %dma_wait3A_1210 = tpu.memref_slice %arg10[%dma_wait3A_1208, %dma_wait3A_1209] : memref<10x128xi32, #tpu.memory_space<vmem>> -> memref<1x128xi32, #tpu.memory_space<vmem>>
      %dma_wait3A_1211 = tpu.memref_squeeze %dma_wait3A_1210 : memref<1x128xi32, #tpu.memory_space<vmem>> -> memref<128xi32, #tpu.memory_space<vmem>>
      %dma_wait3A_1212 = arith.constant 0 : i32
      %dma_wait3A_1213 = arith.constant 0 : i32
      %dma_wait3A_1214 = tpu.memref_slice %arg22[%dma_wait3A_1212, %dma_wait3A_1213] : memref<50176x16xf32, #tpu.memory_space<vmem_shared>> -> memref<50176x16xf32, #tpu.memory_space<vmem_shared>>
      tpu.wait_indirect_dma semaphore(%arg39 : memref<!tpu.dma_semaphore, #tpu.memory_space<semaphore_mem>>) src(%arg17 : memref<128x16xf32, #tpu.memory_space<vmem>>) dst(%dma_wait3A_1214 : memref<50176x16xf32, #tpu.memory_space<vmem_shared>>)
      %dma_wait3A_1215 = arith.constant 7 : i32
      %dma_wait3A_1216 = arith.constant 0 : i32
      %dma_wait3A_1217 = tpu.memref_slice %arg10[%dma_wait3A_1215, %dma_wait3A_1216] : memref<10x128xi32, #tpu.memory_space<vmem>> -> memref<1x128xi32, #tpu.memory_space<vmem>>
      %dma_wait3A_1218 = tpu.memref_squeeze %dma_wait3A_1217 : memref<1x128xi32, #tpu.memory_space<vmem>> -> memref<128xi32, #tpu.memory_space<vmem>>
      %dma_wait3A_1219 = arith.constant 0 : i32
      %dma_wait3A_1220 = arith.constant 0 : i32
      %dma_wait3A_1221 = tpu.memref_slice %arg22[%dma_wait3A_1219, %dma_wait3A_1220] : memref<50176x16xf32, #tpu.memory_space<vmem_shared>> -> memref<50176x16xf32, #tpu.memory_space<vmem_shared>>
      tpu.wait_indirect_dma semaphore(%arg40 : memref<!tpu.dma_semaphore, #tpu.memory_space<semaphore_mem>>) src(%arg18 : memref<128x16xf32, #tpu.memory_space<vmem>>) dst(%dma_wait3A_1221 : memref<50176x16xf32, #tpu.memory_space<vmem_shared>>)
      %dma_wait3A_1222 = arith.constant 8 : i32
      %dma_wait3A_1223 = arith.constant 0 : i32
      %dma_wait3A_1224 = tpu.memref_slice %arg10[%dma_wait3A_1222, %dma_wait3A_1223] : memref<10x128xi32, #tpu.memory_space<vmem>> -> memref<1x128xi32, #tpu.memory_space<vmem>>
      %dma_wait3A_1225 = tpu.memref_squeeze %dma_wait3A_1224 : memref<1x128xi32, #tpu.memory_space<vmem>> -> memref<128xi32, #tpu.memory_space<vmem>>
      %dma_wait3A_1226 = arith.constant 0 : i32
      %dma_wait3A_1227 = arith.constant 0 : i32
      %dma_wait3A_1228 = tpu.memref_slice %arg22[%dma_wait3A_1226, %dma_wait3A_1227] : memref<50176x16xf32, #tpu.memory_space<vmem_shared>> -> memref<50176x16xf32, #tpu.memory_space<vmem_shared>>
      tpu.wait_indirect_dma semaphore(%arg41 : memref<!tpu.dma_semaphore, #tpu.memory_space<semaphore_mem>>) src(%arg19 : memref<128x16xf32, #tpu.memory_space<vmem>>) dst(%dma_wait3A_1228 : memref<50176x16xf32, #tpu.memory_space<vmem_shared>>)
      %dma_wait3A_1229 = arith.constant 9 : i32
      %dma_wait3A_1230 = arith.constant 0 : i32
      %dma_wait3A_1231 = tpu.memref_slice %arg10[%dma_wait3A_1229, %dma_wait3A_1230] : memref<10x128xi32, #tpu.memory_space<vmem>> -> memref<1x128xi32, #tpu.memory_space<vmem>>
      %dma_wait3A_1232 = tpu.memref_squeeze %dma_wait3A_1231 : memref<1x128xi32, #tpu.memory_space<vmem>> -> memref<128xi32, #tpu.memory_space<vmem>>
      %dma_wait3A_1233 = arith.constant 0 : i32
      %dma_wait3A_1234 = arith.constant 0 : i32
      %dma_wait3A_1235 = tpu.memref_slice %arg22[%dma_wait3A_1233, %dma_wait3A_1234] : memref<50176x16xf32, #tpu.memory_space<vmem_shared>> -> memref<50176x16xf32, #tpu.memory_space<vmem_shared>>
      tpu.wait_indirect_dma semaphore(%arg42 : memref<!tpu.dma_semaphore, #tpu.memory_space<semaphore_mem>>) src(%arg20 : memref<128x16xf32, #tpu.memory_space<vmem>>) dst(%dma_wait3A_1235 : memref<50176x16xf32, #tpu.memory_space<vmem_shared>>)
      %add3A_1236 = arith.constant 3 : i32
      %add3A_1237 = arith.addi %add3A_858, %add3A_1236 : i32
      %lt3A_1238 = arith.constant 39 : i32
      %lt3A_1239 = arith.cmpi slt, %add3A_1237, %lt3A_1238 : i32
      %convert_element_type3A_1240 = arith.extui %lt3A_1239 : i1 to i32
      %cond3A_1241 = arith.constant 0 : i32
      %cond3A_1242 = arith.cmpi ne, %convert_element_type3A_1240, %cond3A_1241 : i32
      scf.if %cond3A_1242 {
        %add3A_1243 = arith.constant 3 : i32
        %add3A_1244 = arith.addi %add3A_858, %add3A_1243 : i32
        %mul3A_1245 = arith.constant 10 : i32
        %mul3A_1246 = arith.muli %add3A_1244, %mul3A_1245 : i32
        %add3A_1247 = arith.addi %sub3A_3, %mul3A_1246 : i32
        %dma_start3A_1248 = arith.constant 0 : i32
        %dma_start3A_1249 = arith.constant 0 : i32
        %dma_start3A_1250 = tpu.memref_slice %arg3[%dma_start3A_1248, %add3A_1247, %dma_start3A_1249] : memref<2x6250x128xi32, #tpu.memory_space<hbm>> -> memref<1x10x128xi32, #tpu.memory_space<hbm>>
        %dma_start3A_1251 = tpu.memref_squeeze %dma_start3A_1250 : memref<1x10x128xi32, #tpu.memory_space<hbm>> -> memref<10x128xi32, #tpu.memory_space<hbm>>
        %dma_start3A_1252 = arith.constant 0 : i32
        %dma_start3A_1253 = tpu.memref_slice %arg3[%dma_start3A_1248, %add3A_1247, %dma_start3A_1252] : memref<2x6250x128xi32, #tpu.memory_space<hbm>> -> memref<1x10x128xi32, #tpu.memory_space<hbm>>
        %dma_start3A_1254 = tpu.memref_squeeze %dma_start3A_1253 : memref<1x10x128xi32, #tpu.memory_space<hbm>> -> memref<10x128xi32, #tpu.memory_space<hbm>>
        tpu.enqueue_dma source(%dma_start3A_1254 : memref<10x128xi32, #tpu.memory_space<hbm>>) target(%arg7 : memref<10x128xi32, #tpu.memory_space<vmem>>) target_semaphore(%arg45 : memref<!tpu.dma_semaphore, #tpu.memory_space<semaphore_mem>>)
        %dma_start3A_1255 = arith.constant 1 : i32
        %dma_start3A_1256 = arith.constant 0 : i32
        %dma_start3A_1257 = tpu.memref_slice %arg3[%dma_start3A_1255, %add3A_1247, %dma_start3A_1256] : memref<2x6250x128xi32, #tpu.memory_space<hbm>> -> memref<1x10x128xi32, #tpu.memory_space<hbm>>
        %dma_start3A_1258 = tpu.memref_squeeze %dma_start3A_1257 : memref<1x10x128xi32, #tpu.memory_space<hbm>> -> memref<10x128xi32, #tpu.memory_space<hbm>>
        %dma_start3A_1259 = arith.constant 0 : i32
        %dma_start3A_1260 = tpu.memref_slice %arg3[%dma_start3A_1255, %add3A_1247, %dma_start3A_1259] : memref<2x6250x128xi32, #tpu.memory_space<hbm>> -> memref<1x10x128xi32, #tpu.memory_space<hbm>>
        %dma_start3A_1261 = tpu.memref_squeeze %dma_start3A_1260 : memref<1x10x128xi32, #tpu.memory_space<hbm>> -> memref<10x128xi32, #tpu.memory_space<hbm>>
        tpu.enqueue_dma source(%dma_start3A_1261 : memref<10x128xi32, #tpu.memory_space<hbm>>) target(%arg10 : memref<10x128xi32, #tpu.memory_space<vmem>>) target_semaphore(%arg48 : memref<!tpu.dma_semaphore, #tpu.memory_space<semaphore_mem>>)
      } else {
      }
    }
    %scan3A_66 = arith.constant 13 : i32
    %lt3A = arith.constant 10 : i32
    %lt3A_67 = arith.cmpi slt, %arg1, %lt3A : i32
    %convert_element_type3A = arith.extui %lt3A_67 : i1 to i32
    %cond3A = arith.constant 0 : i32
    %cond3A_68 = arith.cmpi ne, %convert_element_type3A, %cond3A : i32
    scf.if %cond3A_68 {
      %add3A_79 = arith.constant 390 : i32
      %add3A_80 = arith.addi %sub3A_3, %add3A_79 : i32
      %run_scoped3A = arith.constant 0 : i32
      "tpu.region"() ({
        %run_scoped3A_119 = tpu.sem_alloc : memref<!tpu.dma_semaphore, #tpu.memory_space<semaphore_mem>>
        %dma_start3A_120 = arith.constant 0 : i32
        %dma_start3A_121 = arith.constant 0 : i32
        %dma_start3A_122 = tpu.memref_slice %arg5[%dma_start3A_120, %dma_start3A_121] : memref<10x128xi32, #tpu.memory_space<vmem>> -> memref<1x128xi32, #tpu.memory_space<vmem>>
        %dma_start3A_123 = arith.constant 0 : i32
        %dma_start3A_124 = tpu.memref_slice %arg3[%run_scoped3A, %add3A_80, %dma_start3A_123] : memref<2x6250x128xi32, #tpu.memory_space<hbm>> -> memref<1x1x128xi32, #tpu.memory_space<hbm>>
        %dma_start3A_125 = tpu.memref_squeeze %dma_start3A_124 : memref<1x1x128xi32, #tpu.memory_space<hbm>> -> memref<1x128xi32, #tpu.memory_space<hbm>>
        %dma_start3A_126 = arith.constant 0 : i32
        %dma_start3A_127 = arith.constant 0 : i32
        %dma_start3A_128 = tpu.memref_slice %arg5[%dma_start3A_126, %dma_start3A_127] : memref<10x128xi32, #tpu.memory_space<vmem>> -> memref<1x128xi32, #tpu.memory_space<vmem>>
        %dma_start3A_129 = arith.constant 0 : i32
        %dma_start3A_130 = tpu.memref_slice %arg3[%run_scoped3A, %add3A_80, %dma_start3A_129] : memref<2x6250x128xi32, #tpu.memory_space<hbm>> -> memref<1x1x128xi32, #tpu.memory_space<hbm>>
        %dma_start3A_131 = tpu.memref_squeeze %dma_start3A_130 : memref<1x1x128xi32, #tpu.memory_space<hbm>> -> memref<1x128xi32, #tpu.memory_space<hbm>>
        tpu.enqueue_dma source(%dma_start3A_131 : memref<1x128xi32, #tpu.memory_space<hbm>>) target(%dma_start3A_128 : memref<1x128xi32, #tpu.memory_space<vmem>>) target_semaphore(%run_scoped3A_119 : memref<!tpu.dma_semaphore, #tpu.memory_space<semaphore_mem>>)
        %dma_wait3A_132 = arith.constant 0 : i32
        %dma_wait3A_133 = arith.constant 0 : i32
        %dma_wait3A_134 = tpu.memref_slice %arg5[%dma_wait3A_132, %dma_wait3A_133] : memref<10x128xi32, #tpu.memory_space<vmem>> -> memref<1x128xi32, #tpu.memory_space<vmem>>
        %dma_wait3A_135 = arith.constant 0 : i32
        %dma_wait3A_136 = tpu.memref_slice %arg3[%run_scoped3A, %add3A_80, %dma_wait3A_135] : memref<2x6250x128xi32, #tpu.memory_space<hbm>> -> memref<1x1x128xi32, #tpu.memory_space<hbm>>
        %dma_wait3A_137 = tpu.memref_squeeze %dma_wait3A_136 : memref<1x1x128xi32, #tpu.memory_space<hbm>> -> memref<1x128xi32, #tpu.memory_space<hbm>>
        %dma_wait3A_138 = arith.constant 0 : i32
        %dma_wait3A_139 = arith.constant 0 : i32
        %dma_wait3A_140 = tpu.memref_slice %arg5[%dma_wait3A_138, %dma_wait3A_139] : memref<10x128xi32, #tpu.memory_space<vmem>> -> memref<1x128xi32, #tpu.memory_space<vmem>>
        %dma_wait3A_141 = arith.constant 0 : i32
        %dma_wait3A_142 = tpu.memref_slice %arg3[%run_scoped3A, %add3A_80, %dma_wait3A_141] : memref<2x6250x128xi32, #tpu.memory_space<hbm>> -> memref<1x1x128xi32, #tpu.memory_space<hbm>>
        %dma_wait3A_143 = tpu.memref_squeeze %dma_wait3A_142 : memref<1x1x128xi32, #tpu.memory_space<hbm>> -> memref<1x128xi32, #tpu.memory_space<hbm>>
        tpu.wait_dma2 semaphore(%run_scoped3A_119 : memref<!tpu.dma_semaphore, #tpu.memory_space<semaphore_mem>>) src(%dma_wait3A_143 : memref<1x128xi32, #tpu.memory_space<hbm>>) dst(%dma_wait3A_140 : memref<1x128xi32, #tpu.memory_space<vmem>>)
        tpu.yield
      }) : () -> ()
      %add3A_81 = arith.constant 390 : i32
      %add3A_82 = arith.addi %sub3A_3, %add3A_81 : i32
      %run_scoped3A_83 = arith.constant 1 : i32
      "tpu.region"() ({
        %run_scoped3A_119 = tpu.sem_alloc : memref<!tpu.dma_semaphore, #tpu.memory_space<semaphore_mem>>
        %dma_start3A_120 = arith.constant 0 : i32
        %dma_start3A_121 = arith.constant 0 : i32
        %dma_start3A_122 = tpu.memref_slice %arg8[%dma_start3A_120, %dma_start3A_121] : memref<10x128xi32, #tpu.memory_space<vmem>> -> memref<1x128xi32, #tpu.memory_space<vmem>>
        %dma_start3A_123 = arith.constant 0 : i32
        %dma_start3A_124 = tpu.memref_slice %arg3[%run_scoped3A_83, %add3A_82, %dma_start3A_123] : memref<2x6250x128xi32, #tpu.memory_space<hbm>> -> memref<1x1x128xi32, #tpu.memory_space<hbm>>
        %dma_start3A_125 = tpu.memref_squeeze %dma_start3A_124 : memref<1x1x128xi32, #tpu.memory_space<hbm>> -> memref<1x128xi32, #tpu.memory_space<hbm>>
        %dma_start3A_126 = arith.constant 0 : i32
        %dma_start3A_127 = arith.constant 0 : i32
        %dma_start3A_128 = tpu.memref_slice %arg8[%dma_start3A_126, %dma_start3A_127] : memref<10x128xi32, #tpu.memory_space<vmem>> -> memref<1x128xi32, #tpu.memory_space<vmem>>
        %dma_start3A_129 = arith.constant 0 : i32
        %dma_start3A_130 = tpu.memref_slice %arg3[%run_scoped3A_83, %add3A_82, %dma_start3A_129] : memref<2x6250x128xi32, #tpu.memory_space<hbm>> -> memref<1x1x128xi32, #tpu.memory_space<hbm>>
        %dma_start3A_131 = tpu.memref_squeeze %dma_start3A_130 : memref<1x1x128xi32, #tpu.memory_space<hbm>> -> memref<1x128xi32, #tpu.memory_space<hbm>>
        tpu.enqueue_dma source(%dma_start3A_131 : memref<1x128xi32, #tpu.memory_space<hbm>>) target(%dma_start3A_128 : memref<1x128xi32, #tpu.memory_space<vmem>>) target_semaphore(%run_scoped3A_119 : memref<!tpu.dma_semaphore, #tpu.memory_space<semaphore_mem>>)
        %dma_wait3A_132 = arith.constant 0 : i32
        %dma_wait3A_133 = arith.constant 0 : i32
        %dma_wait3A_134 = tpu.memref_slice %arg8[%dma_wait3A_132, %dma_wait3A_133] : memref<10x128xi32, #tpu.memory_space<vmem>> -> memref<1x128xi32, #tpu.memory_space<vmem>>
        %dma_wait3A_135 = arith.constant 0 : i32
        %dma_wait3A_136 = tpu.memref_slice %arg3[%run_scoped3A_83, %add3A_82, %dma_wait3A_135] : memref<2x6250x128xi32, #tpu.memory_space<hbm>> -> memref<1x1x128xi32, #tpu.memory_space<hbm>>
        %dma_wait3A_137 = tpu.memref_squeeze %dma_wait3A_136 : memref<1x1x128xi32, #tpu.memory_space<hbm>> -> memref<1x128xi32, #tpu.memory_space<hbm>>
        %dma_wait3A_138 = arith.constant 0 : i32
        %dma_wait3A_139 = arith.constant 0 : i32
        %dma_wait3A_140 = tpu.memref_slice %arg8[%dma_wait3A_138, %dma_wait3A_139] : memref<10x128xi32, #tpu.memory_space<vmem>> -> memref<1x128xi32, #tpu.memory_space<vmem>>
        %dma_wait3A_141 = arith.constant 0 : i32
        %dma_wait3A_142 = tpu.memref_slice %arg3[%run_scoped3A_83, %add3A_82, %dma_wait3A_141] : memref<2x6250x128xi32, #tpu.memory_space<hbm>> -> memref<1x1x128xi32, #tpu.memory_space<hbm>>
        %dma_wait3A_143 = tpu.memref_squeeze %dma_wait3A_142 : memref<1x1x128xi32, #tpu.memory_space<hbm>> -> memref<1x128xi32, #tpu.memory_space<hbm>>
        tpu.wait_dma2 semaphore(%run_scoped3A_119 : memref<!tpu.dma_semaphore, #tpu.memory_space<semaphore_mem>>) src(%dma_wait3A_143 : memref<1x128xi32, #tpu.memory_space<hbm>>) dst(%dma_wait3A_140 : memref<1x128xi32, #tpu.memory_space<vmem>>)
        tpu.yield
      }) : () -> ()
      %dma_start3A_84 = arith.constant 0 : i32
      %dma_start3A_85 = arith.constant 0 : i32
      %dma_start3A_86 = tpu.memref_slice %arg5[%dma_start3A_84, %dma_start3A_85] : memref<10x128xi32, #tpu.memory_space<vmem>> -> memref<1x128xi32, #tpu.memory_space<vmem>>
      %dma_start3A_87 = tpu.memref_squeeze %dma_start3A_86 : memref<1x128xi32, #tpu.memory_space<vmem>> -> memref<128xi32, #tpu.memory_space<vmem>>
      %dma_start3A_88 = arith.constant 0 : i32
      %dma_start3A_89 = arith.constant 0 : i32
      %dma_start3A_90 = tpu.memref_slice %arg2[%arg0, %dma_start3A_88, %dma_start3A_89] : memref<2x50000x16xf32, #tpu.memory_space<hbm>> -> memref<1x50000x16xf32, #tpu.memory_space<hbm>>
      %dma_start3A_91 = tpu.memref_squeeze %dma_start3A_90 : memref<1x50000x16xf32, #tpu.memory_space<hbm>> -> memref<50000x16xf32, #tpu.memory_space<hbm>>
      %dma_start3A_92 = arith.constant 0 : i32
      %dma_start3A_93 = arith.constant 0 : i32
      %dma_start3A_94 = tpu.memref_slice %dma_start3A_91[%dma_start3A_92, %dma_start3A_93] : memref<50000x16xf32, #tpu.memory_space<hbm>> -> memref<50000x16xf32, #tpu.memory_space<hbm>>
      tpu.enqueue_indirect_dma source(%dma_start3A_94 : memref<50000x16xf32, #tpu.memory_space<hbm>>) target(%arg11 : memref<128x16xf32, #tpu.memory_space<vmem>>) offsets(%dma_start3A_87 : memref<128xi32, #tpu.memory_space<vmem>>) semaphore(%arg23 : memref<!tpu.dma_semaphore, #tpu.memory_space<semaphore_mem>>)
      %dma_wait3A = arith.constant 0 : i32
      %dma_wait3A_95 = arith.constant 0 : i32
      %dma_wait3A_96 = tpu.memref_slice %arg5[%dma_wait3A, %dma_wait3A_95] : memref<10x128xi32, #tpu.memory_space<vmem>> -> memref<1x128xi32, #tpu.memory_space<vmem>>
      %dma_wait3A_97 = tpu.memref_squeeze %dma_wait3A_96 : memref<1x128xi32, #tpu.memory_space<vmem>> -> memref<128xi32, #tpu.memory_space<vmem>>
      %dma_wait3A_98 = arith.constant 0 : i32
      %dma_wait3A_99 = arith.constant 0 : i32
      %dma_wait3A_100 = tpu.memref_slice %arg2[%arg0, %dma_wait3A_98, %dma_wait3A_99] : memref<2x50000x16xf32, #tpu.memory_space<hbm>> -> memref<1x50000x16xf32, #tpu.memory_space<hbm>>
      %dma_wait3A_101 = tpu.memref_squeeze %dma_wait3A_100 : memref<1x50000x16xf32, #tpu.memory_space<hbm>> -> memref<50000x16xf32, #tpu.memory_space<hbm>>
      %dma_wait3A_102 = arith.constant 0 : i32
      %dma_wait3A_103 = arith.constant 0 : i32
      %dma_wait3A_104 = tpu.memref_slice %dma_wait3A_101[%dma_wait3A_102, %dma_wait3A_103] : memref<50000x16xf32, #tpu.memory_space<hbm>> -> memref<50000x16xf32, #tpu.memory_space<hbm>>
      tpu.wait_indirect_dma semaphore(%arg23 : memref<!tpu.dma_semaphore, #tpu.memory_space<semaphore_mem>>) src(%dma_wait3A_104 : memref<50000x16xf32, #tpu.memory_space<hbm>>) dst(%arg11 : memref<128x16xf32, #tpu.memory_space<vmem>>)
      %dma_start3A_105 = arith.constant 0 : i32
      %dma_start3A_106 = arith.constant 0 : i32
      %dma_start3A_107 = tpu.memref_slice %arg8[%dma_start3A_105, %dma_start3A_106] : memref<10x128xi32, #tpu.memory_space<vmem>> -> memref<1x128xi32, #tpu.memory_space<vmem>>
      %dma_start3A_108 = tpu.memref_squeeze %dma_start3A_107 : memref<1x128xi32, #tpu.memory_space<vmem>> -> memref<128xi32, #tpu.memory_space<vmem>>
      %dma_start3A_109 = arith.constant 0 : i32
      %dma_start3A_110 = arith.constant 0 : i32
      %dma_start3A_111 = tpu.memref_slice %arg22[%dma_start3A_109, %dma_start3A_110] : memref<50176x16xf32, #tpu.memory_space<vmem_shared>> -> memref<50176x16xf32, #tpu.memory_space<vmem_shared>>
      tpu.enqueue_indirect_dma source(%arg11 : memref<128x16xf32, #tpu.memory_space<vmem>>) target(%dma_start3A_111 : memref<50176x16xf32, #tpu.memory_space<vmem_shared>>) offsets(%dma_start3A_108 : memref<128xi32, #tpu.memory_space<vmem>>) semaphore(%arg33 : memref<!tpu.dma_semaphore, #tpu.memory_space<semaphore_mem>>) {add = true}
      %dma_wait3A_112 = arith.constant 0 : i32
      %dma_wait3A_113 = arith.constant 0 : i32
      %dma_wait3A_114 = tpu.memref_slice %arg8[%dma_wait3A_112, %dma_wait3A_113] : memref<10x128xi32, #tpu.memory_space<vmem>> -> memref<1x128xi32, #tpu.memory_space<vmem>>
      %dma_wait3A_115 = tpu.memref_squeeze %dma_wait3A_114 : memref<1x128xi32, #tpu.memory_space<vmem>> -> memref<128xi32, #tpu.memory_space<vmem>>
      %dma_wait3A_116 = arith.constant 0 : i32
      %dma_wait3A_117 = arith.constant 0 : i32
      %dma_wait3A_118 = tpu.memref_slice %arg22[%dma_wait3A_116, %dma_wait3A_117] : memref<50176x16xf32, #tpu.memory_space<vmem_shared>> -> memref<50176x16xf32, #tpu.memory_space<vmem_shared>>
      tpu.wait_indirect_dma semaphore(%arg33 : memref<!tpu.dma_semaphore, #tpu.memory_space<semaphore_mem>>) src(%arg11 : memref<128x16xf32, #tpu.memory_space<vmem>>) dst(%dma_wait3A_118 : memref<50176x16xf32, #tpu.memory_space<vmem_shared>>)
    } else {
    }
    %barrier3A_69 = arith.constant 0 : index
    tpu.barrier barrier_id(%barrier3A_69)
    %lt3A_70 = arith.constant 15 : i32
    %lt3A_71 = arith.cmpi slt, %arg1, %lt3A_70 : i32
    %convert_element_type3A_72 = arith.extui %lt3A_71 : i1 to i32
    %cond3A_73 = arith.constant 0 : i32
    %cond3A_74 = arith.cmpi ne, %convert_element_type3A_72, %cond3A_73 : i32
    scf.if %cond3A_74 {
      %mul3A_79 = arith.constant 3136 : i32
      %mul3A_80 = arith.muli %arg1, %mul3A_79 : i32
      %mul3A_81 = arith.constant 3136 : i32
      %mul3A_82 = arith.muli %arg1, %mul3A_81 : i32
      "tpu.region"() ({
        %run_scoped3A = tpu.sem_alloc : memref<!tpu.dma_semaphore, #tpu.memory_space<semaphore_mem>>
        %dma_start3A_83 = arith.constant 0 : i32
        %dma_start3A_84 = arith.constant 0 : i32
        %dma_start3A_85 = tpu.memref_slice %arg4[%arg0, %dma_start3A_83, %dma_start3A_84] : memref<2x50000x128xf32, #tpu.memory_space<hbm>> -> memref<1x50000x128xf32, #tpu.memory_space<hbm>>
        %dma_start3A_86 = tpu.memref_squeeze %dma_start3A_85 : memref<1x50000x128xf32, #tpu.memory_space<hbm>> -> memref<50000x128xf32, #tpu.memory_space<hbm>>
        %dma_start3A_87 = arith.constant 0 : i32
        %dma_start3A_88 = tpu.memref_slice %dma_start3A_86[%mul3A_82, %dma_start3A_87] : memref<50000x128xf32, #tpu.memory_space<hbm>> -> memref<3136x16xf32, #tpu.memory_space<hbm>>
        %dma_start3A_89 = arith.constant 0 : i32
        %dma_start3A_90 = tpu.memref_slice %arg22[%mul3A_80, %dma_start3A_89] : memref<50176x16xf32, #tpu.memory_space<vmem_shared>> -> memref<3136x16xf32, #tpu.memory_space<vmem_shared>>
        tpu.enqueue_dma source(%dma_start3A_90 : memref<3136x16xf32, #tpu.memory_space<vmem_shared>>) target(%dma_start3A_88 : memref<3136x16xf32, #tpu.memory_space<hbm>>) target_semaphore(%run_scoped3A : memref<!tpu.dma_semaphore, #tpu.memory_space<semaphore_mem>>)
        %dma_wait3A = arith.constant 0 : i32
        %dma_wait3A_91 = arith.constant 0 : i32
        %dma_wait3A_92 = tpu.memref_slice %arg4[%arg0, %dma_wait3A, %dma_wait3A_91] : memref<2x50000x128xf32, #tpu.memory_space<hbm>> -> memref<1x50000x128xf32, #tpu.memory_space<hbm>>
        %dma_wait3A_93 = tpu.memref_squeeze %dma_wait3A_92 : memref<1x50000x128xf32, #tpu.memory_space<hbm>> -> memref<50000x128xf32, #tpu.memory_space<hbm>>
        %dma_wait3A_94 = arith.constant 0 : i32
        %dma_wait3A_95 = tpu.memref_slice %dma_wait3A_93[%mul3A_82, %dma_wait3A_94] : memref<50000x128xf32, #tpu.memory_space<hbm>> -> memref<3136x16xf32, #tpu.memory_space<hbm>>
        %dma_wait3A_96 = arith.constant 0 : i32
        %dma_wait3A_97 = tpu.memref_slice %arg22[%mul3A_80, %dma_wait3A_96] : memref<50176x16xf32, #tpu.memory_space<vmem_shared>> -> memref<3136x16xf32, #tpu.memory_space<vmem_shared>>
        tpu.wait_dma2 semaphore(%run_scoped3A : memref<!tpu.dma_semaphore, #tpu.memory_space<semaphore_mem>>) src(%dma_wait3A_97 : memref<3136x16xf32, #tpu.memory_space<vmem_shared>>) dst(%dma_wait3A_95 : memref<3136x16xf32, #tpu.memory_space<hbm>>)
        tpu.yield
      }) : () -> ()
    } else {
    }
    %eq3A = arith.constant 15 : i32
    %eq3A_75 = arith.cmpi eq, %arg1, %eq3A : i32
    %convert_element_type3A_76 = arith.extui %eq3A_75 : i1 to i32
    %cond3A_77 = arith.constant 0 : i32
    %cond3A_78 = arith.cmpi ne, %convert_element_type3A_76, %cond3A_77 : i32
    scf.if %cond3A_78 {
      "tpu.region"() ({
        %run_scoped3A = tpu.sem_alloc : memref<!tpu.dma_semaphore, #tpu.memory_space<semaphore_mem>>
        %dma_start3A_79 = arith.constant 0 : i32
        %dma_start3A_80 = arith.constant 0 : i32
        %dma_start3A_81 = tpu.memref_slice %arg4[%arg0, %dma_start3A_79, %dma_start3A_80] : memref<2x50000x128xf32, #tpu.memory_space<hbm>> -> memref<1x50000x128xf32, #tpu.memory_space<hbm>>
        %dma_start3A_82 = tpu.memref_squeeze %dma_start3A_81 : memref<1x50000x128xf32, #tpu.memory_space<hbm>> -> memref<50000x128xf32, #tpu.memory_space<hbm>>
        %dma_start3A_83 = arith.constant 47040 : i32
        %dma_start3A_84 = arith.constant 0 : i32
        %dma_start3A_85 = tpu.memref_slice %dma_start3A_82[%dma_start3A_83, %dma_start3A_84] : memref<50000x128xf32, #tpu.memory_space<hbm>> -> memref<2960x16xf32, #tpu.memory_space<hbm>>
        %dma_start3A_86 = arith.constant 47040 : i32
        %dma_start3A_87 = arith.constant 0 : i32
        %dma_start3A_88 = tpu.memref_slice %arg22[%dma_start3A_86, %dma_start3A_87] : memref<50176x16xf32, #tpu.memory_space<vmem_shared>> -> memref<2960x16xf32, #tpu.memory_space<vmem_shared>>
        tpu.enqueue_dma source(%dma_start3A_88 : memref<2960x16xf32, #tpu.memory_space<vmem_shared>>) target(%dma_start3A_85 : memref<2960x16xf32, #tpu.memory_space<hbm>>) target_semaphore(%run_scoped3A : memref<!tpu.dma_semaphore, #tpu.memory_space<semaphore_mem>>)
        %dma_wait3A = arith.constant 0 : i32
        %dma_wait3A_89 = arith.constant 0 : i32
        %dma_wait3A_90 = tpu.memref_slice %arg4[%arg0, %dma_wait3A, %dma_wait3A_89] : memref<2x50000x128xf32, #tpu.memory_space<hbm>> -> memref<1x50000x128xf32, #tpu.memory_space<hbm>>
        %dma_wait3A_91 = tpu.memref_squeeze %dma_wait3A_90 : memref<1x50000x128xf32, #tpu.memory_space<hbm>> -> memref<50000x128xf32, #tpu.memory_space<hbm>>
        %dma_wait3A_92 = arith.constant 47040 : i32
        %dma_wait3A_93 = arith.constant 0 : i32
        %dma_wait3A_94 = tpu.memref_slice %dma_wait3A_91[%dma_wait3A_92, %dma_wait3A_93] : memref<50000x128xf32, #tpu.memory_space<hbm>> -> memref<2960x16xf32, #tpu.memory_space<hbm>>
        %dma_wait3A_95 = arith.constant 47040 : i32
        %dma_wait3A_96 = arith.constant 0 : i32
        %dma_wait3A_97 = tpu.memref_slice %arg22[%dma_wait3A_95, %dma_wait3A_96] : memref<50176x16xf32, #tpu.memory_space<vmem_shared>> -> memref<2960x16xf32, #tpu.memory_space<vmem_shared>>
        tpu.wait_dma2 semaphore(%run_scoped3A : memref<!tpu.dma_semaphore, #tpu.memory_space<semaphore_mem>>) src(%dma_wait3A_97 : memref<2960x16xf32, #tpu.memory_space<vmem_shared>>) dst(%dma_wait3A_94 : memref<2960x16xf32, #tpu.memory_space<hbm>>)
        tpu.yield
      }) : () -> ()
    } else {
    }
    return
  }
}

module attributes {stable_mosaic.version = 14 : i64} {
  func.func @body(%arg0: i32, %arg1: memref<5000x64xf32, #tpu.memory_space<vmem>>, %arg2: memref<64x64xf32, #tpu.memory_space<vmem>>, %arg3: memref<1x64xf32, #tpu.memory_space<vmem>>, %arg4: memref<128x32xf32, #tpu.memory_space<vmem>>, %arg5: memref<2x5000x16xf32, #tpu.memory_space<vmem>>) attributes {dimension_semantics = [#tpu.dimension_semantics<arbitrary>], iteration_bounds = array<i64: 10>, scalar_prefetch = 0 : i64, scratch_operands = 0 : i64, tpu.core_type = #tpu.core_type<tc>, window_params = [{transform_indices = @transform_0, window_bounds = array<i64: 5000, 64>}, {pipeline_mode = #tpu.pipeline_mode<synchronous>, transform_indices = @transform_1, window_bounds = array<i64: 64, 64>}, {pipeline_mode = #tpu.pipeline_mode<synchronous>, transform_indices = @transform_2, window_bounds = array<i64: 1, 64>}, {pipeline_mode = #tpu.pipeline_mode<synchronous>, transform_indices = @transform_3, window_bounds = array<i64: 128, 32>}, {transform_indices = @transform_4, window_bounds = array<i64: 2, 5000, 16>}]} {
    %get3A = arith.constant 0 : index
    %get3A_0 = arith.constant 0 : index
    %get3A_1 = vector.load %arg1[%get3A, %get3A_0] : memref<5000x64xf32, #tpu.memory_space<vmem>>, vector<5000x64xf32>
    %get3A_2 = arith.constant 64 : index
    %get3A_3 = arith.constant 0 : index
    %get3A_4 = vector.load %arg4[%get3A_2, %get3A_3] : memref<128x32xf32, #tpu.memory_space<vmem>>, vector<64x32xf32>
    %get3A_5 = arith.constant 0 : index
    %get3A_6 = arith.constant 0 : index
    %get3A_7 = vector.load %arg2[%get3A_5, %get3A_6] : memref<64x64xf32, #tpu.memory_space<vmem>>, vector<64x64xf32>
    %dot_general3A = arith.constant dense<0.000000e+00> : vector<64x32xf32>
    %dot_general3A_8 = tpu.matmul %get3A_7, %get3A_4, %dot_general3A {dimension_numbers = #tpu.dot_dimension_numbers<[1], [0], [0], [1], [0, 0, 1, 1], [], []>, transpose_lhs_hint = false} : vector<64x64xf32>, vector<64x32xf32>, vector<64x32xf32> -> vector<64x32xf32>
    %get3A_9 = arith.constant 0 : index
    %get3A_10 = arith.constant 0 : index
    %get3A_11 = vector.load %arg3[%get3A_9, %get3A_10] : memref<1x64xf32, #tpu.memory_space<vmem>>, vector<1x64xf32>
    %dot_general3A_12 = arith.constant dense<0.000000e+00> : vector<1x32xf32>
    %dot_general3A_13 = tpu.matmul %get3A_11, %get3A_4, %dot_general3A_12 {dimension_numbers = #tpu.dot_dimension_numbers<[1], [0], [0], [1], [0, 0, 1, 1], [], []>, transpose_lhs_hint = false} : vector<1x64xf32>, vector<64x32xf32>, vector<1x32xf32> -> vector<1x32xf32>
    %dot_general3A_14 = arith.constant dense<0.000000e+00> : vector<5000x32xf32>
    %dot_general3A_15 = tpu.matmul %get3A_1, %dot_general3A_8, %dot_general3A_14 {dimension_numbers = #tpu.dot_dimension_numbers<[1], [0], [0], [1], [0, 0, 1, 1], [], []>, transpose_lhs_hint = false} : vector<5000x64xf32>, vector<64x32xf32>, vector<5000x32xf32> -> vector<5000x32xf32>
    %add3A = vector.broadcast %dot_general3A_13 : vector<1x32xf32> to vector<5000x32xf32>
    %add3A_16 = arith.addf %dot_general3A_15, %add3A : vector<5000x32xf32>
    %slice3A = vector.extract_strided_slice %add3A_16 {offsets = [0, 0], sizes = [5000, 16], strides = [1, 1]} : vector<5000x32xf32> to vector<5000x16xf32>
    %swap3A = arith.constant 0 : index
    %swap3A_17 = arith.constant 0 : index
    %swap3A_18 = arith.constant 0 : index
    %swap3A_19 = vector.load %arg5[%swap3A, %swap3A_17, %swap3A_18] : memref<2x5000x16xf32, #tpu.memory_space<vmem>>, vector<1x5000x16xf32>
    %swap3A_20 = vector.shape_cast %swap3A_19 : vector<1x5000x16xf32> to vector<5000x16xf32>
    %swap3A_21 = vector.shape_cast %slice3A : vector<5000x16xf32> to vector<1x5000x16xf32>
    tpu.vector_store %arg5[%swap3A, %swap3A_17, %swap3A_18], %swap3A_21 {strides = array<i32>} : memref<2x5000x16xf32, #tpu.memory_space<vmem>>, vector<1x5000x16xf32>,
    %slice3A_22 = vector.extract_strided_slice %add3A_16 {offsets = [0, 16], sizes = [5000, 16], strides = [1, 1]} : vector<5000x32xf32> to vector<5000x16xf32>
    %swap3A_23 = arith.constant 1 : index
    %swap3A_24 = arith.constant 0 : index
    %swap3A_25 = arith.constant 0 : index
    %swap3A_26 = vector.load %arg5[%swap3A_23, %swap3A_24, %swap3A_25] : memref<2x5000x16xf32, #tpu.memory_space<vmem>>, vector<1x5000x16xf32>
    %swap3A_27 = vector.shape_cast %swap3A_26 : vector<1x5000x16xf32> to vector<5000x16xf32>
    %swap3A_28 = vector.shape_cast %slice3A_22 : vector<5000x16xf32> to vector<1x5000x16xf32>
    tpu.vector_store %arg5[%swap3A_23, %swap3A_24, %swap3A_25], %swap3A_28 {strides = array<i32>} : memref<2x5000x16xf32, #tpu.memory_space<vmem>>, vector<1x5000x16xf32>,
    return
  }
  func.func @transform_0(%arg0: i32) -> (i32, i32) {
    %c0_i32 = arith.constant 0 : i32
    %c0_i32_0 = arith.constant 0 : i32
    return %arg0, %c0_i32 : i32, i32
  }
  func.func @transform_1(%arg0: i32) -> (i32, i32) {
    %c0_i32 = arith.constant 0 : i32
    %c0_i32_0 = arith.constant 0 : i32
    %c0_i32_1 = arith.constant 0 : i32
    return %c0_i32, %c0_i32_0 : i32, i32
  }
  func.func @transform_2(%arg0: i32) -> (i32, i32) {
    %c0_i32 = arith.constant 0 : i32
    %c0_i32_0 = arith.constant 0 : i32
    %c0_i32_1 = arith.constant 0 : i32
    return %c0_i32, %c0_i32_0 : i32, i32
  }
  func.func @transform_3(%arg0: i32) -> (i32, i32) {
    %c0_i32 = arith.constant 0 : i32
    %c0_i32_0 = arith.constant 0 : i32
    %c0_i32_1 = arith.constant 0 : i32
    return %c0_i32, %c0_i32_0 : i32, i32
  }
  func.func @transform_4(%arg0: i32) -> (i32, i32, i32) {
    %c0_i32 = arith.constant 0 : i32
    %c0_i32_0 = arith.constant 0 : i32
    %c0_i32_1 = arith.constant 0 : i32
    return %c0_i32, %arg0, %c0_i32_0 : i32, i32, i32
  }
}

module attributes {stable_mosaic.version = 14 : i64} {
  func.func @body(%arg0: i32, %arg1: memref<5000x64xf32, #tpu.memory_space<vmem>>, %arg2: memref<2x5000x128xf32, #tpu.memory_space<vmem>>, %arg3: memref<128x32xf32, #tpu.memory_space<vmem>>, %arg4: memref<1x32xf32, #tpu.memory_space<vmem>>, %arg5: memref<32x32xf32, #tpu.memory_space<vmem>>, %arg6: memref<1x32xf32, #tpu.memory_space<vmem>>, %arg7: memref<32x64xf32, #tpu.memory_space<vmem>>, %arg8: memref<1x64xf32, #tpu.memory_space<vmem>>, %arg9: memref<5000x64xf32, #tpu.memory_space<vmem>>) attributes {dimension_semantics = [#tpu.dimension_semantics<arbitrary>], iteration_bounds = array<i64: 10>, scalar_prefetch = 0 : i64, scratch_operands = 0 : i64, tpu.core_type = #tpu.core_type<tc>, window_params = [{transform_indices = @transform_0, window_bounds = array<i64: 5000, 64>}, {transform_indices = @transform_1, window_bounds = array<i64: 2, 5000, 128>}, {pipeline_mode = #tpu.pipeline_mode<synchronous>, transform_indices = @transform_2, window_bounds = array<i64: 128, 32>}, {pipeline_mode = #tpu.pipeline_mode<synchronous>, transform_indices = @transform_3, window_bounds = array<i64: 1, 32>}, {pipeline_mode = #tpu.pipeline_mode<synchronous>, transform_indices = @transform_4, window_bounds = array<i64: 32, 32>}, {pipeline_mode = #tpu.pipeline_mode<synchronous>, transform_indices = @transform_5, window_bounds = array<i64: 1, 32>}, {pipeline_mode = #tpu.pipeline_mode<synchronous>, transform_indices = @transform_6, window_bounds = array<i64: 32, 64>}, {pipeline_mode = #tpu.pipeline_mode<synchronous>, transform_indices = @transform_7, window_bounds = array<i64: 1, 64>}, {transform_indices = @transform_8, window_bounds = array<i64: 5000, 64>}]} {
    %get3A = arith.constant 0 : index
    %get3A_0 = arith.constant 0 : index
    %get3A_1 = vector.load %arg1[%get3A, %get3A_0] : memref<5000x64xf32, #tpu.memory_space<vmem>>, vector<5000x64xf32>
    %get3A_2 = arith.constant 0 : index
    %get3A_3 = arith.constant 0 : index
    %get3A_4 = vector.load %arg3[%get3A_2, %get3A_3] : memref<128x32xf32, #tpu.memory_space<vmem>>, vector<64x32xf32>
    %dot_general3A = arith.constant dense<0.000000e+00> : vector<5000x32xf32>
    %dot_general3A_5 = tpu.matmul %get3A_1, %get3A_4, %dot_general3A {dimension_numbers = #tpu.dot_dimension_numbers<[1], [0], [0], [1], [0, 0, 1, 1], [], []>, transpose_lhs_hint = false} : vector<5000x64xf32>, vector<64x32xf32>, vector<5000x32xf32> -> vector<5000x32xf32>
    %get3A_6 = arith.constant 0 : index
    %get3A_7 = arith.constant 0 : index
    %get3A_8 = arith.constant 0 : index
    %get3A_9 = vector.load %arg2[%get3A_6, %get3A_7, %get3A_8] : memref<2x5000x128xf32, #tpu.memory_space<vmem>>, vector<1x5000x128xf32>
    %get3A_10 = vector.shape_cast %get3A_9 : vector<1x5000x128xf32> to vector<5000x128xf32>
    %slice3A = vector.extract_strided_slice %get3A_10 {offsets = [0, 0], sizes = [5000, 16], strides = [1, 1]} : vector<5000x128xf32> to vector<5000x16xf32>
    %get3A_11 = arith.constant 1 : index
    %get3A_12 = arith.constant 0 : index
    %get3A_13 = arith.constant 0 : index
    %get3A_14 = vector.load %arg2[%get3A_11, %get3A_12, %get3A_13] : memref<2x5000x128xf32, #tpu.memory_space<vmem>>, vector<1x5000x128xf32>
    %get3A_15 = vector.shape_cast %get3A_14 : vector<1x5000x128xf32> to vector<5000x128xf32>
    %slice3A_16 = vector.extract_strided_slice %get3A_15 {offsets = [0, 0], sizes = [5000, 16], strides = [1, 1]} : vector<5000x128xf32> to vector<5000x16xf32>
    %concatenate3A = tpu.concatenate %slice3A, %slice3A_16 in 1 : vector<5000x16xf32>, vector<5000x16xf32> -> vector<5000x32xf32>
    %get3A_17 = arith.constant 0 : index
    %get3A_18 = arith.constant 0 : index
    %get3A_19 = vector.load %arg4[%get3A_17, %get3A_18] : memref<1x32xf32, #tpu.memory_space<vmem>>, vector<1x32xf32>
    %add3A = vector.broadcast %get3A_19 : vector<1x32xf32> to vector<5000x32xf32>
    %add3A_20 = arith.addf %dot_general3A_5, %add3A : vector<5000x32xf32>
    %add3A_21 = arith.addf %add3A_20, %concatenate3A : vector<5000x32xf32>
    %max3A = arith.constant 0.000000e+00 : f32
    %max3A_22 = vector.broadcast %max3A : f32 to vector<5000x32xf32>
    %max3A_23 = arith.maximumf %add3A_21, %max3A_22 : vector<5000x32xf32>
    %get3A_24 = arith.constant 0 : index
    %get3A_25 = arith.constant 0 : index
    %get3A_26 = vector.load %arg5[%get3A_24, %get3A_25] : memref<32x32xf32, #tpu.memory_space<vmem>>, vector<32x32xf32>
    %dot_general3A_27 = arith.constant dense<0.000000e+00> : vector<5000x32xf32>
    %dot_general3A_28 = tpu.matmul %max3A_23, %get3A_26, %dot_general3A_27 {dimension_numbers = #tpu.dot_dimension_numbers<[1], [0], [0], [1], [0, 0, 1, 1], [], []>, transpose_lhs_hint = false} : vector<5000x32xf32>, vector<32x32xf32>, vector<5000x32xf32> -> vector<5000x32xf32>
    %get3A_29 = arith.constant 0 : index
    %get3A_30 = arith.constant 0 : index
    %get3A_31 = vector.load %arg6[%get3A_29, %get3A_30] : memref<1x32xf32, #tpu.memory_space<vmem>>, vector<1x32xf32>
    %add3A_32 = vector.broadcast %get3A_31 : vector<1x32xf32> to vector<5000x32xf32>
    %add3A_33 = arith.addf %dot_general3A_28, %add3A_32 : vector<5000x32xf32>
    %max3A_34 = arith.constant 0.000000e+00 : f32
    %max3A_35 = vector.broadcast %max3A_34 : f32 to vector<5000x32xf32>
    %max3A_36 = arith.maximumf %add3A_33, %max3A_35 : vector<5000x32xf32>
    %get3A_37 = arith.constant 0 : index
    %get3A_38 = arith.constant 0 : index
    %get3A_39 = vector.load %arg7[%get3A_37, %get3A_38] : memref<32x64xf32, #tpu.memory_space<vmem>>, vector<32x64xf32>
    %dot_general3A_40 = arith.constant dense<0.000000e+00> : vector<5000x64xf32>
    %dot_general3A_41 = tpu.matmul %max3A_36, %get3A_39, %dot_general3A_40 {dimension_numbers = #tpu.dot_dimension_numbers<[1], [0], [0], [1], [0, 0, 1, 1], [], []>, transpose_lhs_hint = false} : vector<5000x32xf32>, vector<32x64xf32>, vector<5000x64xf32> -> vector<5000x64xf32>
    %get3A_42 = arith.constant 0 : index
    %get3A_43 = arith.constant 0 : index
    %get3A_44 = vector.load %arg8[%get3A_42, %get3A_43] : memref<1x64xf32, #tpu.memory_space<vmem>>, vector<1x64xf32>
    %add3A_45 = vector.broadcast %get3A_44 : vector<1x64xf32> to vector<5000x64xf32>
    %add3A_46 = arith.addf %dot_general3A_41, %add3A_45 : vector<5000x64xf32>
    %swap3A = arith.constant 0 : index
    %swap3A_47 = arith.constant 0 : index
    %swap3A_48 = vector.load %arg9[%swap3A, %swap3A_47] : memref<5000x64xf32, #tpu.memory_space<vmem>>, vector<5000x64xf32>
    tpu.vector_store %arg9[%swap3A, %swap3A_47], %add3A_46 {strides = array<i32>} : memref<5000x64xf32, #tpu.memory_space<vmem>>, vector<5000x64xf32>,
    return
  }
  func.func @transform_0(%arg0: i32) -> (i32, i32) {
    %c0_i32 = arith.constant 0 : i32
    %c0_i32_0 = arith.constant 0 : i32
    return %arg0, %c0_i32 : i32, i32
  }
  func.func @transform_1(%arg0: i32) -> (i32, i32, i32) {
    %c0_i32 = arith.constant 0 : i32
    %c0_i32_0 = arith.constant 0 : i32
    %c0_i32_1 = arith.constant 0 : i32
    return %c0_i32, %arg0, %c0_i32_0 : i32, i32, i32
  }
  func.func @transform_2(%arg0: i32) -> (i32, i32) {
    %c0_i32 = arith.constant 0 : i32
    %c0_i32_0 = arith.constant 0 : i32
    %c0_i32_1 = arith.constant 0 : i32
    return %c0_i32, %c0_i32_0 : i32, i32
  }
  func.func @transform_3(%arg0: i32) -> (i32, i32) {
    %c0_i32 = arith.constant 0 : i32
    %c0_i32_0 = arith.constant 0 : i32
    %c0_i32_1 = arith.constant 0 : i32
    return %c0_i32, %c0_i32_0 : i32, i32
  }
  func.func @transform_4(%arg0: i32) -> (i32, i32) {
    %c0_i32 = arith.constant 0 : i32
    %c0_i32_0 = arith.constant 0 : i32
    %c0_i32_1 = arith.constant 0 : i32
    return %c0_i32, %c0_i32_0 : i32, i32
  }
  func.func @transform_5(%arg0: i32) -> (i32, i32) {
    %c0_i32 = arith.constant 0 : i32
    %c0_i32_0 = arith.constant 0 : i32
    %c0_i32_1 = arith.constant 0 : i32
    return %c0_i32, %c0_i32_0 : i32, i32
  }
  func.func @transform_6(%arg0: i32) -> (i32, i32) {
    %c0_i32 = arith.constant 0 : i32
    %c0_i32_0 = arith.constant 0 : i32
    %c0_i32_1 = arith.constant 0 : i32
    return %c0_i32, %c0_i32_0 : i32, i32
  }
  func.func @transform_7(%arg0: i32) -> (i32, i32) {
    %c0_i32 = arith.constant 0 : i32
    %c0_i32_0 = arith.constant 0 : i32
    %c0_i32_1 = arith.constant 0 : i32
    return %c0_i32, %c0_i32_0 : i32, i32
  }
  func.func @transform_8(%arg0: i32) -> (i32, i32) {
    %c0_i32 = arith.constant 0 : i32
    %c0_i32_0 = arith.constant 0 : i32
    return %arg0, %c0_i32 : i32, i32
  }
}

</mosaic_0001>

<sc_bundles>
// kernel: kernel.5.cloned.1.call-start
scs
__scs_entry_jumppad:
0x0: {  	(pc) =	sbr.rel $0x88, $3  }
0x1: {  	(tag) =	ssettag $0x0;
	lr =	simm.s32 $0x1  }
0x2: {  	[smem:$0x3F97] =	sst lr;
	_ =	strace $0xD0000000  }
0x3: {  	_ = 	snop  }
0x4: {  	_ = 	snop  }
0x5: {  	_ = 	snop  }
0x6: {  	_ = 	snop  }
0x7: {  	_ = 	snop  }
__scs_overlays_trampoline_lowered:
0x8: {  	[smem:$0x3FA6] =	sst s0  }
0x9: {  	[smem:$0x3FA7] =	sst s1  }
0xa: {  	[smem:$0x3FA8] =	sst s2  }
0xb: {  	[smem:$0x3FA9] =	sst s3  }
0xc: {  	[smem:$0x3FAA] =	sst s4  }
0xd: {  	[smem:$0x3FAB] =	sst s5  }
0xe: {  	[smem:$0x3FAC] =	sst s6  }
0xf: {  	[smem:$0x3FAD] =	sst s7  }
0x10: {  	[smem:$0x3FAE] =	sst s8  }
0x11: {  	[smem:$0x3FAF] =	sst s9;
	s0 =	simm.s32 @!p0 $0x0  }
0x12: {  	s1 =	sld [smem:$0x3F95];
	s0 =	simm.s32 @p0 $0x1  }
0x13: {  	[smem:$0x3FB0] =	sst s0;
	s0 =	simm.s32 @!p1 $0x0  }
0x14: {  	s2 =	sld [smem:$0x3F94];
	s0 =	simm.s32 @p1 $0x1  }
0x15: {  	[smem:$0x3FB1] =	sst s0;
	s0 =	simm.s32 @!p2 $0x0  }
0x16: {  	s3 =	sld [smem:$0x3FDB];
	s0 =	simm.s32 @p2 $0x1  }
0x17: {  	s4 =	simm.s32 $0x1BF5;
	[smem:$0x3FB3] =	sst s0  }
0x18: {  	s0 =	sld [smem:$0x3F96];
	_ =	swait.ge [sflag:s4], $0x0  }
0x19: {  	s7 =	sld [smem:$0x3F97]  }
0x1a: {  	s8 =	sadd.s32 $0xFFFFE003, lr  }
0x1b: {  	s9 =	sadd.s32 $0xFFFFFEF7, lr;
	s5 =	simm.s32 $0xFFFFFFFF;
	p2 =	slt.u32 s8, $0xFFFFF086  }
0x1c: {  	p1 =	slt.u32 s9, $0xF7A;
	s5 =	simm.s32 @!p2 $0x0  }
0x1d: {  	s5 =	simm.s32 @p1 $0x1;
	p0 =	seq.s32 s7, s2  }
0x1e: {  	s7 =	smul.u32 @!p0 $0xF7A, s2;
	p2 =	seq.s32 @!p0 s5, $0x0  }
0x1f: {  	s9 =	smul.u32 $0xF7A, s1;
	s8 =	simm.s32 @!p0 $0x1BF5;
	p2 =	por !p2, p0  }
0x20: {  	[sflag:s8] =	ssyncset.s32 @!p0 $0xFFFFF086;
	s6 =	sadd.s32 @!p0 s3, s7;
	s7 =	simm.s32 @!p0 $0x108  }
0x21: {  	s3 =	sadd.s32 s3, s9;
	s6 =	sadd.s32 @!p0 $0x88, s6;
	s7 =	simm.s32 @p2 $0x1082  }
0x22: {  	[simem:s7], [sflag:s8] =	dma.local @!p0 [hbm:s6], $0xF7A  }
0x23: {  	s9 =	sor.u32 $0xD0000000, s2;
	s6 =	simm.s32 $0x108;
	_ =	swait.ge @!p0 [sflag:s8], $0x0  }
0x24: {  	s3 =	sadd.s32 $0x88, s3;
	s6 =	simm.s32 @!p1 $0x1082;
	[sflag:s4] =	ssyncset.s32 $0xFFFFF086  }
0x25: {  	[simem:s6], [sflag:s4] =	dma.local [hbm:s3], $0xF7A  }
0x26: {  	[smem:$0x3F97] =	sst s1;
	(tag) =	ssettag s2;
	_ =	strace s9  }
0x27: {  	s1 =	sld [smem:$0x3FA7]  }
0x28: {  	s2 =	sld [smem:$0x3FA8]  }
0x29: {  	s4 =	sld [smem:$0x3FAA]  }
0x2a: {  	p0 =	seq.s32 s5, $0x0;
	s5 =	sld [smem:$0x3FAB]  }
0x2b: {  	s6 =	sld [smem:$0x3FAC]  }
0x2c: {  	s7 =	sld [smem:$0x3FAD]  }
0x2d: {  	s3 =	simm.s32 $0x108;
	s8 =	sld [smem:$0x3FAE]  }
0x2e: {  	s3 =	simm.s32 @!p0 $0x1082;
	s9 =	sld [smem:$0x3FAF]  }
0x2f: {  	lr =	sadd.s32 s0, s3;
	s0 =	sld [smem:$0x3FA6]  }
0x30: {  	s3 =	sld [smem:$0x3FA9]  }
0x31: {  	[smem:$0x3FB2] =	sst s10  }
0x32: {  	s10 =	sld [smem:$0x3FB0];
	_ =	sdelay $0x3  }
0x33: {  	p0 =	seq.s32 s10, $0x1;
	s10 =	sld [smem:$0x3FB2];
	_ =	sdelay $0x3  }
0x34: {  	[smem:$0x3FB2] =	sst s10  }
0x35: {  	s10 =	sld [smem:$0x3FB1];
	_ =	sdelay $0x3  }
0x36: {  	p1 =	seq.s32 s10, $0x1;
	s10 =	sld [smem:$0x3FB2];
	_ =	sdelay $0x3  }
0x37: {  	[smem:$0x3FB2] =	sst s10  }
0x38: {  	s10 =	sld [smem:$0x3FB3]  }
0x39: {  	_ = 	snop;
	(pc) =	sbr.ind lr, $3  }
0x3a: {  	_ = 	snop  }
0x3b: {  	_ = 	snop  }
0x3c: {  	p2 =	seq.s32 s10, $0x1;
	s10 =	sld [smem:$0x3FB2]  }
0x3d: {  	_ =	shalt  }
0x3e: {  	_ =	shalt  }
0x3f: {  	_ =	shalt  }
0x40: {  	_ =	shalt  }
0x41: {  	_ =	shalt  }
0x42: {  	_ =	shalt  }
0x43: {  	_ =	shalt  }
0x44: {  	_ =	shalt  }
0x45: {  	_ =	shalt  }
0x46: {  	_ =	shalt  }
0x47: {  	_ =	shalt  }
0x48: {  	_ =	shalt  }
0x49: {  	_ =	shalt  }
0x4a: {  	_ =	shalt  }
0x4b: {  	_ =	shalt  }
0x4c: {  	_ =	shalt  }
0x4d: {  	_ =	shalt  }
0x4e: {  	_ =	shalt  }
0x4f: {  	_ =	shalt  }
0x50: {  	_ =	shalt  }
0x51: {  	_ =	shalt  }
0x52: {  	_ =	shalt  }
0x53: {  	_ =	shalt  }
0x54: {  	_ =	shalt  }
0x55: {  	_ =	shalt  }
0x56: {  	_ =	shalt  }
0x57: {  	_ =	shalt  }
0x58: {  	_ =	shalt  }
0x59: {  	_ =	shalt  }
0x5a: {  	_ =	shalt  }
0x5b: {  	_ =	shalt  }
0x5c: {  	_ =	shalt  }
0x5d: {  	_ =	shalt  }
0x5e: {  	_ =	shalt  }
0x5f: {  	_ =	shalt  }
0x60: {  	_ =	shalt  }
0x61: {  	_ =	shalt  }
0x62: {  	_ =	shalt  }
0x63: {  	_ =	shalt  }
0x64: {  	_ =	shalt  }
0x65: {  	_ =	shalt  }
0x66: {  	_ =	shalt  }
0x67: {  	_ =	shalt  }
0x68: {  	_ =	shalt  }
0x69: {  	_ =	shalt  }
0x6a: {  	_ =	shalt  }
0x6b: {  	_ =	shalt  }
0x6c: {  	_ =	shalt  }
0x6d: {  	_ =	shalt  }
0x6e: {  	_ =	shalt  }
0x6f: {  	_ =	shalt  }
0x70: {  	_ =	shalt  }
0x71: {  	_ =	shalt  }
0x72: {  	_ =	shalt  }
0x73: {  	_ =	shalt  }
0x74: {  	_ =	shalt  }
0x75: {  	_ =	shalt  }
0x76: {  	_ =	shalt  }
0x77: {  	_ =	shalt  }
0x78: {  	_ =	shalt  }
0x79: {  	_ =	shalt  }
0x7a: {  	_ =	shalt  }
0x7b: {  	_ =	shalt  }
0x7c: {  	_ =	shalt  }
0x7d: {  	_ =	shalt  }
0x7e: {  	_ =	shalt  }
0x7f: {  	_ =	shalt  }
0x80: {  	_ =	shalt  }
0x81: {  	_ =	shalt  }
0x82: {  	_ =	shalt  }
0x83: {  	_ =	shalt  }
0x84: {  	_ =	shalt  }
0x85: {  	_ =	shalt  }
0x86: {  	_ =	shalt  }
0x87: {  	_ =	shalt  }
.Lfunc_end0:
.L_simem_size_0:
called_computation_lowered:
.L_overlay_start_0:
0x88: {  	s2 =	sld [smem:$0x3FD9]  }
0x89: {  	s3 =	sld [smem:$0x3FFE];
	_ =	sdelay $0x1  }
0x8a: {  	s1 =	srdreg.scid  }
0x8b: {  	s0 =	sand.u32 $0x1, s1  }
0x8c: {  	s17 =	sshll.u32 s0, $0xA;
	s2 =	sadd.s32 s3, s2  }
0x8d: {  	s2 =	sadd.s32 s2, s17  }
0x8e: {  	[smem:$0x3FBE] =	sst s2  }
0x8f: {  	_ = 	snop  }
0x90: {  	s2 =	sld [smem:$0x3FD0];
	(tm) =	ssettm $0x1  }
0x91: {  	s18 =	sld [smem:$0x3FFB];
	_ =	sdelay $0x3  }
0x92: {  	_ =	strace s18  }
0x93: {  	s3 =	sld [smem:$0x3FFC];
	_ =	sdelay $0x3  }
0x94: {  	_ =	strace s3  }
0x95: {  	s3 =	sld [smem:$0x3FFD];
	_ =	sdelay $0x3  }
0x96: {  	_ =	strace s3  }
0x97: {  	_ =	strace $0x8FFFFFFF  }
0x98: {  	s19 =	sld [smem:$0x3FDB];
	_ =	sdelay $0x1  }
0x99: {  	s4 =	simm.s32 $_scs_section_size  }
0x9a: {  	s5 =	simm.s32 $_size__tile_overlayer_lowered;
	s6 =	simm.s32 $_tile_overlayer_lowered  }
0x9b: {  	s22 =	simm.s32 $0x1BFF;
	s21 =	sshll.u32 s6, $0x1;
	s3 =	sadd.s32 s4, s19  }
0x9c: {  	s7 =	simm.s32 $0x0;
	s20 =	sshll.u32 s5, $0x1;
	s5 =	sadd.s32 s21, s3  }
0x9d: {  	[timem:s7], [sflag:s22] =	dma.local [hbm:s5], s20  }
0x9e: {  	_ =	swait.ge [sflag:s22], s20  }
0x9f: {  	s4 =	ssub.s32 $0x0, s20;
	[sflag:s22] =	ssyncset.done $0x0  }
0xa0: {  	[sflag:s22] =	ssyncadd.s32 s4;
	_ =	sdelay $0x1  }
0xa1: {  	s23 =	simm.s32 $0x1B8B  }
0xa2: {  	_ =	swait.ge [sflag:s23], $0x1  }
0xa3: {  	[sflag:s23] =	ssyncset.done $0x0  }
0xa4: {  	s25 =	simm.s32 $0x1B8E;
	s24 =	sld [smem:$0x3FFE];
	[sflag:s23] =	ssyncadd.s32 $0xFFFFFFFF  }
0xa5: {  	s26 =	simm.s32 $execute0_lowered;
	[smem:$0x3FD2] =	sst s25  }
0xa6: {  	s5 =	sshll.u32 s26, $0x1;
	_ =	strace $0x80000046;
	[dreg:$0x1] =	wrdreg $0xFFFFFFFF  }
0xa7: {  	s28 =	simm.s32 $_size_execute0_lowered;
	s3 =	sadd.s32 s3, s5;
	[dreg:$0x0] =	wrdreg $0x0  }
0xa8: {  	s5 =	sshll.u32 s28, $0x1;
	[dreg:$0x2] =	wrdreg s3  }
0xa9: {  	[dreg:$0x3] =	wrdreg s5  }
0xaa: {  	[dreg:$0x4] =	wrdreg $0xC0  }
0xab: {  	_ =	task [dreg:s7], $0x5FFFF  }
0xac: {  	[dreg:$0x1] =	wrdreg $0xFFFFFFFF  }
0xad: {  	[dreg:$0x0] =	wrdreg $0x60  }
0xae: {  	[dreg:$0x2] =	wrdreg s2  }
0xaf: {  	[dreg:$0x3] =	wrdreg s24  }
0xb0: {  	[dreg:$0x4] =	wrdreg $0x74200  }
0xb1: {  	[dreg:$0x5] =	wrdreg $0x9  }
0xb2: {  	_ =	task.clear_ibuf [dreg:s7], $0x6FFFF;
	_ =	strace $0x90000046  }
0xb3: {  	s29 =	simm.s32 $0x9;
	_ =	strace $0x80000048  }
0xb4: {  	_ =	swait.ge [sflag:s29], $0x1  }
0xb5: {  	[sflag:s29] =	ssyncadd.s32 $0xFFFFFFFF  }
0xb6: {  	_ =	strace $0x90000048  }
0xb7: {  	_ =	sfence  }
0xb8: {  	s30 =	sld [smem:$0x0];
	_ =	sdelay $0x2  }
0xb9: {  	s31 =	sshll.u32 s1, $0xD;
	s1 =	sshrl.u32 s1, $0x2  }
0xba: {  	s3 =	sand.u32 $0x4000, s31;
	s1 =	sadd.s32 s1, s30  }
0xbb: {  	s0 =	sor.u32 s3, s0;
	s1 =	sshll.u32 s1, $0x11  }
0xbc: {  	s0 =	sor.u32 s1, s0  }
0xbd: {  	s0 =	sadd.s32 $0x8F2B, s0  }
0xbe: {  	[sflag:s0] =	ssyncadd.remote.s32 $0x1  }
0xbf: {  	_ =	sfence.sel $0xFFFF  }
0xc0: {  	[dreg:$0x0] =	wrdreg $0xFFFFFFFF;
	(pc) =	sbr.abs _section_cstart, $3  }
0xc1: {  	[dreg:$0x1] =	wrdreg $0xFFFFFFFF  }
0xc2: {  	_ =	task.clear_ibuf [dreg:s7], $0x2FFFF;
	_ =	strace $0x9FFFFFFF  }
0xc3: {  	(tm) =	ssettm $0x7FFFFFFF  }
tec
execute0_lowered:
.L_overlay_start_1:
0x0: {  	(tag) =	ssettag $0x1  }
0x1: {  	s0 =	rddreg [dreg:$0x0]  }
0x2: {  	s1 =	rddreg [dreg:$0x1]  }
0x3: {  	s2 =	rddreg [dreg:$0x2];
	s11 =	stileid.u32;
	s23 =	simm.s32 $0x0  }
0x4: {  	s4 =	srdreg.scid;
	s31 =	simm.s32 $0x2;
	s30 =	simm.s32 $0x14  }
0x5: {  	s3 =	smul.u32 $0x187, s11;
	[smem:$0x7FF] =	sst s23;
	s5 =	smax.u32 s11, $0xA  }
0x6: {  	s4 =	sand.u32 $0x1, s4;
	s8 =	sadd.s32 $0x1400, s1;
	s14 =	smul.u32 $0x31000, s11  }
0x7: {  	s12 =	sadd.s32 $0xB7C00, s2;
	s16 =	smul.u32 $0x1870, s11;
	p0 =	sgt.u32 s11, $0x9  }
0x8: {  	p1 =	seq.s32 s11, $0xF;
	_ =	strace $0x80000047;
	s6 =	smul.u32 $0xC3500, s4  }
0x9: {  	s7 =	ssub.s32 $0x2, s4;
	s4 =	smul.u32 $0x186A0, s4;
	s3 =	ssub.s32 s3, s5  }
0xa: {  	s9 =	sshrl.u32 s7, $0x1;
	s3 =	sshll.u32 s3, $0x7;
	s1 =	sadd.s32 s6, s1  }
0xb: {  	s6 =	ssub.s32 s7, s9;
	s10 =	sadd.s32 $0x500, s3;
	s18 =	sadd.s32 $0xC3A00, s3  }
0xc: {  	s19 =	sadd.s32 $0xA00, s3;
	s20 =	sadd.s32 $0xC3F00, s3;
	s24 =	sadd.s32 $0xF00, s3  }
0xd: {  	s25 =	sadd.s32 $0xC4400, s3;
	s13 =	sadd.s32 $0xC800, s3;
	s3 =	sadd.s32 $0xCFD00, s3  }
0xe: {  	s17 =	sshrl.u32 s10, $0x3;
	s9 =	sshrl.u32 s19, $0x3;
	s22 =	sshrl.u32 s20, $0x3  }
0xf: {  	s26 =	sshrl.u32 s24, $0x3;
	s28 =	sshrl.u32 s25, $0x3;
	s10 =	sadd.s32 s0, s4  }
0x10: {  	s15 =	sshrl.u32 s3, $0x3;
	s19 =	smul.u32 $0xC400, s11;
	s3 =	sadd.s32 s16, s8  }
0x11: {  	s24 =	smax.u32 s6, $0x1;
	s20 =	simm.s32 $0x6E00;
	s0 =	sshrl.u32 s12, $0x3  }
0x12: {  	s7 =	sadd.s32 s8, s17;
	s21 =	sadd.s32 s8, s9;
	[dreg:$0xd] =	wrdreg s24  }
0x13: {  	s29 =	sadd.s32 s8, s28;
	s17 =	sshrl.u32 s14, $0x2;
	[dreg:$0x12] =	wrdreg s0  }
0x14: {  	s9 =	simm.s32 $0xA00;
	s0 =	simm.s32 $0x80;
	[dreg:$0x4] =	wrdreg s7  }
0x15: {  	s24 =	simm.s32 $0x2E00;
	s7 =	sshrl.u32 s18, $0x3;
	[dreg:$0x6] =	wrdreg s21  }
0x16: {  	[dreg:$0x9] =	wrdreg s29;
	s18 =	smul.u32 $0xC380, s11;
	s7 =	sadd.s32 s8, s7  }
0x17: {  	[dreg:$0x5] =	wrdreg s7;
	s7 =	sadd.s32 s8, s22;
	s22 =	sshll.u32 s5, $0x7  }
0x18: {  	s5 =	sshll.u32 s5, $0x4;
	[dreg:$0x7] =	wrdreg s7;
	s7 =	sadd.s32 s8, s26  }
0x19: {  	s14 =	sadd.s32 s17, s2;
	s6 =	ssub.s32 s3, s5;
	[dreg:$0x8] =	wrdreg s7  }
0x1a: {  	s7 =	sadd.s32 $0xF5800, s1;
	s1 =	sshrl.u32 s13, $0x3;
	[dreg:$0x14] =	wrdreg s6  }
0x1b: {  	s21 =	simm.s32 $0x1B;
	s1 =	sadd.s32 s8, s1;
	[dreg:$0xa] =	wrdreg s7  }
0x1c: {  	s29 =	sadd.s32 s19, s7;
	[dreg:$0xb] =	wrdreg s1;
	s1 =	sadd.s32 s8, s15  }
0x1d: {  	s19 =	simm.s32 $0x3E00;
	[dreg:$0xc] =	wrdreg s1;
	s1 =	ssub.s32 s18, s22  }
0x1e: {  	[dreg:$0x11] =	wrdreg s29;
	s25 =	sadd.s32 $0xC5300, s1;
	s26 =	sadd.s32 $0xC4E00, s1  }
.Ltmp0:
0x1f: {  	s1 =	sadd.s32 $0xC4900, s1;
	s3 =	sshrl.u32 s25, $0x3;
	(pc) =	sbr.rel .LBB2_1-.Ltmp0, $4  }
0x20: {  	s22 =	simm.s32 $0x3600;
	s1 =	sshrl.u32 s1, $0x3;
	s3 =	sadd.s32 s3, s8  }
0x21: {  	s28 =	sshrl.u32 s26, $0x3;
	s1 =	sadd.s32 s1, s8;
	[dreg:$0xe] =	wrdreg s3  }
0x22: {  	s26 =	simm.s32 $0x1E00;
	s3 =	sadd.s32 s28, s8;
	[dreg:$0x10] =	wrdreg s1  }
0x23: {  	v0 =	vimm.f32 $0.0e+00;
	s25 =	simm.s32 $0x2600;
	[dreg:$0xf] =	wrdreg s3;
	s3 =	simm.s32 $0x0  }
.LBB2_12:
0x24: {  	s1 =	rddreg [dreg:$0xa]  }
0x25: {  	s6 =	rddreg [dreg:$0x12];
	s5 =	simm.s32 $0x1FDB;
	s1 =	sadd.s32 $0xB7C00, s1  }
0x26: {  	[hbm:s1@s4], [sflag:s5] =	dma.strided [spmem:s6@s29], $0x1720, s3, $0x2   }
0x27: {  	_ =	swait.ge [sflag:s21], $0x1720  }
0x28: {  	[sflag:s21] =	ssyncset.done $0x0  }
0x29: {  	s6 =	smov.u32 s13;
	s3 =	rddreg [dreg:$0x13];
	[sflag:s21] =	ssyncadd.s32 $0xFFFFE8E0  }
.LBB2_13:
0x2a: {  	s3 =	sadd.s32 $0x1, s3;
	s1 =	rddreg [dreg:$0xd]  }
0x2b: {  	p2 =	sne.s32 s3, s1  }
.Ltmp1:
0x2c: {  	_ = 	snop;
	(pc) =	sbr.rel @!p2 .LBB2_14-.Ltmp1, $1  }
0x2d: {  	_ =	sdelay $0x3  }
.LBB2_1:
0x2e: {  	s1 =	simm.s32 $0x0  }
.LBB2_2:
0x2f: {  	p2 =	sne.s32 s1, $0x1840  }
.Ltmp2:
0x30: {  	_ = 	snop;
	(pc) =	sbr.rel @p2 .LBB2_2-.Ltmp2, $3  }
0x31: {  	_ =	sdelay $0x1  }
0x32: {  	s7 =	sshra.s32 s1, $0x2  }
0x33: {  	s1 =	sadd.s32 $0x40, s1;
	[tilespmem:s7+$0x6E00] =	vst v0  }
0x34: {  	[dreg:$0x13] =	wrdreg s3;
	s1 =	sadd.s32 $0x0, s14  }
0x35: {  	[spmem:s1] =	stream.linear.scatter [tilespmem:s20], [sflag:$0x1B], $0x620, $0x38;
	[tilespmem:$0x13820] =	vst v63  }
0x36: {  	s1 =	simm.s32 $0x1880;
	_ =	swait.ge [sflag:s21], $0x620  }
.LBB2_4:
0x37: {  	s7 =	sshra.s32 s1, $0x2;
	[sflag:s21] =	ssyncset.done $0x0;
	p2 =	sne.s32 s1, $0x2F780  }
.Ltmp3:
0x38: {  	s7 =	sadd.s32 s7, s14;
	[sflag:s21] =	ssyncadd.s32 $0xFFFFF9E0;
	(pc) =	sbr.rel @p2 .LBB2_4-.Ltmp3, $3  }
0x39: {  	[spmem:s7] =	stream.linear.scatter [tilespmem:s20], [sflag:$0x1B], $0x620, $0x38;
	[tilespmem:$0x13820] =	vst v63  }
0x3a: {  	s1 =	sadd.s32 $0x1880, s1;
	_ =	sdelay $0x1  }
0x3b: {  	_ =	swait.ge [sflag:s21], $0x620  }
0x3c: {  	[sflag:s21] =	ssyncset.done $0x0  }
0x3d: {  	[sflag:s21] =	ssyncadd.s32 $0xFFFFF9E0  }
0x3e: {  	[bflag:$0x0] =	sbarrier.arrive $0xFFFF  }
0x3f: {  	s28 =	simm.s32 $0x0;
	s1 =	rddreg [dreg:$0x4]  }
0x40: {  	[tilespmem:s28], [sflag:$0x15] =	stream.linear.gather [hbm4b:s1+s28], $0x500, $0x38;
	[tilespmem:$0x13820] =	vst v63  }
0x41: {  	s8 =	simm.s32 $0xF00;
	s12 =	rddreg [dreg:$0x5]  }
0x42: {  	[tilespmem:s8], [sflag:$0x18] =	stream.linear.gather [hbm4b:s12+s28], $0x500, $0x38;
	[tilespmem:$0x13820] =	vst v63  }
0x43: {  	s15 =	simm.s32 $0x500;
	s13 =	rddreg [dreg:$0x6]  }
0x44: {  	[tilespmem:s15], [sflag:$0x16] =	stream.linear.gather [hbm4b:s13+s28], $0x500, $0x38;
	[tilespmem:$0x13820] =	vst v63  }
0x45: {  	s17 =	simm.s32 $0x1400;
	s16 =	rddreg [dreg:$0x7]  }
0x46: {  	[tilespmem:s17], [sflag:$0x19] =	stream.linear.gather [hbm4b:s16+s28], $0x500, $0x38;
	[tilespmem:$0x13820] =	vst v63  }
0x47: {  	s18 =	rddreg [dreg:$0x8]  }
0x48: {  	[tilespmem:s9], [sflag:$0x17] =	stream.linear.gather [hbm4b:s18+s28], $0x500, $0x38;
	[tilespmem:$0x13820] =	vst v63  }
0x49: {  	s3 =	simm.s32 $0x1900;
	s29 =	rddreg [dreg:$0x9]  }
0x4a: {  	[tilespmem:s3], [sflag:$0x1A] =	stream.linear.gather [hbm4b:s29+s28], $0x500, $0x38;
	[tilespmem:$0x13820] =	vst v63  }
.LBB2_6:
0x4b: {  	s1 =	simm.s32 $0x15  }
0x4c: {  	_ =	swait.ge [sflag:s1], $0x500  }
0x4d: {  	[sflag:s1] =	ssyncset.done $0x0  }
0x4e: {  	s8 =	simm.s32 $0x18;
	[sflag:s1] =	ssyncadd.s32 $0xFFFFFB00  }
0x4f: {  	_ =	swait.ge [sflag:s8], $0x500  }
0x50: {  	[sflag:s8] =	ssyncset.done $0x0  }
0x51: {  	s9 =	simm.s32 $0x1E00;
	[sflag:s8] =	ssyncadd.s32 $0xFFFFFB00  }
0x52: {  	[tilespmem:s9], [sflag:$0x1] =	stream.indirect.gather [hbm4b:s10+s0], $0x10, s23, s0, $0xb8;
	[tilespmem:$0x13820] =	vst v63  }
0x53: {  	s11 =	simm.s32 $0x2600  }
0x54: {  	[tilespmem:s11], [sflag:$0x2] =	stream.indirect.gather [hbm4b:s10+s0], $0x10, s0, s0, $0xb8;
	[tilespmem:$0x13820] =	vst v63  }
0x55: {  	s12 =	simm.s32 $0x100;
	s3 =	simm.s32 $0x2E00  }
0x56: {  	[tilespmem:s3], [sflag:$0x3] =	stream.indirect.gather [hbm4b:s10+s0], $0x10, s12, s0, $0xb8;
	[tilespmem:$0x13820] =	vst v63  }
0x57: {  	s13 =	simm.s32 $0x180;
	s15 =	simm.s32 $0x3600  }
0x58: {  	[tilespmem:s15], [sflag:$0x4] =	stream.indirect.gather [hbm4b:s10+s0], $0x10, s13, s0, $0xb8;
	[tilespmem:$0x13820] =	vst v63  }
0x59: {  	s18 =	simm.s32 $0x200;
	s23 =	simm.s32 $0x3E00  }
0x5a: {  	[tilespmem:s23], [sflag:$0x5] =	stream.indirect.gather [hbm4b:s10+s0], $0x10, s18, s0, $0xb8;
	[tilespmem:$0x13820] =	vst v63  }
0x5b: {  	s4 =	simm.s32 $0x4600;
	s3 =	simm.s32 $0x280  }
0x5c: {  	[tilespmem:s4], [sflag:$0x6] =	stream.indirect.gather [hbm4b:s10+s0], $0x10, s3, s0, $0xb8;
	[tilespmem:$0x13820] =	vst v63  }
0x5d: {  	s5 =	simm.s32 $0x300;
	s7 =	simm.s32 $0x4E00  }
0x5e: {  	[tilespmem:s7], [sflag:$0x7] =	stream.indirect.gather [hbm4b:s10+s0], $0x10, s5, s0, $0xb8;
	[tilespmem:$0x13820] =	vst v63  }
0x5f: {  	s8 =	simm.s32 $0x380;
	s15 =	simm.s32 $0x5600  }
0x60: {  	[tilespmem:s15], [sflag:$0x8] =	stream.indirect.gather [hbm4b:s10+s0], $0x10, s8, s0, $0xb8;
	[tilespmem:$0x13820] =	vst v63  }
0x61: {  	s18 =	simm.s32 $0x400;
	s23 =	simm.s32 $0x5E00  }
0x62: {  	[tilespmem:s23], [sflag:$0x9] =	stream.indirect.gather [hbm4b:s10+s0], $0x10, s18, s0, $0xb8;
	[tilespmem:$0x13820] =	vst v63  }
0x63: {  	s29 =	simm.s32 $0x1;
	s3 =	simm.s32 $0x480;
	s4 =	simm.s32 $0x6600  }
0x64: {  	[tilespmem:s4], [sflag:$0xA] =	stream.indirect.gather [hbm4b:s10+s0], $0x10, s3, s0, $0xb8;
	[tilespmem:$0x13820] =	vst v63  }
0x65: {  	_ =	swait.ge [sflag:s29], $0x800  }
0x66: {  	[sflag:s29] =	ssyncset.done $0x0  }
0x67: {  	s17 =	simm.s32 $0x1E00;
	s15 =	simm.s32 $0xF00;
	[sflag:s29] =	ssyncadd.s32 $0xFFFFF800  }
0x68: {  	[spmem:s2] =	stream.indirect.scatter.add.f32 [tilespmem:s17], [sflag:$0xB], $0x10, s15, s0, $0xb8;
	[tilespmem:$0x13820] =	vst v63  }
0x69: {  	_ =	swait.ge [sflag:s31], $0x800  }
0x6a: {  	[sflag:s31] =	ssyncset.done $0x0  }
0x6b: {  	s16 =	simm.s32 $0x2600;
	s17 =	simm.s32 $0xF80;
	[sflag:s31] =	ssyncadd.s32 $0xFFFFF800  }
0x6c: {  	[spmem:s2] =	stream.indirect.scatter.add.f32 [tilespmem:s16], [sflag:$0xC], $0x10, s17, s0, $0xb8;
	[tilespmem:$0x13820] =	vst v63  }
0x6d: {  	s16 =	simm.s32 $0x3  }
0x6e: {  	_ =	swait.ge [sflag:s16], $0x800  }
0x6f: {  	s12 =	simm.s32 $0x2E00;
	[sflag:s16] =	ssyncset.done $0x0  }
0x70: {  	s18 =	simm.s32 $0x1000;
	s23 =	simm.s32 $0x4;
	[sflag:s16] =	ssyncadd.s32 $0xFFFFF800  }
0x71: {  	[spmem:s2] =	stream.indirect.scatter.add.f32 [tilespmem:s12], [sflag:$0xD], $0x10, s18, s0, $0xb8;
	[tilespmem:$0x13820] =	vst v63  }
0x72: {  	_ =	swait.ge [sflag:s23], $0x800  }
0x73: {  	s9 =	simm.s32 $0x3600;
	[sflag:s23] =	ssyncset.done $0x0  }
0x74: {  	s3 =	simm.s32 $0x1080;
	s12 =	simm.s32 $0x5;
	[sflag:s23] =	ssyncadd.s32 $0xFFFFF800  }
0x75: {  	[spmem:s2] =	stream.indirect.scatter.add.f32 [tilespmem:s9], [sflag:$0xE], $0x10, s3, s0, $0xb8;
	[tilespmem:$0x13820] =	vst v63  }
0x76: {  	_ =	swait.ge [sflag:s12], $0x800  }
0x77: {  	s11 =	simm.s32 $0x3E00;
	[sflag:s12] =	ssyncset.done $0x0  }
0x78: {  	s15 =	simm.s32 $0x1100;
	s17 =	simm.s32 $0x6;
	[sflag:s12] =	ssyncadd.s32 $0xFFFFF800  }
0x79: {  	[spmem:s2] =	stream.indirect.scatter.add.f32 [tilespmem:s11], [sflag:$0xF], $0x10, s15, s0, $0xb8;
	[tilespmem:$0x13820] =	vst v63  }
0x7a: {  	_ =	swait.ge [sflag:s17], $0x800  }
0x7b: {  	s13 =	simm.s32 $0x4600;
	[sflag:s17] =	ssyncset.done $0x0  }
0x7c: {  	s18 =	simm.s32 $0x1180;
	s23 =	simm.s32 $0x7;
	[sflag:s17] =	ssyncadd.s32 $0xFFFFF800  }
0x7d: {  	[spmem:s2] =	stream.indirect.scatter.add.f32 [tilespmem:s13], [sflag:$0x10], $0x10, s18, s0, $0xb8;
	[tilespmem:$0x13820] =	vst v63  }
0x7e: {  	_ =	swait.ge [sflag:s23], $0x800  }
0x7f: {  	[sflag:s23] =	ssyncset.done $0x0  }
0x80: {  	s7 =	simm.s32 $0x4E00;
	s3 =	simm.s32 $0x1200;
	[sflag:s23] =	ssyncadd.s32 $0xFFFFF800  }
0x81: {  	[spmem:s2] =	stream.indirect.scatter.add.f32 [tilespmem:s7], [sflag:$0x11], $0x10, s3, s0, $0xb8;
	[tilespmem:$0x13820] =	vst v63  }
0x82: {  	s7 =	simm.s32 $0x8  }
0x83: {  	_ =	swait.ge [sflag:s7], $0x800  }
0x84: {  	[sflag:s7] =	ssyncset.done $0x0  }
0x85: {  	s8 =	simm.s32 $0x5600;
	s9 =	simm.s32 $0x1280;
	[sflag:s7] =	ssyncadd.s32 $0xFFFFF800  }
0x86: {  	[spmem:s2] =	stream.indirect.scatter.add.f32 [tilespmem:s8], [sflag:$0x12], $0x10, s9, s0, $0xb8;
	[tilespmem:$0x13820] =	vst v63  }
0x87: {  	s8 =	simm.s32 $0x9  }
0x88: {  	_ =	swait.ge [sflag:s8], $0x800  }
0x89: {  	s5 =	simm.s32 $0x5E00;
	[sflag:s8] =	ssyncset.done $0x0  }
0x8a: {  	s12 =	simm.s32 $0xA;
	s11 =	simm.s32 $0x1300;
	[sflag:s8] =	ssyncadd.s32 $0xFFFFF800  }
0x8b: {  	[spmem:s2] =	stream.indirect.scatter.add.f32 [tilespmem:s5], [sflag:$0x13], $0x10, s11, s0, $0xb8;
	[tilespmem:$0x13820] =	vst v63  }
0x8c: {  	_ =	swait.ge [sflag:s12], $0x800  }
0x8d: {  	s4 =	simm.s32 $0x6600;
	[sflag:s12] =	ssyncset.done $0x0  }
0x8e: {  	s15 =	simm.s32 $0xB;
	s13 =	simm.s32 $0x1380;
	[sflag:s12] =	ssyncadd.s32 $0xFFFFF800  }
0x8f: {  	[spmem:s2] =	stream.indirect.scatter.add.f32 [tilespmem:s4], [sflag:$0x14], $0x10, s13, s0, $0xb8;
	[tilespmem:$0x13820] =	vst v63  }
0x90: {  	_ =	swait.ge [sflag:s15], $0x800  }
0x91: {  	[sflag:s15] =	ssyncset.done $0x0  }
0x92: {  	s17 =	simm.s32 $0xC;
	[sflag:s15] =	ssyncadd.s32 $0xFFFFF800  }
0x93: {  	_ =	swait.ge [sflag:s17], $0x800  }
0x94: {  	[sflag:s17] =	ssyncset.done $0x0  }
0x95: {  	s18 =	simm.s32 $0xD;
	[sflag:s17] =	ssyncadd.s32 $0xFFFFF800  }
0x96: {  	_ =	swait.ge [sflag:s18], $0x800  }
0x97: {  	[sflag:s18] =	ssyncset.done $0x0  }
0x98: {  	s17 =	simm.s32 $0xE;
	[sflag:s18] =	ssyncadd.s32 $0xFFFFF800  }
0x99: {  	_ =	swait.ge [sflag:s17], $0x800  }
0x9a: {  	[sflag:s17] =	ssyncset.done $0x0  }
0x9b: {  	s23 =	simm.s32 $0xF;
	[sflag:s17] =	ssyncadd.s32 $0xFFFFF800  }
0x9c: {  	_ =	swait.ge [sflag:s23], $0x800  }
0x9d: {  	[sflag:s23] =	ssyncset.done $0x0  }
0x9e: {  	s3 =	simm.s32 $0x10;
	[sflag:s23] =	ssyncadd.s32 $0xFFFFF800  }
0x9f: {  	_ =	swait.ge [sflag:s3], $0x800  }
0xa0: {  	[sflag:s3] =	ssyncset.done $0x0  }
0xa1: {  	s4 =	simm.s32 $0x11;
	[sflag:s3] =	ssyncadd.s32 $0xFFFFF800  }
0xa2: {  	_ =	swait.ge [sflag:s4], $0x800  }
0xa3: {  	[sflag:s4] =	ssyncset.done $0x0  }
0xa4: {  	s5 =	simm.s32 $0x12;
	[sflag:s4] =	ssyncadd.s32 $0xFFFFF800  }
0xa5: {  	_ =	swait.ge [sflag:s5], $0x800  }
0xa6: {  	[sflag:s5] =	ssyncset.done $0x0  }
0xa7: {  	s7 =	simm.s32 $0x13;
	[sflag:s5] =	ssyncadd.s32 $0xFFFFF800  }
0xa8: {  	_ =	swait.ge [sflag:s7], $0x800  }
0xa9: {  	[sflag:s7] =	ssyncset.done $0x0  }
0xaa: {  	[sflag:s7] =	ssyncadd.s32 $0xFFFFF800  }
0xab: {  	p2 =	seq.s32 s28, $0x1680;
	_ =	swait.ge [sflag:s30], $0x800  }
0xac: {  	s1 =	simm.s32 @!p2 $0x0;
	s3 =	sadd.s32 @!p2 s28, s6;
	[sflag:s30] =	ssyncset.done $0x0  }
0xad: {  	s23 =	sadd.s32 @!p2 $0x280, s3;
	s13 =	rddreg [dreg:$0x10];
	[sflag:s30] =	ssyncadd.s32 $0xFFFFF800  }
0xae: {  	[tilespmem:s1], [sflag:$0x15] =	stream.linear.gather @!p2 [hbm4b:s23+s1], $0x500, $0x38;
	[tilespmem:$0x13820] =	vst v63  }
0xaf: {  	s9 =	simm.s32 $0x16;
	s6 =	simm.s32 @!p2 $0xF00;
	s23 =	sadd.s32 @!p2 s28, s13  }
0xb0: {  	[tilespmem:s6], [sflag:$0x18] =	stream.linear.gather @!p2 [hbm4b:s23+s1], $0x500, $0x38;
	[tilespmem:$0x13820] =	vst v63  }
0xb1: {  	_ =	swait.ge [sflag:s9], $0x500  }
0xb2: {  	[sflag:s9] =	ssyncset.done $0x0  }
0xb3: {  	s11 =	simm.s32 $0x19;
	[sflag:s9] =	ssyncadd.s32 $0xFFFFFB00  }
0xb4: {  	_ =	swait.ge [sflag:s11], $0x500  }
0xb5: {  	[sflag:s11] =	ssyncset.done $0x0  }
0xb6: {  	s12 =	simm.s32 $0x500;
	s15 =	simm.s32 $0x1E00;
	[sflag:s11] =	ssyncadd.s32 $0xFFFFFB00  }
0xb7: {  	[tilespmem:s15], [sflag:$0x1] =	stream.indirect.gather [hbm4b:s10+s0], $0x10, s12, s0, $0xb8;
	[tilespmem:$0x13820] =	vst v63  }
0xb8: {  	s13 =	simm.s32 $0x580;
	s12 =	simm.s32 $0x2600  }
0xb9: {  	[tilespmem:s12], [sflag:$0x2] =	stream.indirect.gather [hbm4b:s10+s0], $0x10, s13, s0, $0xb8;
	[tilespmem:$0x13820] =	vst v63  }
0xba: {  	s18 =	simm.s32 $0x600;
	s11 =	simm.s32 $0x2E00  }
0xbb: {  	[tilespmem:s11], [sflag:$0x3] =	stream.indirect.gather [hbm4b:s10+s0], $0x10, s18, s0, $0xb8;
	[tilespmem:$0x13820] =	vst v63  }
0xbc: {  	s23 =	simm.s32 $0x680;
	s9 =	simm.s32 $0x3600  }
0xbd: {  	[tilespmem:s9], [sflag:$0x4] =	stream.indirect.gather [hbm4b:s10+s0], $0x10, s23, s0, $0xb8;
	[tilespmem:$0x13820] =	vst v63  }
0xbe: {  	s5 =	simm.s32 $0x3E00;
	s1 =	simm.s32 $0x700  }
0xbf: {  	[tilespmem:s5], [sflag:$0x5] =	stream.indirect.gather [hbm4b:s10+s0], $0x10, s1, s0, $0xb8;
	[tilespmem:$0x13820] =	vst v63  }
0xc0: {  	s4 =	simm.s32 $0x780;
	s7 =	simm.s32 $0x4600  }
0xc1: {  	[tilespmem:s7], [sflag:$0x6] =	stream.indirect.gather [hbm4b:s10+s0], $0x10, s4, s0, $0xb8;
	[tilespmem:$0x13820] =	vst v63  }
0xc2: {  	s13 =	simm.s32 $0x800;
	s1 =	simm.s32 $0x4E00  }
0xc3: {  	[tilespmem:s1], [sflag:$0x7] =	stream.indirect.gather [hbm4b:s10+s0], $0x10, s13, s0, $0xb8;
	[tilespmem:$0x13820] =	vst v63  }
0xc4: {  	s18 =	simm.s32 $0x880;
	s13 =	simm.s32 $0x5600  }
0xc5: {  	[tilespmem:s13], [sflag:$0x8] =	stream.indirect.gather [hbm4b:s10+s0], $0x10, s18, s0, $0xb8;
	[tilespmem:$0x13820] =	vst v63  }
0xc6: {  	s23 =	simm.s32 $0x900;
	s4 =	simm.s32 $0x5E00  }
0xc7: {  	[tilespmem:s4], [sflag:$0x9] =	stream.indirect.gather [hbm4b:s10+s0], $0x10, s23, s0, $0xb8;
	[tilespmem:$0x13820] =	vst v63  }
0xc8: {  	s18 =	simm.s32 $0x980;
	s23 =	simm.s32 $0x6600  }
0xc9: {  	[tilespmem:s23], [sflag:$0xA] =	stream.indirect.gather [hbm4b:s10+s0], $0x10, s18, s0, $0xb8;
	[tilespmem:$0x13820] =	vst v63  }
0xca: {  	_ =	swait.ge [sflag:s29], $0x800  }
0xcb: {  	[sflag:s29] =	ssyncset.done $0x0  }
0xcc: {  	s18 =	simm.s32 $0x1400;
	[sflag:s29] =	ssyncadd.s32 $0xFFFFF800  }
0xcd: {  	[spmem:s2] =	stream.indirect.scatter.add.f32 [tilespmem:s15], [sflag:$0xB], $0x10, s18, s0, $0xb8;
	[tilespmem:$0x13820] =	vst v63  }
0xce: {  	_ =	swait.ge [sflag:s31], $0x800  }
0xcf: {  	[sflag:s31] =	ssyncset.done $0x0  }
0xd0: {  	s18 =	simm.s32 $0x1480;
	[sflag:s31] =	ssyncadd.s32 $0xFFFFF800  }
0xd1: {  	[spmem:s2] =	stream.indirect.scatter.add.f32 [tilespmem:s12], [sflag:$0xC], $0x10, s18, s0, $0xb8;
	[tilespmem:$0x13820] =	vst v63  }
0xd2: {  	_ =	swait.ge [sflag:s16], $0x800  }
0xd3: {  	[sflag:s16] =	ssyncset.done $0x0  }
0xd4: {  	s15 =	simm.s32 $0x1500;
	s18 =	simm.s32 $0x4;
	[sflag:s16] =	ssyncadd.s32 $0xFFFFF800  }
0xd5: {  	[spmem:s2] =	stream.indirect.scatter.add.f32 [tilespmem:s11], [sflag:$0xD], $0x10, s15, s0, $0xb8;
	[tilespmem:$0x13820] =	vst v63  }
0xd6: {  	_ =	swait.ge [sflag:s18], $0x800  }
0xd7: {  	[sflag:s18] =	ssyncset.done $0x0  }
0xd8: {  	s12 =	simm.s32 $0x5;
	s11 =	simm.s32 $0x1580;
	[sflag:s18] =	ssyncadd.s32 $0xFFFFF800  }
0xd9: {  	[spmem:s2] =	stream.indirect.scatter.add.f32 [tilespmem:s9], [sflag:$0xE], $0x10, s11, s0, $0xb8;
	[tilespmem:$0x13820] =	vst v63  }
0xda: {  	_ =	swait.ge [sflag:s12], $0x800  }
0xdb: {  	[sflag:s12] =	ssyncset.done $0x0  }
0xdc: {  	s15 =	simm.s32 $0x1600;
	s18 =	simm.s32 $0x6;
	[sflag:s12] =	ssyncadd.s32 $0xFFFFF800  }
0xdd: {  	[spmem:s2] =	stream.indirect.scatter.add.f32 [tilespmem:s5], [sflag:$0xF], $0x10, s15, s0, $0xb8;
	[tilespmem:$0x13820] =	vst v63  }
0xde: {  	_ =	swait.ge [sflag:s18], $0x800  }
0xdf: {  	[sflag:s18] =	ssyncset.done $0x0  }
0xe0: {  	s6 =	simm.s32 $0x7;
	s5 =	simm.s32 $0x1680;
	[sflag:s18] =	ssyncadd.s32 $0xFFFFF800  }
0xe1: {  	[spmem:s2] =	stream.indirect.scatter.add.f32 [tilespmem:s7], [sflag:$0x10], $0x10, s5, s0, $0xb8;
	[tilespmem:$0x13820] =	vst v63  }
0xe2: {  	_ =	swait.ge [sflag:s6], $0x800  }
0xe3: {  	[sflag:s6] =	ssyncset.done $0x0  }
0xe4: {  	s9 =	simm.s32 $0x8;
	s7 =	simm.s32 $0x1700;
	[sflag:s6] =	ssyncadd.s32 $0xFFFFF800  }
0xe5: {  	[spmem:s2] =	stream.indirect.scatter.add.f32 [tilespmem:s1], [sflag:$0x11], $0x10, s7, s0, $0xb8;
	[tilespmem:$0x13820] =	vst v63  }
0xe6: {  	_ =	swait.ge [sflag:s9], $0x800  }
0xe7: {  	[sflag:s9] =	ssyncset.done $0x0  }
0xe8: {  	s11 =	simm.s32 $0x1780;
	[sflag:s9] =	ssyncadd.s32 $0xFFFFF800  }
0xe9: {  	[spmem:s2] =	stream.indirect.scatter.add.f32 [tilespmem:s13], [sflag:$0x12], $0x10, s11, s0, $0xb8;
	[tilespmem:$0x13820] =	vst v63  }
0xea: {  	_ =	swait.ge [sflag:s8], $0x800  }
0xeb: {  	[sflag:s8] =	ssyncset.done $0x0  }
0xec: {  	s12 =	simm.s32 $0x1800;
	s13 =	simm.s32 $0xA;
	[sflag:s8] =	ssyncadd.s32 $0xFFFFF800  }
0xed: {  	[spmem:s2] =	stream.indirect.scatter.add.f32 [tilespmem:s4], [sflag:$0x13], $0x10, s12, s0, $0xb8;
	[tilespmem:$0x13820] =	vst v63  }
0xee: {  	_ =	swait.ge [sflag:s13], $0x800  }
0xef: {  	[sflag:s13] =	ssyncset.done $0x0  }
0xf0: {  	s15 =	simm.s32 $0x1880;
	[sflag:s13] =	ssyncadd.s32 $0xFFFFF800  }
0xf1: {  	[spmem:s2] =	stream.indirect.scatter.add.f32 [tilespmem:s23], [sflag:$0x14], $0x10, s15, s0, $0xb8;
	[tilespmem:$0x13820] =	vst v63  }
0xf2: {  	s23 =	simm.s32 $0xB  }
0xf3: {  	_ =	swait.ge [sflag:s23], $0x800  }
0xf4: {  	[sflag:s23] =	ssyncset.done $0x0  }
0xf5: {  	s4 =	simm.s32 $0xC;
	[sflag:s23] =	ssyncadd.s32 $0xFFFFF800  }
0xf6: {  	_ =	swait.ge [sflag:s4], $0x800  }
0xf7: {  	[sflag:s4] =	ssyncset.done $0x0  }
0xf8: {  	s5 =	simm.s32 $0xD;
	[sflag:s4] =	ssyncadd.s32 $0xFFFFF800  }
0xf9: {  	_ =	swait.ge [sflag:s5], $0x800  }
0xfa: {  	[sflag:s5] =	ssyncset.done $0x0  }
0xfb: {  	[sflag:s5] =	ssyncadd.s32 $0xFFFFF800  }
0xfc: {  	_ =	swait.ge [sflag:s17], $0x800  }
0xfd: {  	[sflag:s17] =	ssyncset.done $0x0  }
0xfe: {  	s6 =	simm.s32 $0xF;
	[sflag:s17] =	ssyncadd.s32 $0xFFFFF800  }
0xff: {  	_ =	swait.ge [sflag:s6], $0x800  }
0x100: {  	[sflag:s6] =	ssyncset.done $0x0  }
0x101: {  	s7 =	simm.s32 $0x10;
	[sflag:s6] =	ssyncadd.s32 $0xFFFFF800  }
0x102: {  	_ =	swait.ge [sflag:s7], $0x800  }
0x103: {  	[sflag:s7] =	ssyncset.done $0x0  }
0x104: {  	s11 =	simm.s32 $0x11;
	[sflag:s7] =	ssyncadd.s32 $0xFFFFF800  }
0x105: {  	_ =	swait.ge [sflag:s11], $0x800  }
0x106: {  	[sflag:s11] =	ssyncset.done $0x0  }
0x107: {  	s12 =	simm.s32 $0x12;
	[sflag:s11] =	ssyncadd.s32 $0xFFFFF800  }
0x108: {  	_ =	swait.ge [sflag:s12], $0x800  }
0x109: {  	[sflag:s12] =	ssyncset.done $0x0  }
0x10a: {  	s23 =	simm.s32 $0x13;
	[sflag:s12] =	ssyncadd.s32 $0xFFFFF800  }
0x10b: {  	_ =	swait.ge [sflag:s23], $0x800  }
0x10c: {  	[sflag:s23] =	ssyncset.done $0x0  }
0x10d: {  	[sflag:s23] =	ssyncadd.s32 $0xFFFFF800  }
0x10e: {  	_ =	swait.ge [sflag:s30], $0x800  }
0x10f: {  	s1 =	sadd.s32 @!p2 $0x320, s3;
	[sflag:s30] =	ssyncset.done $0x0  }
0x110: {  	s3 =	simm.s32 @!p2 $0x0;
	s6 =	simm.s32 @!p2 $0x500;
	[sflag:s30] =	ssyncadd.s32 $0xFFFFF800  }
0x111: {  	[tilespmem:s6], [sflag:$0x16] =	stream.linear.gather @!p2 [hbm4b:s1+s3], $0x500, $0x38;
	[tilespmem:$0x13820] =	vst v63  }
0x112: {  	s1 =	rddreg [dreg:$0xf]  }
0x113: {  	s6 =	simm.s32 @!p2 $0x1400;
	s1 =	sadd.s32 @!p2 s28, s1  }
0x114: {  	[tilespmem:s6], [sflag:$0x19] =	stream.linear.gather @!p2 [hbm4b:s1+s3], $0x500, $0x38;
	[tilespmem:$0x13820] =	vst v63  }
0x115: {  	s3 =	simm.s32 $0x17  }
0x116: {  	_ =	swait.ge [sflag:s3], $0x500  }
0x117: {  	[sflag:s3] =	ssyncset.done $0x0  }
0x118: {  	s4 =	simm.s32 $0x1A;
	[sflag:s3] =	ssyncadd.s32 $0xFFFFFB00  }
0x119: {  	_ =	swait.ge [sflag:s4], $0x500  }
0x11a: {  	[sflag:s4] =	ssyncset.done $0x0  }
0x11b: {  	s6 =	simm.s32 $0xA00;
	[sflag:s4] =	ssyncadd.s32 $0xFFFFFB00  }
0x11c: {  	[tilespmem:s26], [sflag:$0x1] =	stream.indirect.gather [hbm4b:s10+s0], $0x10, s6, s0, $0xb8;
	[tilespmem:$0x13820] =	vst v63  }
0x11d: {  	s7 =	simm.s32 $0xA80  }
0x11e: {  	[tilespmem:s25], [sflag:$0x2] =	stream.indirect.gather [hbm4b:s10+s0], $0x10, s7, s0, $0xb8;
	[tilespmem:$0x13820] =	vst v63  }
0x11f: {  	s3 =	simm.s32 $0xB00  }
0x120: {  	[tilespmem:s24], [sflag:$0x3] =	stream.indirect.gather [hbm4b:s10+s0], $0x10, s3, s0, $0xb8;
	[tilespmem:$0x13820] =	vst v63  }
0x121: {  	s4 =	simm.s32 $0xB80  }
0x122: {  	[tilespmem:s22], [sflag:$0x4] =	stream.indirect.gather [hbm4b:s10+s0], $0x10, s4, s0, $0xb8;
	[tilespmem:$0x13820] =	vst v63  }
0x123: {  	s6 =	simm.s32 $0xC00  }
0x124: {  	[tilespmem:s19], [sflag:$0x5] =	stream.indirect.gather [hbm4b:s10+s0], $0x10, s6, s0, $0xb8;
	[tilespmem:$0x13820] =	vst v63  }
0x125: {  	s18 =	simm.s32 $0x4600;
	s7 =	simm.s32 $0xC80  }
0x126: {  	[tilespmem:s18], [sflag:$0x6] =	stream.indirect.gather [hbm4b:s10+s0], $0x10, s7, s0, $0xb8;
	[tilespmem:$0x13820] =	vst v63  }
0x127: {  	s3 =	simm.s32 $0xD00;
	s18 =	simm.s32 $0x4E00  }
0x128: {  	[tilespmem:s18], [sflag:$0x7] =	stream.indirect.gather [hbm4b:s10+s0], $0x10, s3, s0, $0xb8;
	[tilespmem:$0x13820] =	vst v63  }
0x129: {  	s6 =	simm.s32 $0xD80;
	s3 =	simm.s32 $0x5600  }
0x12a: {  	[tilespmem:s3], [sflag:$0x8] =	stream.indirect.gather [hbm4b:s10+s0], $0x10, s6, s0, $0xb8;
	[tilespmem:$0x13820] =	vst v63  }
0x12b: {  	s7 =	simm.s32 $0xE00;
	s6 =	simm.s32 $0x5E00  }
0x12c: {  	[tilespmem:s6], [sflag:$0x9] =	stream.indirect.gather [hbm4b:s10+s0], $0x10, s7, s0, $0xb8;
	[tilespmem:$0x13820] =	vst v63  }
0x12d: {  	s1 =	simm.s32 $0xE80;
	s7 =	simm.s32 $0x6600  }
0x12e: {  	[tilespmem:s7], [sflag:$0xA] =	stream.indirect.gather [hbm4b:s10+s0], $0x10, s1, s0, $0xb8;
	[tilespmem:$0x13820] =	vst v63  }
0x12f: {  	_ =	swait.ge [sflag:s29], $0x800  }
0x130: {  	[sflag:s29] =	ssyncset.done $0x0  }
0x131: {  	s1 =	simm.s32 $0x1900;
	[sflag:s29] =	ssyncadd.s32 $0xFFFFF800  }
0x132: {  	[spmem:s2] =	stream.indirect.scatter.add.f32 [tilespmem:s26], [sflag:$0xB], $0x10, s1, s0, $0xb8;
	[tilespmem:$0x13820] =	vst v63  }
0x133: {  	_ =	swait.ge [sflag:s31], $0x800  }
0x134: {  	[sflag:s31] =	ssyncset.done $0x0  }
0x135: {  	s1 =	simm.s32 $0x1980;
	[sflag:s31] =	ssyncadd.s32 $0xFFFFF800  }
0x136: {  	[spmem:s2] =	stream.indirect.scatter.add.f32 [tilespmem:s25], [sflag:$0xC], $0x10, s1, s0, $0xb8;
	[tilespmem:$0x13820] =	vst v63  }
0x137: {  	_ =	swait.ge [sflag:s16], $0x800  }
0x138: {  	[sflag:s16] =	ssyncset.done $0x0  }
0x139: {  	[sflag:s16] =	ssyncadd.s32 $0xFFFFF800;
	s16 =	simm.s32 $0x1A00  }
0x13a: {  	[spmem:s2] =	stream.indirect.scatter.add.f32 [tilespmem:s24], [sflag:$0xD], $0x10, s16, s0, $0xb8;
	[tilespmem:$0x13820] =	vst v63  }
0x13b: {  	s16 =	simm.s32 $0x4  }
0x13c: {  	_ =	swait.ge [sflag:s16], $0x800  }
0x13d: {  	[sflag:s16] =	ssyncset.done $0x0  }
0x13e: {  	[sflag:s16] =	ssyncadd.s32 $0xFFFFF800;
	s16 =	simm.s32 $0x1A80  }
0x13f: {  	[spmem:s2] =	stream.indirect.scatter.add.f32 [tilespmem:s22], [sflag:$0xE], $0x10, s16, s0, $0xb8;
	[tilespmem:$0x13820] =	vst v63  }
0x140: {  	s16 =	simm.s32 $0x5  }
0x141: {  	_ =	swait.ge [sflag:s16], $0x800  }
0x142: {  	[sflag:s16] =	ssyncset.done $0x0  }
0x143: {  	[sflag:s16] =	ssyncadd.s32 $0xFFFFF800;
	s16 =	simm.s32 $0x1B00  }
0x144: {  	[spmem:s2] =	stream.indirect.scatter.add.f32 [tilespmem:s19], [sflag:$0xF], $0x10, s16, s0, $0xb8;
	[tilespmem:$0x13820] =	vst v63  }
0x145: {  	s16 =	simm.s32 $0x6  }
0x146: {  	_ =	swait.ge [sflag:s16], $0x800  }
0x147: {  	[sflag:s16] =	ssyncset.done $0x0  }
0x148: {  	s4 =	simm.s32 $0x4600;
	[sflag:s16] =	ssyncadd.s32 $0xFFFFF800;
	s16 =	simm.s32 $0x1B80  }
0x149: {  	[spmem:s2] =	stream.indirect.scatter.add.f32 [tilespmem:s4], [sflag:$0x10], $0x10, s16, s0, $0xb8;
	[tilespmem:$0x13820] =	vst v63  }
0x14a: {  	s16 =	simm.s32 $0x7  }
0x14b: {  	_ =	swait.ge [sflag:s16], $0x800  }
0x14c: {  	[sflag:s16] =	ssyncset.done $0x0  }
0x14d: {  	s4 =	simm.s32 $0x1C00;
	[sflag:s16] =	ssyncadd.s32 $0xFFFFF800;
	s16 =	simm.s32 $0x8  }
0x14e: {  	[spmem:s2] =	stream.indirect.scatter.add.f32 [tilespmem:s18], [sflag:$0x11], $0x10, s4, s0, $0xb8;
	[tilespmem:$0x13820] =	vst v63  }
0x14f: {  	_ =	swait.ge [sflag:s16], $0x800  }
0x150: {  	[sflag:s16] =	ssyncset.done $0x0  }
0x151: {  	s18 =	simm.s32 $0x1C80;
	[sflag:s16] =	ssyncadd.s32 $0xFFFFF800  }
0x152: {  	[spmem:s2] =	stream.indirect.scatter.add.f32 [tilespmem:s3], [sflag:$0x12], $0x10, s18, s0, $0xb8;
	[tilespmem:$0x13820] =	vst v63  }
0x153: {  	_ =	swait.ge [sflag:s8], $0x800  }
0x154: {  	[sflag:s8] =	ssyncset.done $0x0  }
0x155: {  	s4 =	simm.s32 $0x1D00;
	[sflag:s8] =	ssyncadd.s32 $0xFFFFF800;
	s8 =	simm.s32 $0xA  }
0x156: {  	[spmem:s2] =	stream.indirect.scatter.add.f32 [tilespmem:s6], [sflag:$0x13], $0x10, s4, s0, $0xb8;
	[tilespmem:$0x13820] =	vst v63  }
0x157: {  	_ =	swait.ge [sflag:s8], $0x800  }
0x158: {  	s7 =	simm.s32 $0x6600;
	[sflag:s8] =	ssyncset.done $0x0  }
0x159: {  	s16 =	simm.s32 $0x1D80;
	s18 =	simm.s32 $0xB;
	[sflag:s8] =	ssyncadd.s32 $0xFFFFF800  }
0x15a: {  	[spmem:s2] =	stream.indirect.scatter.add.f32 [tilespmem:s7], [sflag:$0x14], $0x10, s16, s0, $0xb8;
	[tilespmem:$0x13820] =	vst v63  }
0x15b: {  	_ =	swait.ge [sflag:s18], $0x800  }
0x15c: {  	[sflag:s18] =	ssyncset.done $0x0  }
0x15d: {  	s9 =	simm.s32 $0xC;
	[sflag:s18] =	ssyncadd.s32 $0xFFFFF800  }
0x15e: {  	_ =	swait.ge [sflag:s9], $0x800  }
0x15f: {  	[sflag:s9] =	ssyncset.done $0x0  }
0x160: {  	s13 =	simm.s32 $0xD;
	[sflag:s9] =	ssyncadd.s32 $0xFFFFF800  }
0x161: {  	_ =	swait.ge [sflag:s13], $0x800  }
0x162: {  	[sflag:s13] =	ssyncset.done $0x0  }
0x163: {  	[sflag:s13] =	ssyncadd.s32 $0xFFFFF800  }
0x164: {  	_ =	swait.ge [sflag:s17], $0x800  }
0x165: {  	[sflag:s17] =	ssyncset.done $0x0  }
0x166: {  	s15 =	simm.s32 $0xF;
	[sflag:s17] =	ssyncadd.s32 $0xFFFFF800  }
0x167: {  	_ =	swait.ge [sflag:s15], $0x800  }
0x168: {  	[sflag:s15] =	ssyncset.done $0x0  }
0x169: {  	s5 =	simm.s32 $0x10;
	[sflag:s15] =	ssyncadd.s32 $0xFFFFF800  }
0x16a: {  	_ =	swait.ge [sflag:s5], $0x800  }
0x16b: {  	[sflag:s5] =	ssyncset.done $0x0  }
0x16c: {  	s11 =	simm.s32 $0x11;
	[sflag:s5] =	ssyncadd.s32 $0xFFFFF800  }
0x16d: {  	_ =	swait.ge [sflag:s11], $0x800  }
0x16e: {  	[sflag:s11] =	ssyncset.done $0x0  }
0x16f: {  	s12 =	simm.s32 $0x12;
	[sflag:s11] =	ssyncadd.s32 $0xFFFFF800  }
0x170: {  	_ =	swait.ge [sflag:s12], $0x800  }
0x171: {  	[sflag:s12] =	ssyncset.done $0x0  }
0x172: {  	s23 =	simm.s32 $0x13;
	[sflag:s12] =	ssyncadd.s32 $0xFFFFF800  }
0x173: {  	_ =	swait.ge [sflag:s23], $0x800  }
.Ltmp4:
0x174: {  	[sflag:s23] =	ssyncset.done $0x0;
	(pc) =	sbr.rel @p2 .LBB2_8-.Ltmp4, $4  }
0x175: {  	[sflag:s23] =	ssyncadd.s32 $0xFFFFF800  }
0x176: {  	_ =	swait.ge [sflag:s30], $0x800  }
0x177: {  	s29 =	simm.s32 $0x2;
	s4 =	simm.s32 $0x10;
	[sflag:s30] =	ssyncset.done $0x0  }
0x178: {  	s6 =	simm.s32 $0x1900;
	s9 =	simm.s32 $0xA00;
	[sflag:s30] =	ssyncadd.s32 $0xFFFFF800  }
0x179: {  	s4 =	rddreg [dreg:$0x14]  }
0x17a: {  	s3 =	simm.s32 $0x0;
	s1 =	sadd.s32 s28, s4  }
.Ltmp5:
0x17b: {  	s29 =	rddreg [dreg:$0xe];
	s1 =	sadd.s32 $0x3C0, s1;
	(pc) =	sbr.rel .LBB2_6-.Ltmp5, $4  }
0x17c: {  	[tilespmem:s9], [sflag:$0x17] =	stream.linear.gather [hbm4b:s1+s3], $0x500, $0x38;
	[tilespmem:$0x13820] =	vst v63  }
0x17d: {  	s1 =	sadd.s32 s28, s29  }
0x17e: {  	[tilespmem:s6], [sflag:$0x1A] =	stream.linear.gather [hbm4b:s1+s3], $0x500, $0x38;
	[tilespmem:$0x13820] =	vst v63  }
0x17f: {  	s23 =	simm.s32 $0x0;
	s28 =	sadd.s32 $0x1E0, s28;
	s6 =	smov.u32 s4  }
.LBB2_8:
.Ltmp6:
0x180: {  	(pc) =	sbr.rel @p0 .LBB2_10-.Ltmp6, $2  }
0x181: {  	_ =	sdelay $0x2  }
0x182: {  	s13 =	rddreg [dreg:$0x14]  }
0x183: {  	s23 =	simm.s32 $0x0;
	s1 =	rddreg [dreg:$0xb]  }
0x184: {  	[tilespmem:s23], [sflag:$0x1B] =	stream.linear.gather [hbm4b:s1+s23], $0x80, $0x38;
	[tilespmem:$0x13820] =	vst v63  }
0x185: {  	_ =	swait.ge [sflag:s21], $0x80  }
0x186: {  	[sflag:s21] =	ssyncset.done $0x0  }
0x187: {  	s6 =	simm.s32 $0xF00;
	s17 =	rddreg [dreg:$0xc];
	[sflag:s21] =	ssyncadd.s32 $0xFFFFFF80  }
0x188: {  	[tilespmem:s6], [sflag:$0x1B] =	stream.linear.gather [hbm4b:s17+s23], $0x80, $0x38;
	[tilespmem:$0x13820] =	vst v63  }
0x189: {  	_ =	swait.ge [sflag:s21], $0x80  }
0x18a: {  	[sflag:s21] =	ssyncset.done $0x0  }
0x18b: {  	s18 =	simm.s32 $0x1E00;
	s3 =	simm.s32 $0x1;
	[sflag:s21] =	ssyncadd.s32 $0xFFFFFF80  }
0x18c: {  	[tilespmem:s18], [sflag:$0x1] =	stream.indirect.gather [hbm4b:s10+s0], $0x10, s23, s0, $0xb8;
	[tilespmem:$0x13820] =	vst v63  }
0x18d: {  	_ =	swait.ge [sflag:s3], $0x800  }
0x18e: {  	[sflag:s3] =	ssyncset.done $0x0  }
0x18f: {  	s28 =	simm.s32 $0xB;
	[sflag:s3] =	ssyncadd.s32 $0xFFFFF800  }
0x190: {  	[spmem:s2] =	stream.indirect.scatter.add.f32 [tilespmem:s18], [sflag:$0xB], $0x10, s6, s0, $0xb8;
	[tilespmem:$0x13820] =	vst v63  }
.Ltmp7:
0x191: {  	_ =	swait.ge [sflag:s28], $0x800;
	(pc) =	sbr.rel .LBB2_11-.Ltmp7, $3  }
0x192: {  	[sflag:s28] =	ssyncset.done $0x0  }
0x193: {  	[sflag:s28] =	ssyncadd.s32 $0xFFFFF800  }
0x194: {  	[bflag:$0x0] =	sbarrier.arrive $0xFFFF;
	_ =	sdelay $0x1  }
.LBB2_10:
.Ltmp8:
0x195: {  	(pc) =	sbr.rel @p1 .LBB2_12-.Ltmp8, $3  }
0x196: {  	_ =	sdelay $0x1  }
0x197: {  	[bflag:$0x0] =	sbarrier.arrive $0xFFFF  }
0x198: {  	s23 =	simm.s32 $0x0;
	s3 =	simm.s32 $0x1  }
.LBB2_11:
0x199: {  	s1 =	stileid.u32  }
0x19a: {  	s6 =	sshrl.u32 s14, $0x3;
	s1 =	sshll.u32 s1, $0x6  }
.Ltmp9:
0x19b: {  	s7 =	rddreg [dreg:$0x11];
	s1 =	sor.u32 $0x1C1B, s1;
	(pc) =	sbr.rel .LBB2_13-.Ltmp9, $4  }
0x19c: {  	[hbm:s7@s4], [sflag:s1] =	dma.strided [spmem:s6@s29], $0x1880, s3, $0x2   }
0x19d: {  	_ =	swait.ge [sflag:s21], $0x1880  }
0x19e: {  	[sflag:s21] =	ssyncset.done $0x0  }
0x19f: {  	s6 =	smov.u32 s13;
	s3 =	rddreg [dreg:$0x13];
	[sflag:s21] =	ssyncadd.s32 $0xFFFFE780  }
.LBB2_14:
0x1a0: {  	_ =	sfence.sel $0x180000  }
0x1a1: {  	[bflag:$0x0] =	sbarrier.arrive $0xFFFF  }
0x1a2: {  	_ =	strace $0x90000047  }
0x1a3: {  	s0 =	stileid.u32;
	[bflag:$0x2] =	sbarrier.arrive $0xFFFF  }
0x1a4: {  	p0 =	sne.s32 s0, $0x0;
	s0 =	rddreg [dreg:$0x3]  }
0x1a5: {  	s0 =	sadd.s32 @!p0 $0x100000, s0  }
0x1a6: {  	[sflag:s0] =	ssyncadd.tile.s32 @!p0 $0x1;
	_ =	shalt  }
.Lfunc_end2:
_tile_overlayer_lowered:
.L_overlay_start_2:
0x1a7: {  	(tag) =	ssettag $0x2  }
0x1a8: {  	s0 =	rddreg [dreg:$0x0];
	s2 =	stileid.u32  }
0x1a9: {  	s1 =	rddreg [dreg:$0x1];
	p0 =	sne.s32 s2, $0x0  }
0x1aa: {  	s3 =	rddreg [dreg:$0x2];
	[bflag:$0x3] =	sbarrier.arrive $0xFFFF;
	s2 =	simm.s32 @!p0 $0x1C1B  }
0x1ab: {  	[timem:s3], [sflag:s2] =	dma.local @!p0 [hbm:s0], s1  }
0x1ac: {  	s0 =	simm.s32 @!p0 $0x1B  }
0x1ad: {  	_ =	swait.ge @!p0 [sflag:s0], s1  }
0x1ae: {  	s1 =	ssub.s32 @!p0 $0x0, s1;
	[sflag:s0] =	ssyncset.done @!p0 $0x0  }
0x1af: {  	[sflag:s0] =	ssyncadd.s32 @!p0 s1  }
0x1b0: {  	[bflag:$0x3] =	sbarrier.arrive $0xFFFF  }
0x1b1: {  	_ =	shalt  }

</sc_bundles>
